<compile_context>
chip_gen: v7x
topology: tpu7x:2x2x1
jax: 0.10.2.dev20260603
libtpu: 0.0.44.dev20260713+nightly
codegen_flags: <defaults>
</compile_context>

<pallas_src>
import functools

import jax
import jax.numpy as jnp
from jax import lax
from jax.experimental import pallas as pl
from jax.experimental.pallas import tpu as pltpu
from jax.experimental.pallas import tpu_sc as plsc

_LANES = 16
_BLK = 32


def _grid_prep_body(raw_ref, gl_ref, gr_ref, w_ref, *, n_batch, f_bins):
    x = raw_ref[...]
    inc = jax.nn.softplus(x)
    i_idx = lax.broadcasted_iota(jnp.int32, (f_bins, f_bins), 0)
    j_idx = lax.broadcasted_iota(jnp.int32, (f_bins, f_bins), 1)
    tri = (i_idx < j_idx).astype(jnp.float32)
    cum = jnp.dot(inc, tri, preferred_element_type=jnp.float32)
    col = lax.broadcasted_iota(jnp.int32, (1, f_bins), 1)
    total = jnp.sum(jnp.where(col == f_bins - 1, cum, 0.0))
    total = jnp.maximum(total, 1e-6)
    grid = jnp.clip(cum / total, 0.0, 1.0)
    scaled = jnp.clip(grid * (f_bins - 1), 0.0, f_bins - 1.0)
    left_f = jnp.floor(scaled)
    left = left_f.astype(jnp.int32)
    right = jnp.minimum(left + 1, f_bins - 1)
    w_row = scaled - left_f
    w_ref[...] = jnp.broadcast_to(jnp.transpose(w_row), (f_bins, _LANES))
    row_off = f_bins * lax.broadcasted_iota(jnp.int32, (n_batch, f_bins), 0)
    gl_ref[...] = left + row_off
    gr_ref[...] = right + row_off


def _make_sc_warp(n_batch, f_bins, d_model):
    info = plsc.get_sparse_core_info()
    nc, ns = info.num_cores, info.num_subcores
    assert n_batch == nc * ns, (n_batch, nc, ns)
    assert f_bins % _BLK == 0 and d_model % _LANES == 0
    mesh = plsc.VectorSubcoreMesh(core_axis_name="c", subcore_axis_name="s")

    num_blocks = f_bins // _BLK
    assert num_blocks % 2 == 0

    @functools.partial(
        pl.kernel,
        mesh=mesh,
        out_type=jax.ShapeDtypeStruct((n_batch * f_bins, d_model), jnp.float32),
        scratch_types=[
            pltpu.VMEM((f_bins,), jnp.int32),
            pltpu.VMEM((f_bins,), jnp.int32),
            pltpu.VMEM((_BLK, _LANES), jnp.float32),
            pltpu.VMEM((_BLK, _LANES), jnp.float32),
            pltpu.VMEM((_BLK, d_model), jnp.float32),
            pltpu.VMEM((_BLK, d_model), jnp.float32),
            pltpu.VMEM((_BLK, d_model), jnp.float32),
            pltpu.VMEM((_BLK, d_model), jnp.float32),
            pltpu.VMEM((_BLK, d_model), jnp.float32),
            pltpu.SemaphoreType.DMA,
            pltpu.SemaphoreType.DMA,
        ],
    )
    def sc_warp(x_hbm, gl_hbm, gr_hbm, w_hbm, out_hbm,
                lidx, ridx, wbuf0, wbuf1, lbuf0, lbuf1, rbuf0, rbuf1, obuf,
                gsem0, gsem1):
        n = lax.axis_index("s") * nc + lax.axis_index("c")
        pltpu.sync_copy(gl_hbm.at[n], lidx)
        pltpu.sync_copy(gr_hbm.at[n], ridx)
        base = n * f_bins
        slots = ((wbuf0, lbuf0, rbuf0, gsem0), (wbuf1, lbuf1, rbuf1, gsem1))

        def gather_copies(b, wb, lb, rb, sem):
            off = b * _BLK
            return (
                pltpu.make_async_copy(w_hbm.at[pl.ds(off, _BLK)], wb, sem),
                pltpu.make_async_copy(x_hbm.at[lidx.at[pl.ds(off, _BLK)]],
                                      lb, sem),
                pltpu.make_async_copy(x_hbm.at[ridx.at[pl.ds(off, _BLK)]],
                                      rb, sem),
            )

        def issue(b, wb, lb, rb, sem):
            for c in gather_copies(b, wb, lb, rb, sem):
                c.start()

        issue(0, *slots[0])
        issue(1, *slots[1])

        def outer(t, carry):
            for s, (wb, lb, rb, sem) in enumerate(slots):
                b = 2 * t + s
                off = b * _BLK
                for c in gather_copies(b, wb, lb, rb, sem):
                    c.wait()

                def row_body(i, rcarry):
                    wsplat = wb[i]
                    for j in range(d_model // _LANES):
                        sl = pl.ds(j * _LANES, _LANES)
                        l = lb[i, sl]
                        r = rb[i, sl]
                        obuf[i, sl] = l + wsplat * (r - l)
                    return rcarry

                lax.fori_loop(0, _BLK, row_body, 0)

                @pl.when(t < num_blocks // 2 - 1)
                def _():
                    issue(b + 2, wb, lb, rb, sem)

                pltpu.sync_copy(obuf, out_hbm.at[pl.ds(base + off, _BLK)])
            return carry

        lax.fori_loop(0, num_blocks // 2, outer, 0)

    return sc_warp


def kernel(freq_features, raw_increments):
    orig_ndim = freq_features.ndim
    if orig_ndim == 2:
        freq = freq_features[:, :, None]
    else:
        freq = freq_features
    n_batch, f_bins, d_model = freq.shape

    raw_pad = jnp.concatenate(
        [raw_increments, jnp.zeros((1,), raw_increments.dtype)]
    ).reshape(1, f_bins)
    gl, gr, w = pl.pallas_call(
        functools.partial(_grid_prep_body, n_batch=n_batch, f_bins=f_bins),
        out_shape=[
            jax.ShapeDtypeStruct((n_batch, f_bins), jnp.int32),
            jax.ShapeDtypeStruct((n_batch, f_bins), jnp.int32),
            jax.ShapeDtypeStruct((f_bins, _LANES), jnp.float32),
        ],
    )(raw_pad)

    x_flat = freq.reshape(n_batch * f_bins, d_model)
    sc_warp = _make_sc_warp(n_batch, f_bins, d_model)
    out_flat = sc_warp(x_flat, gl, gr, w)
    out = out_flat.reshape(n_batch, f_bins, d_model)
    if orig_ndim == 2:
        return out[:, :, 0]
    return out

# --- scband reference (transcript-rebuilt; emitter-appended) ---
"""Pipeline reference for scband-adaptive-frequency-warping-57423712747713 (READ-ONLY COPY).

The authoritative reference and input builder live on the scoring server;
editing this copy changes nothing except your own understanding.
"""

import jax, jax.numpy as jnp
import numpy as np
import math

NUM_BINS = 2048
EPS = 1e-06

def setup_inputs(seed: int = 0) -> dict:
    key = jax.random.key(seed)
    k1, = jax.random.split(key, 1)
    init_val = 1.0 / (NUM_BINS - 1)
    inv_sp = math.log(math.exp(init_val) - 1.0)
    raw_increments = jnp.full((NUM_BINS - 1,), inv_sp, dtype=jnp.float32)
    freq_features = jax.random.normal(k1, (32, NUM_BINS, 512), dtype=jnp.float32)
    return {"freq_features": freq_features, "raw_increments": raw_increments}

def reference(freq_features, raw_increments):
    orig_ndim = freq_features.ndim
    if orig_ndim == 2:
        freq = freq_features[:, :, None]
    else:
        freq = freq_features
    N, Fbins, D = freq.shape
    # monotonic normalized grid
    increments = jax.nn.softplus(raw_increments)
    cum = jnp.concatenate([jnp.zeros((1,), dtype=increments.dtype), jnp.cumsum(increments, axis=0)], axis=0)
    total = jnp.maximum(cum[-1], EPS)
    grid = jnp.clip(cum / total, 0.0, 1.0)
    scaled = jnp.clip(grid * (Fbins - 1), 0.0, Fbins - 1.0)
    left_idx = jnp.floor(scaled).astype(jnp.int32)
    right_idx = jnp.minimum(left_idx + 1, Fbins - 1)
    weight = (scaled - left_idx.astype(scaled.dtype))[None, :, None]
    left_vals = jnp.take(freq, left_idx, axis=1)
    right_vals = jnp.take(freq, right_idx, axis=1)
    warped = (1.0 - weight) * left_vals + weight * right_vals
    if orig_ndim == 2:
        return warped[:, :, 0]
    return warped

if __name__ == "__main__":
    import jax
    _d = setup_inputs()
    print(jax.jit(kernel)(*tuple(_d.values())))

</pallas_src>

<mosaic_0001>
#map = affine_map<(d0, d1) -> (0, 0)>
module attributes {stable_mosaic.version = 14 : i64} {
  func.func @sc_warp(%arg0: i32, %arg1: i32, %arg2: memref<65536x512xf32, #tpu.memory_space<hbm>>, %arg3: memref<32x2048xi32, #tpu.memory_space<hbm>>, %arg4: memref<32x2048xi32, #tpu.memory_space<hbm>>, %arg5: memref<2048x16xf32, #tpu.memory_space<hbm>>, %arg6: memref<65536x512xf32, #tpu.memory_space<hbm>>, %arg7: memref<2048xi32, #tpu.memory_space<vmem>>, %arg8: memref<2048xi32, #tpu.memory_space<vmem>>, %arg9: memref<32x16xf32, #tpu.memory_space<vmem>>, %arg10: memref<32x16xf32, #tpu.memory_space<vmem>>, %arg11: memref<32x512xf32, #tpu.memory_space<vmem>>, %arg12: memref<32x512xf32, #tpu.memory_space<vmem>>, %arg13: memref<32x512xf32, #tpu.memory_space<vmem>>, %arg14: memref<32x512xf32, #tpu.memory_space<vmem>>, %arg15: memref<32x512xf32, #tpu.memory_space<vmem>>, %arg16: memref<!tpu.dma_semaphore, #tpu.memory_space<semaphore_mem>>, %arg17: memref<!tpu.dma_semaphore, #tpu.memory_space<semaphore_mem>>) attributes {dimension_semantics = [#tpu.dimension_semantics<core_parallel>, #tpu.dimension_semantics<subcore_parallel>], iteration_bounds = array<i64: 2, 16>, scalar_prefetch = 0 : i64, scratch_operands = 11 : i64, tpu.core_type = #tpu.core_type<sc_vector_subcore>, window_params = [{transform_indices = #map}, {transform_indices = #map}, {transform_indices = #map}, {transform_indices = #map}, {transform_indices = #map}]} {
    %mul3A = arith.constant 2 : i32
    %mul3A_0 = arith.muli %arg1, %mul3A : i32
    %add3A = arith.addi %mul3A_0, %arg0 : i32
    "tpu.region"() ({
      %run_scoped3A = tpu.sem_alloc : memref<!tpu.dma_semaphore, #tpu.memory_space<semaphore_mem>>
      %dma_start3A_39 = arith.constant 0 : i32
      %dma_start3A_40 = tpu.memref_slice %arg3[%add3A, %dma_start3A_39] : memref<32x2048xi32, #tpu.memory_space<hbm>> -> memref<1x2048xi32, #tpu.memory_space<hbm>>
      %dma_start3A_41 = tpu.memref_squeeze %dma_start3A_40 : memref<1x2048xi32, #tpu.memory_space<hbm>> -> memref<2048xi32, #tpu.memory_space<hbm>>
      %dma_start3A_42 = arith.constant 0 : i32
      %dma_start3A_43 = tpu.memref_slice %arg3[%add3A, %dma_start3A_42] : memref<32x2048xi32, #tpu.memory_space<hbm>> -> memref<1x2048xi32, #tpu.memory_space<hbm>>
      %dma_start3A_44 = tpu.memref_squeeze %dma_start3A_43 : memref<1x2048xi32, #tpu.memory_space<hbm>> -> memref<2048xi32, #tpu.memory_space<hbm>>
      tpu.enqueue_dma source(%dma_start3A_44 : memref<2048xi32, #tpu.memory_space<hbm>>) target(%arg7 : memref<2048xi32, #tpu.memory_space<vmem>>) target_semaphore(%run_scoped3A : memref<!tpu.dma_semaphore, #tpu.memory_space<semaphore_mem>>)
      %dma_wait3A = arith.constant 0 : i32
      %dma_wait3A_45 = tpu.memref_slice %arg3[%add3A, %dma_wait3A] : memref<32x2048xi32, #tpu.memory_space<hbm>> -> memref<1x2048xi32, #tpu.memory_space<hbm>>
      %dma_wait3A_46 = tpu.memref_squeeze %dma_wait3A_45 : memref<1x2048xi32, #tpu.memory_space<hbm>> -> memref<2048xi32, #tpu.memory_space<hbm>>
      %dma_wait3A_47 = arith.constant 0 : i32
      %dma_wait3A_48 = tpu.memref_slice %arg3[%add3A, %dma_wait3A_47] : memref<32x2048xi32, #tpu.memory_space<hbm>> -> memref<1x2048xi32, #tpu.memory_space<hbm>>
      %dma_wait3A_49 = tpu.memref_squeeze %dma_wait3A_48 : memref<1x2048xi32, #tpu.memory_space<hbm>> -> memref<2048xi32, #tpu.memory_space<hbm>>
      tpu.wait_dma2 semaphore(%run_scoped3A : memref<!tpu.dma_semaphore, #tpu.memory_space<semaphore_mem>>) src(%dma_wait3A_49 : memref<2048xi32, #tpu.memory_space<hbm>>) dst(%arg7 : memref<2048xi32, #tpu.memory_space<vmem>>)
      tpu.yield
    }) : () -> ()
    "tpu.region"() ({
      %run_scoped3A = tpu.sem_alloc : memref<!tpu.dma_semaphore, #tpu.memory_space<semaphore_mem>>
      %dma_start3A_39 = arith.constant 0 : i32
      %dma_start3A_40 = tpu.memref_slice %arg4[%add3A, %dma_start3A_39] : memref<32x2048xi32, #tpu.memory_space<hbm>> -> memref<1x2048xi32, #tpu.memory_space<hbm>>
      %dma_start3A_41 = tpu.memref_squeeze %dma_start3A_40 : memref<1x2048xi32, #tpu.memory_space<hbm>> -> memref<2048xi32, #tpu.memory_space<hbm>>
      %dma_start3A_42 = arith.constant 0 : i32
      %dma_start3A_43 = tpu.memref_slice %arg4[%add3A, %dma_start3A_42] : memref<32x2048xi32, #tpu.memory_space<hbm>> -> memref<1x2048xi32, #tpu.memory_space<hbm>>
      %dma_start3A_44 = tpu.memref_squeeze %dma_start3A_43 : memref<1x2048xi32, #tpu.memory_space<hbm>> -> memref<2048xi32, #tpu.memory_space<hbm>>
      tpu.enqueue_dma source(%dma_start3A_44 : memref<2048xi32, #tpu.memory_space<hbm>>) target(%arg8 : memref<2048xi32, #tpu.memory_space<vmem>>) target_semaphore(%run_scoped3A : memref<!tpu.dma_semaphore, #tpu.memory_space<semaphore_mem>>)
      %dma_wait3A = arith.constant 0 : i32
      %dma_wait3A_45 = tpu.memref_slice %arg4[%add3A, %dma_wait3A] : memref<32x2048xi32, #tpu.memory_space<hbm>> -> memref<1x2048xi32, #tpu.memory_space<hbm>>
      %dma_wait3A_46 = tpu.memref_squeeze %dma_wait3A_45 : memref<1x2048xi32, #tpu.memory_space<hbm>> -> memref<2048xi32, #tpu.memory_space<hbm>>
      %dma_wait3A_47 = arith.constant 0 : i32
      %dma_wait3A_48 = tpu.memref_slice %arg4[%add3A, %dma_wait3A_47] : memref<32x2048xi32, #tpu.memory_space<hbm>> -> memref<1x2048xi32, #tpu.memory_space<hbm>>
      %dma_wait3A_49 = tpu.memref_squeeze %dma_wait3A_48 : memref<1x2048xi32, #tpu.memory_space<hbm>> -> memref<2048xi32, #tpu.memory_space<hbm>>
      tpu.wait_dma2 semaphore(%run_scoped3A : memref<!tpu.dma_semaphore, #tpu.memory_space<semaphore_mem>>) src(%dma_wait3A_49 : memref<2048xi32, #tpu.memory_space<hbm>>) dst(%arg8 : memref<2048xi32, #tpu.memory_space<vmem>>)
      tpu.yield
    }) : () -> ()
    %mul3A_1 = arith.constant 2048 : i32
    %mul3A_2 = arith.muli %add3A, %mul3A_1 : i32
    %dma_start3A = arith.constant 0 : i32
    %dma_start3A_3 = arith.constant 0 : i32
    %dma_start3A_4 = tpu.memref_slice %arg5[%dma_start3A, %dma_start3A_3] : memref<2048x16xf32, #tpu.memory_space<hbm>> -> memref<32x16xf32, #tpu.memory_space<hbm>>
    %dma_start3A_5 = arith.constant 0 : i32
    %dma_start3A_6 = arith.constant 0 : i32
    %dma_start3A_7 = tpu.memref_slice %arg5[%dma_start3A_5, %dma_start3A_6] : memref<2048x16xf32, #tpu.memory_space<hbm>> -> memref<32x16xf32, #tpu.memory_space<hbm>>
    tpu.enqueue_dma source(%dma_start3A_7 : memref<32x16xf32, #tpu.memory_space<hbm>>) target(%arg9 : memref<32x16xf32, #tpu.memory_space<vmem>>) target_semaphore(%arg16 : memref<!tpu.dma_semaphore, #tpu.memory_space<semaphore_mem>>)
    %dma_start3A_8 = arith.constant 0 : i32
    %dma_start3A_9 = tpu.memref_slice %arg7[%dma_start3A_8] : memref<2048xi32, #tpu.memory_space<vmem>> -> memref<32xi32, #tpu.memory_space<vmem>>
    %dma_start3A_10 = arith.constant 0 : i32
    %dma_start3A_11 = arith.constant 0 : i32
    %dma_start3A_12 = tpu.memref_slice %arg2[%dma_start3A_10, %dma_start3A_11] : memref<65536x512xf32, #tpu.memory_space<hbm>> -> memref<65536x512xf32, #tpu.memory_space<hbm>>
    tpu.enqueue_indirect_dma source(%dma_start3A_12 : memref<65536x512xf32, #tpu.memory_space<hbm>>) target(%arg11 : memref<32x512xf32, #tpu.memory_space<vmem>>) offsets(%dma_start3A_9 : memref<32xi32, #tpu.memory_space<vmem>>) semaphore(%arg16 : memref<!tpu.dma_semaphore, #tpu.memory_space<semaphore_mem>>)
    %dma_start3A_13 = arith.constant 0 : i32
    %dma_start3A_14 = tpu.memref_slice %arg8[%dma_start3A_13] : memref<2048xi32, #tpu.memory_space<vmem>> -> memref<32xi32, #tpu.memory_space<vmem>>
    %dma_start3A_15 = arith.constant 0 : i32
    %dma_start3A_16 = arith.constant 0 : i32
    %dma_start3A_17 = tpu.memref_slice %arg2[%dma_start3A_15, %dma_start3A_16] : memref<65536x512xf32, #tpu.memory_space<hbm>> -> memref<65536x512xf32, #tpu.memory_space<hbm>>
    tpu.enqueue_indirect_dma source(%dma_start3A_17 : memref<65536x512xf32, #tpu.memory_space<hbm>>) target(%arg13 : memref<32x512xf32, #tpu.memory_space<vmem>>) offsets(%dma_start3A_14 : memref<32xi32, #tpu.memory_space<vmem>>) semaphore(%arg16 : memref<!tpu.dma_semaphore, #tpu.memory_space<semaphore_mem>>)
    %dma_start3A_18 = arith.constant 32 : i32
    %dma_start3A_19 = arith.constant 0 : i32
    %dma_start3A_20 = tpu.memref_slice %arg5[%dma_start3A_18, %dma_start3A_19] : memref<2048x16xf32, #tpu.memory_space<hbm>> -> memref<32x16xf32, #tpu.memory_space<hbm>>
    %dma_start3A_21 = arith.constant 32 : i32
    %dma_start3A_22 = arith.constant 0 : i32
    %dma_start3A_23 = tpu.memref_slice %arg5[%dma_start3A_21, %dma_start3A_22] : memref<2048x16xf32, #tpu.memory_space<hbm>> -> memref<32x16xf32, #tpu.memory_space<hbm>>
    tpu.enqueue_dma source(%dma_start3A_23 : memref<32x16xf32, #tpu.memory_space<hbm>>) target(%arg10 : memref<32x16xf32, #tpu.memory_space<vmem>>) target_semaphore(%arg17 : memref<!tpu.dma_semaphore, #tpu.memory_space<semaphore_mem>>)
    %dma_start3A_24 = arith.constant 32 : i32
    %dma_start3A_25 = tpu.memref_slice %arg7[%dma_start3A_24] : memref<2048xi32, #tpu.memory_space<vmem>> -> memref<32xi32, #tpu.memory_space<vmem>>
    %dma_start3A_26 = arith.constant 0 : i32
    %dma_start3A_27 = arith.constant 0 : i32
    %dma_start3A_28 = tpu.memref_slice %arg2[%dma_start3A_26, %dma_start3A_27] : memref<65536x512xf32, #tpu.memory_space<hbm>> -> memref<65536x512xf32, #tpu.memory_space<hbm>>
    tpu.enqueue_indirect_dma source(%dma_start3A_28 : memref<65536x512xf32, #tpu.memory_space<hbm>>) target(%arg12 : memref<32x512xf32, #tpu.memory_space<vmem>>) offsets(%dma_start3A_25 : memref<32xi32, #tpu.memory_space<vmem>>) semaphore(%arg17 : memref<!tpu.dma_semaphore, #tpu.memory_space<semaphore_mem>>)
    %dma_start3A_29 = arith.constant 32 : i32
    %dma_start3A_30 = tpu.memref_slice %arg8[%dma_start3A_29] : memref<2048xi32, #tpu.memory_space<vmem>> -> memref<32xi32, #tpu.memory_space<vmem>>
    %dma_start3A_31 = arith.constant 0 : i32
    %dma_start3A_32 = arith.constant 0 : i32
    %dma_start3A_33 = tpu.memref_slice %arg2[%dma_start3A_31, %dma_start3A_32] : memref<65536x512xf32, #tpu.memory_space<hbm>> -> memref<65536x512xf32, #tpu.memory_space<hbm>>
    tpu.enqueue_indirect_dma source(%dma_start3A_33 : memref<65536x512xf32, #tpu.memory_space<hbm>>) target(%arg14 : memref<32x512xf32, #tpu.memory_space<vmem>>) offsets(%dma_start3A_30 : memref<32xi32, #tpu.memory_space<vmem>>) semaphore(%arg17 : memref<!tpu.dma_semaphore, #tpu.memory_space<semaphore_mem>>)
    %scan3A = arith.constant 0 : i32
    %scan3A_34 = arith.constant 0 : i32
    %scan3A_35 = arith.constant 32 : i32
    %scan3A_36 = arith.addi %scan3A_34, %scan3A_35 : i32
    %scan3A_37 = arith.constant 1 : i32
    scf.for %scan3A_39 = %scan3A_34 to %scan3A_36 step %scan3A_37  : i32 {
      %mul3A_40 = arith.constant 2 : i32
      %mul3A_41 = arith.muli %mul3A_40, %scan3A_39 : i32
      %add3A_42 = arith.constant 0 : i32
      %add3A_43 = arith.addi %mul3A_41, %add3A_42 : i32
      %mul3A_44 = arith.constant 32 : i32
      %mul3A_45 = arith.muli %add3A_43, %mul3A_44 : i32
      %mul3A_46 = arith.constant 32 : i32
      %mul3A_47 = arith.muli %add3A_43, %mul3A_46 : i32
      %dma_wait3A = arith.constant 0 : i32
      %dma_wait3A_48 = tpu.memref_slice %arg5[%mul3A_47, %dma_wait3A] : memref<2048x16xf32, #tpu.memory_space<hbm>> -> memref<32x16xf32, #tpu.memory_space<hbm>>
      %dma_wait3A_49 = arith.constant 0 : i32
      %dma_wait3A_50 = tpu.memref_slice %arg5[%mul3A_47, %dma_wait3A_49] : memref<2048x16xf32, #tpu.memory_space<hbm>> -> memref<32x16xf32, #tpu.memory_space<hbm>>
      tpu.wait_dma2 semaphore(%arg16 : memref<!tpu.dma_semaphore, #tpu.memory_space<semaphore_mem>>) src(%dma_wait3A_50 : memref<32x16xf32, #tpu.memory_space<hbm>>) dst(%arg9 : memref<32x16xf32, #tpu.memory_space<vmem>>)
      %dma_wait3A_51 = tpu.memref_slice %arg7[%mul3A_47] : memref<2048xi32, #tpu.memory_space<vmem>> -> memref<32xi32, #tpu.memory_space<vmem>>
      %dma_wait3A_52 = arith.constant 0 : i32
      %dma_wait3A_53 = arith.constant 0 : i32
      %dma_wait3A_54 = tpu.memref_slice %arg2[%dma_wait3A_52, %dma_wait3A_53] : memref<65536x512xf32, #tpu.memory_space<hbm>> -> memref<65536x512xf32, #tpu.memory_space<hbm>>
      tpu.wait_indirect_dma semaphore(%arg16 : memref<!tpu.dma_semaphore, #tpu.memory_space<semaphore_mem>>) src(%dma_wait3A_54 : memref<65536x512xf32, #tpu.memory_space<hbm>>) dst(%arg11 : memref<32x512xf32, #tpu.memory_space<vmem>>)
      %dma_wait3A_55 = tpu.memref_slice %arg8[%mul3A_47] : memref<2048xi32, #tpu.memory_space<vmem>> -> memref<32xi32, #tpu.memory_space<vmem>>
      %dma_wait3A_56 = arith.constant 0 : i32
      %dma_wait3A_57 = arith.constant 0 : i32
      %dma_wait3A_58 = tpu.memref_slice %arg2[%dma_wait3A_56, %dma_wait3A_57] : memref<65536x512xf32, #tpu.memory_space<hbm>> -> memref<65536x512xf32, #tpu.memory_space<hbm>>
      tpu.wait_indirect_dma semaphore(%arg16 : memref<!tpu.dma_semaphore, #tpu.memory_space<semaphore_mem>>) src(%dma_wait3A_58 : memref<65536x512xf32, #tpu.memory_space<hbm>>) dst(%arg13 : memref<32x512xf32, #tpu.memory_space<vmem>>)
      %scan3A_59 = arith.constant 0 : i32
      %scan3A_60 = arith.constant 0 : i32
      %scan3A_61 = arith.constant 32 : i32
      %scan3A_62 = arith.addi %scan3A_60, %scan3A_61 : i32
      %scan3A_63 = arith.constant 1 : i32
      scf.for %scan3A_100 = %scan3A_60 to %scan3A_62 step %scan3A_63  : i32 {
        %get3A = arith.index_cast %scan3A_100 : i32 to index
        %get3A_101 = arith.constant 0 : index
        %get3A_102 = tpu.vector_load %arg9[%get3A, %get3A_101] {strides = array<i32>} : memref<32x16xf32, #tpu.memory_space<vmem>>, vector<1x16xf32>,
        %get3A_103 = vector.shape_cast %get3A_102 : vector<1x16xf32> to vector<16xf32>
        %get3A_104 = arith.index_cast %scan3A_100 : i32 to index
        %get3A_105 = arith.constant 0 : index
        %get3A_106 = tpu.vector_load %arg11[%get3A_104, %get3A_105] {strides = array<i32>} : memref<32x512xf32, #tpu.memory_space<vmem>>, vector<1x16xf32>,
        %get3A_107 = vector.shape_cast %get3A_106 : vector<1x16xf32> to vector<16xf32>
        %get3A_108 = arith.index_cast %scan3A_100 : i32 to index
        %get3A_109 = arith.constant 0 : index
        %get3A_110 = tpu.vector_load %arg13[%get3A_108, %get3A_109] {strides = array<i32>} : memref<32x512xf32, #tpu.memory_space<vmem>>, vector<1x16xf32>,
        %get3A_111 = vector.shape_cast %get3A_110 : vector<1x16xf32> to vector<16xf32>
        %sub3A = arith.subf %get3A_111, %get3A_107 : vector<16xf32>
        %mul3A_112 = arith.mulf %get3A_103, %sub3A : vector<16xf32>
        %add3A_113 = arith.addf %get3A_107, %mul3A_112 : vector<16xf32>
        %swap3A = arith.index_cast %scan3A_100 : i32 to index
        %swap3A_114 = arith.constant 0 : index
        %swap3A_115 = tpu.vector_load %arg15[%swap3A, %swap3A_114] {strides = array<i32>} : memref<32x512xf32, #tpu.memory_space<vmem>>, vector<1x16xf32>,
        %swap3A_116 = vector.shape_cast %swap3A_115 : vector<1x16xf32> to vector<16xf32>
        %swap3A_117 = vector.shape_cast %add3A_113 : vector<16xf32> to vector<1x16xf32>
        tpu.vector_store %arg15[%swap3A, %swap3A_114], %swap3A_117 {strides = array<i32>} : memref<32x512xf32, #tpu.memory_space<vmem>>, vector<1x16xf32>,
        %get3A_118 = arith.index_cast %scan3A_100 : i32 to index
        %get3A_119 = arith.constant 16 : index
        %get3A_120 = tpu.vector_load %arg11[%get3A_118, %get3A_119] {strides = array<i32>} : memref<32x512xf32, #tpu.memory_space<vmem>>, vector<1x16xf32>,
        %get3A_121 = vector.shape_cast %get3A_120 : vector<1x16xf32> to vector<16xf32>
        %get3A_122 = arith.index_cast %scan3A_100 : i32 to index
        %get3A_123 = arith.constant 16 : index
        %get3A_124 = tpu.vector_load %arg13[%get3A_122, %get3A_123] {strides = array<i32>} : memref<32x512xf32, #tpu.memory_space<vmem>>, vector<1x16xf32>,
        %get3A_125 = vector.shape_cast %get3A_124 : vector<1x16xf32> to vector<16xf32>
        %sub3A_126 = arith.subf %get3A_125, %get3A_121 : vector<16xf32>
        %mul3A_127 = arith.mulf %get3A_103, %sub3A_126 : vector<16xf32>
        %add3A_128 = arith.addf %get3A_121, %mul3A_127 : vector<16xf32>
        %swap3A_129 = arith.index_cast %scan3A_100 : i32 to index
        %swap3A_130 = arith.constant 16 : index
        %swap3A_131 = tpu.vector_load %arg15[%swap3A_129, %swap3A_130] {strides = array<i32>} : memref<32x512xf32, #tpu.memory_space<vmem>>, vector<1x16xf32>,
        %swap3A_132 = vector.shape_cast %swap3A_131 : vector<1x16xf32> to vector<16xf32>
        %swap3A_133 = vector.shape_cast %add3A_128 : vector<16xf32> to vector<1x16xf32>
        tpu.vector_store %arg15[%swap3A_129, %swap3A_130], %swap3A_133 {strides = array<i32>} : memref<32x512xf32, #tpu.memory_space<vmem>>, vector<1x16xf32>,
        %get3A_134 = arith.index_cast %scan3A_100 : i32 to index
        %get3A_135 = arith.constant 32 : index
        %get3A_136 = tpu.vector_load %arg11[%get3A_134, %get3A_135] {strides = array<i32>} : memref<32x512xf32, #tpu.memory_space<vmem>>, vector<1x16xf32>,
        %get3A_137 = vector.shape_cast %get3A_136 : vector<1x16xf32> to vector<16xf32>
        %get3A_138 = arith.index_cast %scan3A_100 : i32 to index
        %get3A_139 = arith.constant 32 : index
        %get3A_140 = tpu.vector_load %arg13[%get3A_138, %get3A_139] {strides = array<i32>} : memref<32x512xf32, #tpu.memory_space<vmem>>, vector<1x16xf32>,
        %get3A_141 = vector.shape_cast %get3A_140 : vector<1x16xf32> to vector<16xf32>
        %sub3A_142 = arith.subf %get3A_141, %get3A_137 : vector<16xf32>
        %mul3A_143 = arith.mulf %get3A_103, %sub3A_142 : vector<16xf32>
        %add3A_144 = arith.addf %get3A_137, %mul3A_143 : vector<16xf32>
        %swap3A_145 = arith.index_cast %scan3A_100 : i32 to index
        %swap3A_146 = arith.constant 32 : index
        %swap3A_147 = tpu.vector_load %arg15[%swap3A_145, %swap3A_146] {strides = array<i32>} : memref<32x512xf32, #tpu.memory_space<vmem>>, vector<1x16xf32>,
        %swap3A_148 = vector.shape_cast %swap3A_147 : vector<1x16xf32> to vector<16xf32>
        %swap3A_149 = vector.shape_cast %add3A_144 : vector<16xf32> to vector<1x16xf32>
        tpu.vector_store %arg15[%swap3A_145, %swap3A_146], %swap3A_149 {strides = array<i32>} : memref<32x512xf32, #tpu.memory_space<vmem>>, vector<1x16xf32>,
        %get3A_150 = arith.index_cast %scan3A_100 : i32 to index
        %get3A_151 = arith.constant 48 : index
        %get3A_152 = tpu.vector_load %arg11[%get3A_150, %get3A_151] {strides = array<i32>} : memref<32x512xf32, #tpu.memory_space<vmem>>, vector<1x16xf32>,
        %get3A_153 = vector.shape_cast %get3A_152 : vector<1x16xf32> to vector<16xf32>
        %get3A_154 = arith.index_cast %scan3A_100 : i32 to index
        %get3A_155 = arith.constant 48 : index
        %get3A_156 = tpu.vector_load %arg13[%get3A_154, %get3A_155] {strides = array<i32>} : memref<32x512xf32, #tpu.memory_space<vmem>>, vector<1x16xf32>,
        %get3A_157 = vector.shape_cast %get3A_156 : vector<1x16xf32> to vector<16xf32>
        %sub3A_158 = arith.subf %get3A_157, %get3A_153 : vector<16xf32>
        %mul3A_159 = arith.mulf %get3A_103, %sub3A_158 : vector<16xf32>
        %add3A_160 = arith.addf %get3A_153, %mul3A_159 : vector<16xf32>
        %swap3A_161 = arith.index_cast %scan3A_100 : i32 to index
        %swap3A_162 = arith.constant 48 : index
        %swap3A_163 = tpu.vector_load %arg15[%swap3A_161, %swap3A_162] {strides = array<i32>} : memref<32x512xf32, #tpu.memory_space<vmem>>, vector<1x16xf32>,
        %swap3A_164 = vector.shape_cast %swap3A_163 : vector<1x16xf32> to vector<16xf32>
        %swap3A_165 = vector.shape_cast %add3A_160 : vector<16xf32> to vector<1x16xf32>
        tpu.vector_store %arg15[%swap3A_161, %swap3A_162], %swap3A_165 {strides = array<i32>} : memref<32x512xf32, #tpu.memory_space<vmem>>, vector<1x16xf32>,
        %get3A_166 = arith.index_cast %scan3A_100 : i32 to index
        %get3A_167 = arith.constant 64 : index
        %get3A_168 = tpu.vector_load %arg11[%get3A_166, %get3A_167] {strides = array<i32>} : memref<32x512xf32, #tpu.memory_space<vmem>>, vector<1x16xf32>,
        %get3A_169 = vector.shape_cast %get3A_168 : vector<1x16xf32> to vector<16xf32>
        %get3A_170 = arith.index_cast %scan3A_100 : i32 to index
        %get3A_171 = arith.constant 64 : index
        %get3A_172 = tpu.vector_load %arg13[%get3A_170, %get3A_171] {strides = array<i32>} : memref<32x512xf32, #tpu.memory_space<vmem>>, vector<1x16xf32>,
        %get3A_173 = vector.shape_cast %get3A_172 : vector<1x16xf32> to vector<16xf32>
        %sub3A_174 = arith.subf %get3A_173, %get3A_169 : vector<16xf32>
        %mul3A_175 = arith.mulf %get3A_103, %sub3A_174 : vector<16xf32>
        %add3A_176 = arith.addf %get3A_169, %mul3A_175 : vector<16xf32>
        %swap3A_177 = arith.index_cast %scan3A_100 : i32 to index
        %swap3A_178 = arith.constant 64 : index
        %swap3A_179 = tpu.vector_load %arg15[%swap3A_177, %swap3A_178] {strides = array<i32>} : memref<32x512xf32, #tpu.memory_space<vmem>>, vector<1x16xf32>,
        %swap3A_180 = vector.shape_cast %swap3A_179 : vector<1x16xf32> to vector<16xf32>
        %swap3A_181 = vector.shape_cast %add3A_176 : vector<16xf32> to vector<1x16xf32>
        tpu.vector_store %arg15[%swap3A_177, %swap3A_178], %swap3A_181 {strides = array<i32>} : memref<32x512xf32, #tpu.memory_space<vmem>>, vector<1x16xf32>,
        %get3A_182 = arith.index_cast %scan3A_100 : i32 to index
        %get3A_183 = arith.constant 80 : index
        %get3A_184 = tpu.vector_load %arg11[%get3A_182, %get3A_183] {strides = array<i32>} : memref<32x512xf32, #tpu.memory_space<vmem>>, vector<1x16xf32>,
        %get3A_185 = vector.shape_cast %get3A_184 : vector<1x16xf32> to vector<16xf32>
        %get3A_186 = arith.index_cast %scan3A_100 : i32 to index
        %get3A_187 = arith.constant 80 : index
        %get3A_188 = tpu.vector_load %arg13[%get3A_186, %get3A_187] {strides = array<i32>} : memref<32x512xf32, #tpu.memory_space<vmem>>, vector<1x16xf32>,
        %get3A_189 = vector.shape_cast %get3A_188 : vector<1x16xf32> to vector<16xf32>
        %sub3A_190 = arith.subf %get3A_189, %get3A_185 : vector<16xf32>
        %mul3A_191 = arith.mulf %get3A_103, %sub3A_190 : vector<16xf32>
        %add3A_192 = arith.addf %get3A_185, %mul3A_191 : vector<16xf32>
        %swap3A_193 = arith.index_cast %scan3A_100 : i32 to index
        %swap3A_194 = arith.constant 80 : index
        %swap3A_195 = tpu.vector_load %arg15[%swap3A_193, %swap3A_194] {strides = array<i32>} : memref<32x512xf32, #tpu.memory_space<vmem>>, vector<1x16xf32>,
        %swap3A_196 = vector.shape_cast %swap3A_195 : vector<1x16xf32> to vector<16xf32>
        %swap3A_197 = vector.shape_cast %add3A_192 : vector<16xf32> to vector<1x16xf32>
        tpu.vector_store %arg15[%swap3A_193, %swap3A_194], %swap3A_197 {strides = array<i32>} : memref<32x512xf32, #tpu.memory_space<vmem>>, vector<1x16xf32>,
        %get3A_198 = arith.index_cast %scan3A_100 : i32 to index
        %get3A_199 = arith.constant 96 : index
        %get3A_200 = tpu.vector_load %arg11[%get3A_198, %get3A_199] {strides = array<i32>} : memref<32x512xf32, #tpu.memory_space<vmem>>, vector<1x16xf32>,
        %get3A_201 = vector.shape_cast %get3A_200 : vector<1x16xf32> to vector<16xf32>
        %get3A_202 = arith.index_cast %scan3A_100 : i32 to index
        %get3A_203 = arith.constant 96 : index
        %get3A_204 = tpu.vector_load %arg13[%get3A_202, %get3A_203] {strides = array<i32>} : memref<32x512xf32, #tpu.memory_space<vmem>>, vector<1x16xf32>,
        %get3A_205 = vector.shape_cast %get3A_204 : vector<1x16xf32> to vector<16xf32>
        %sub3A_206 = arith.subf %get3A_205, %get3A_201 : vector<16xf32>
        %mul3A_207 = arith.mulf %get3A_103, %sub3A_206 : vector<16xf32>
        %add3A_208 = arith.addf %get3A_201, %mul3A_207 : vector<16xf32>
        %swap3A_209 = arith.index_cast %scan3A_100 : i32 to index
        %swap3A_210 = arith.constant 96 : index
        %swap3A_211 = tpu.vector_load %arg15[%swap3A_209, %swap3A_210] {strides = array<i32>} : memref<32x512xf32, #tpu.memory_space<vmem>>, vector<1x16xf32>,
        %swap3A_212 = vector.shape_cast %swap3A_211 : vector<1x16xf32> to vector<16xf32>
        %swap3A_213 = vector.shape_cast %add3A_208 : vector<16xf32> to vector<1x16xf32>
        tpu.vector_store %arg15[%swap3A_209, %swap3A_210], %swap3A_213 {strides = array<i32>} : memref<32x512xf32, #tpu.memory_space<vmem>>, vector<1x16xf32>,
        %get3A_214 = arith.index_cast %scan3A_100 : i32 to index
        %get3A_215 = arith.constant 112 : index
        %get3A_216 = tpu.vector_load %arg11[%get3A_214, %get3A_215] {strides = array<i32>} : memref<32x512xf32, #tpu.memory_space<vmem>>, vector<1x16xf32>,
        %get3A_217 = vector.shape_cast %get3A_216 : vector<1x16xf32> to vector<16xf32>
        %get3A_218 = arith.index_cast %scan3A_100 : i32 to index
        %get3A_219 = arith.constant 112 : index
        %get3A_220 = tpu.vector_load %arg13[%get3A_218, %get3A_219] {strides = array<i32>} : memref<32x512xf32, #tpu.memory_space<vmem>>, vector<1x16xf32>,
        %get3A_221 = vector.shape_cast %get3A_220 : vector<1x16xf32> to vector<16xf32>
        %sub3A_222 = arith.subf %get3A_221, %get3A_217 : vector<16xf32>
        %mul3A_223 = arith.mulf %get3A_103, %sub3A_222 : vector<16xf32>
        %add3A_224 = arith.addf %get3A_217, %mul3A_223 : vector<16xf32>
        %swap3A_225 = arith.index_cast %scan3A_100 : i32 to index
        %swap3A_226 = arith.constant 112 : index
        %swap3A_227 = tpu.vector_load %arg15[%swap3A_225, %swap3A_226] {strides = array<i32>} : memref<32x512xf32, #tpu.memory_space<vmem>>, vector<1x16xf32>,
        %swap3A_228 = vector.shape_cast %swap3A_227 : vector<1x16xf32> to vector<16xf32>
        %swap3A_229 = vector.shape_cast %add3A_224 : vector<16xf32> to vector<1x16xf32>
        tpu.vector_store %arg15[%swap3A_225, %swap3A_226], %swap3A_229 {strides = array<i32>} : memref<32x512xf32, #tpu.memory_space<vmem>>, vector<1x16xf32>,
        %get3A_230 = arith.index_cast %scan3A_100 : i32 to index
        %get3A_231 = arith.constant 128 : index
        %get3A_232 = tpu.vector_load %arg11[%get3A_230, %get3A_231] {strides = array<i32>} : memref<32x512xf32, #tpu.memory_space<vmem>>, vector<1x16xf32>,
        %get3A_233 = vector.shape_cast %get3A_232 : vector<1x16xf32> to vector<16xf32>
        %get3A_234 = arith.index_cast %scan3A_100 : i32 to index
        %get3A_235 = arith.constant 128 : index
        %get3A_236 = tpu.vector_load %arg13[%get3A_234, %get3A_235] {strides = array<i32>} : memref<32x512xf32, #tpu.memory_space<vmem>>, vector<1x16xf32>,
        %get3A_237 = vector.shape_cast %get3A_236 : vector<1x16xf32> to vector<16xf32>
        %sub3A_238 = arith.subf %get3A_237, %get3A_233 : vector<16xf32>
        %mul3A_239 = arith.mulf %get3A_103, %sub3A_238 : vector<16xf32>
        %add3A_240 = arith.addf %get3A_233, %mul3A_239 : vector<16xf32>
        %swap3A_241 = arith.index_cast %scan3A_100 : i32 to index
        %swap3A_242 = arith.constant 128 : index
        %swap3A_243 = tpu.vector_load %arg15[%swap3A_241, %swap3A_242] {strides = array<i32>} : memref<32x512xf32, #tpu.memory_space<vmem>>, vector<1x16xf32>,
        %swap3A_244 = vector.shape_cast %swap3A_243 : vector<1x16xf32> to vector<16xf32>
        %swap3A_245 = vector.shape_cast %add3A_240 : vector<16xf32> to vector<1x16xf32>
        tpu.vector_store %arg15[%swap3A_241, %swap3A_242], %swap3A_245 {strides = array<i32>} : memref<32x512xf32, #tpu.memory_space<vmem>>, vector<1x16xf32>,
        %get3A_246 = arith.index_cast %scan3A_100 : i32 to index
        %get3A_247 = arith.constant 144 : index
        %get3A_248 = tpu.vector_load %arg11[%get3A_246, %get3A_247] {strides = array<i32>} : memref<32x512xf32, #tpu.memory_space<vmem>>, vector<1x16xf32>,
        %get3A_249 = vector.shape_cast %get3A_248 : vector<1x16xf32> to vector<16xf32>
        %get3A_250 = arith.index_cast %scan3A_100 : i32 to index
        %get3A_251 = arith.constant 144 : index
        %get3A_252 = tpu.vector_load %arg13[%get3A_250, %get3A_251] {strides = array<i32>} : memref<32x512xf32, #tpu.memory_space<vmem>>, vector<1x16xf32>,
        %get3A_253 = vector.shape_cast %get3A_252 : vector<1x16xf32> to vector<16xf32>
        %sub3A_254 = arith.subf %get3A_253, %get3A_249 : vector<16xf32>
        %mul3A_255 = arith.mulf %get3A_103, %sub3A_254 : vector<16xf32>
        %add3A_256 = arith.addf %get3A_249, %mul3A_255 : vector<16xf32>
        %swap3A_257 = arith.index_cast %scan3A_100 : i32 to index
        %swap3A_258 = arith.constant 144 : index
        %swap3A_259 = tpu.vector_load %arg15[%swap3A_257, %swap3A_258] {strides = array<i32>} : memref<32x512xf32, #tpu.memory_space<vmem>>, vector<1x16xf32>,
        %swap3A_260 = vector.shape_cast %swap3A_259 : vector<1x16xf32> to vector<16xf32>
        %swap3A_261 = vector.shape_cast %add3A_256 : vector<16xf32> to vector<1x16xf32>
        tpu.vector_store %arg15[%swap3A_257, %swap3A_258], %swap3A_261 {strides = array<i32>} : memref<32x512xf32, #tpu.memory_space<vmem>>, vector<1x16xf32>,
        %get3A_262 = arith.index_cast %scan3A_100 : i32 to index
        %get3A_263 = arith.constant 160 : index
        %get3A_264 = tpu.vector_load %arg11[%get3A_262, %get3A_263] {strides = array<i32>} : memref<32x512xf32, #tpu.memory_space<vmem>>, vector<1x16xf32>,
        %get3A_265 = vector.shape_cast %get3A_264 : vector<1x16xf32> to vector<16xf32>
        %get3A_266 = arith.index_cast %scan3A_100 : i32 to index
        %get3A_267 = arith.constant 160 : index
        %get3A_268 = tpu.vector_load %arg13[%get3A_266, %get3A_267] {strides = array<i32>} : memref<32x512xf32, #tpu.memory_space<vmem>>, vector<1x16xf32>,
        %get3A_269 = vector.shape_cast %get3A_268 : vector<1x16xf32> to vector<16xf32>
        %sub3A_270 = arith.subf %get3A_269, %get3A_265 : vector<16xf32>
        %mul3A_271 = arith.mulf %get3A_103, %sub3A_270 : vector<16xf32>
        %add3A_272 = arith.addf %get3A_265, %mul3A_271 : vector<16xf32>
        %swap3A_273 = arith.index_cast %scan3A_100 : i32 to index
        %swap3A_274 = arith.constant 160 : index
        %swap3A_275 = tpu.vector_load %arg15[%swap3A_273, %swap3A_274] {strides = array<i32>} : memref<32x512xf32, #tpu.memory_space<vmem>>, vector<1x16xf32>,
        %swap3A_276 = vector.shape_cast %swap3A_275 : vector<1x16xf32> to vector<16xf32>
        %swap3A_277 = vector.shape_cast %add3A_272 : vector<16xf32> to vector<1x16xf32>
        tpu.vector_store %arg15[%swap3A_273, %swap3A_274], %swap3A_277 {strides = array<i32>} : memref<32x512xf32, #tpu.memory_space<vmem>>, vector<1x16xf32>,
        %get3A_278 = arith.index_cast %scan3A_100 : i32 to index
        %get3A_279 = arith.constant 176 : index
        %get3A_280 = tpu.vector_load %arg11[%get3A_278, %get3A_279] {strides = array<i32>} : memref<32x512xf32, #tpu.memory_space<vmem>>, vector<1x16xf32>,
        %get3A_281 = vector.shape_cast %get3A_280 : vector<1x16xf32> to vector<16xf32>
        %get3A_282 = arith.index_cast %scan3A_100 : i32 to index
        %get3A_283 = arith.constant 176 : index
        %get3A_284 = tpu.vector_load %arg13[%get3A_282, %get3A_283] {strides = array<i32>} : memref<32x512xf32, #tpu.memory_space<vmem>>, vector<1x16xf32>,
        %get3A_285 = vector.shape_cast %get3A_284 : vector<1x16xf32> to vector<16xf32>
        %sub3A_286 = arith.subf %get3A_285, %get3A_281 : vector<16xf32>
        %mul3A_287 = arith.mulf %get3A_103, %sub3A_286 : vector<16xf32>
        %add3A_288 = arith.addf %get3A_281, %mul3A_287 : vector<16xf32>
        %swap3A_289 = arith.index_cast %scan3A_100 : i32 to index
        %swap3A_290 = arith.constant 176 : index
        %swap3A_291 = tpu.vector_load %arg15[%swap3A_289, %swap3A_290] {strides = array<i32>} : memref<32x512xf32, #tpu.memory_space<vmem>>, vector<1x16xf32>,
        %swap3A_292 = vector.shape_cast %swap3A_291 : vector<1x16xf32> to vector<16xf32>
        %swap3A_293 = vector.shape_cast %add3A_288 : vector<16xf32> to vector<1x16xf32>
        tpu.vector_store %arg15[%swap3A_289, %swap3A_290], %swap3A_293 {strides = array<i32>} : memref<32x512xf32, #tpu.memory_space<vmem>>, vector<1x16xf32>,
        %get3A_294 = arith.index_cast %scan3A_100 : i32 to index
        %get3A_295 = arith.constant 192 : index
        %get3A_296 = tpu.vector_load %arg11[%get3A_294, %get3A_295] {strides = array<i32>} : memref<32x512xf32, #tpu.memory_space<vmem>>, vector<1x16xf32>,
        %get3A_297 = vector.shape_cast %get3A_296 : vector<1x16xf32> to vector<16xf32>
        %get3A_298 = arith.index_cast %scan3A_100 : i32 to index
        %get3A_299 = arith.constant 192 : index
        %get3A_300 = tpu.vector_load %arg13[%get3A_298, %get3A_299] {strides = array<i32>} : memref<32x512xf32, #tpu.memory_space<vmem>>, vector<1x16xf32>,
        %get3A_301 = vector.shape_cast %get3A_300 : vector<1x16xf32> to vector<16xf32>
        %sub3A_302 = arith.subf %get3A_301, %get3A_297 : vector<16xf32>
        %mul3A_303 = arith.mulf %get3A_103, %sub3A_302 : vector<16xf32>
        %add3A_304 = arith.addf %get3A_297, %mul3A_303 : vector<16xf32>
        %swap3A_305 = arith.index_cast %scan3A_100 : i32 to index
        %swap3A_306 = arith.constant 192 : index
        %swap3A_307 = tpu.vector_load %arg15[%swap3A_305, %swap3A_306] {strides = array<i32>} : memref<32x512xf32, #tpu.memory_space<vmem>>, vector<1x16xf32>,
        %swap3A_308 = vector.shape_cast %swap3A_307 : vector<1x16xf32> to vector<16xf32>
        %swap3A_309 = vector.shape_cast %add3A_304 : vector<16xf32> to vector<1x16xf32>
        tpu.vector_store %arg15[%swap3A_305, %swap3A_306], %swap3A_309 {strides = array<i32>} : memref<32x512xf32, #tpu.memory_space<vmem>>, vector<1x16xf32>,
        %get3A_310 = arith.index_cast %scan3A_100 : i32 to index
        %get3A_311 = arith.constant 208 : index
        %get3A_312 = tpu.vector_load %arg11[%get3A_310, %get3A_311] {strides = array<i32>} : memref<32x512xf32, #tpu.memory_space<vmem>>, vector<1x16xf32>,
        %get3A_313 = vector.shape_cast %get3A_312 : vector<1x16xf32> to vector<16xf32>
        %get3A_314 = arith.index_cast %scan3A_100 : i32 to index
        %get3A_315 = arith.constant 208 : index
        %get3A_316 = tpu.vector_load %arg13[%get3A_314, %get3A_315] {strides = array<i32>} : memref<32x512xf32, #tpu.memory_space<vmem>>, vector<1x16xf32>,
        %get3A_317 = vector.shape_cast %get3A_316 : vector<1x16xf32> to vector<16xf32>
        %sub3A_318 = arith.subf %get3A_317, %get3A_313 : vector<16xf32>
        %mul3A_319 = arith.mulf %get3A_103, %sub3A_318 : vector<16xf32>
        %add3A_320 = arith.addf %get3A_313, %mul3A_319 : vector<16xf32>
        %swap3A_321 = arith.index_cast %scan3A_100 : i32 to index
        %swap3A_322 = arith.constant 208 : index
        %swap3A_323 = tpu.vector_load %arg15[%swap3A_321, %swap3A_322] {strides = array<i32>} : memref<32x512xf32, #tpu.memory_space<vmem>>, vector<1x16xf32>,
        %swap3A_324 = vector.shape_cast %swap3A_323 : vector<1x16xf32> to vector<16xf32>
        %swap3A_325 = vector.shape_cast %add3A_320 : vector<16xf32> to vector<1x16xf32>
        tpu.vector_store %arg15[%swap3A_321, %swap3A_322], %swap3A_325 {strides = array<i32>} : memref<32x512xf32, #tpu.memory_space<vmem>>, vector<1x16xf32>,
        %get3A_326 = arith.index_cast %scan3A_100 : i32 to index
        %get3A_327 = arith.constant 224 : index
        %get3A_328 = tpu.vector_load %arg11[%get3A_326, %get3A_327] {strides = array<i32>} : memref<32x512xf32, #tpu.memory_space<vmem>>, vector<1x16xf32>,
        %get3A_329 = vector.shape_cast %get3A_328 : vector<1x16xf32> to vector<16xf32>
        %get3A_330 = arith.index_cast %scan3A_100 : i32 to index
        %get3A_331 = arith.constant 224 : index
        %get3A_332 = tpu.vector_load %arg13[%get3A_330, %get3A_331] {strides = array<i32>} : memref<32x512xf32, #tpu.memory_space<vmem>>, vector<1x16xf32>,
        %get3A_333 = vector.shape_cast %get3A_332 : vector<1x16xf32> to vector<16xf32>
        %sub3A_334 = arith.subf %get3A_333, %get3A_329 : vector<16xf32>
        %mul3A_335 = arith.mulf %get3A_103, %sub3A_334 : vector<16xf32>
        %add3A_336 = arith.addf %get3A_329, %mul3A_335 : vector<16xf32>
        %swap3A_337 = arith.index_cast %scan3A_100 : i32 to index
        %swap3A_338 = arith.constant 224 : index
        %swap3A_339 = tpu.vector_load %arg15[%swap3A_337, %swap3A_338] {strides = array<i32>} : memref<32x512xf32, #tpu.memory_space<vmem>>, vector<1x16xf32>,
        %swap3A_340 = vector.shape_cast %swap3A_339 : vector<1x16xf32> to vector<16xf32>
        %swap3A_341 = vector.shape_cast %add3A_336 : vector<16xf32> to vector<1x16xf32>
        tpu.vector_store %arg15[%swap3A_337, %swap3A_338], %swap3A_341 {strides = array<i32>} : memref<32x512xf32, #tpu.memory_space<vmem>>, vector<1x16xf32>,
        %get3A_342 = arith.index_cast %scan3A_100 : i32 to index
        %get3A_343 = arith.constant 240 : index
        %get3A_344 = tpu.vector_load %arg11[%get3A_342, %get3A_343] {strides = array<i32>} : memref<32x512xf32, #tpu.memory_space<vmem>>, vector<1x16xf32>,
        %get3A_345 = vector.shape_cast %get3A_344 : vector<1x16xf32> to vector<16xf32>
        %get3A_346 = arith.index_cast %scan3A_100 : i32 to index
        %get3A_347 = arith.constant 240 : index
        %get3A_348 = tpu.vector_load %arg13[%get3A_346, %get3A_347] {strides = array<i32>} : memref<32x512xf32, #tpu.memory_space<vmem>>, vector<1x16xf32>,
        %get3A_349 = vector.shape_cast %get3A_348 : vector<1x16xf32> to vector<16xf32>
        %sub3A_350 = arith.subf %get3A_349, %get3A_345 : vector<16xf32>
        %mul3A_351 = arith.mulf %get3A_103, %sub3A_350 : vector<16xf32>
        %add3A_352 = arith.addf %get3A_345, %mul3A_351 : vector<16xf32>
        %swap3A_353 = arith.index_cast %scan3A_100 : i32 to index
        %swap3A_354 = arith.constant 240 : index
        %swap3A_355 = tpu.vector_load %arg15[%swap3A_353, %swap3A_354] {strides = array<i32>} : memref<32x512xf32, #tpu.memory_space<vmem>>, vector<1x16xf32>,
        %swap3A_356 = vector.shape_cast %swap3A_355 : vector<1x16xf32> to vector<16xf32>
        %swap3A_357 = vector.shape_cast %add3A_352 : vector<16xf32> to vector<1x16xf32>
        tpu.vector_store %arg15[%swap3A_353, %swap3A_354], %swap3A_357 {strides = array<i32>} : memref<32x512xf32, #tpu.memory_space<vmem>>, vector<1x16xf32>,
        %get3A_358 = arith.index_cast %scan3A_100 : i32 to index
        %get3A_359 = arith.constant 256 : index
        %get3A_360 = tpu.vector_load %arg11[%get3A_358, %get3A_359] {strides = array<i32>} : memref<32x512xf32, #tpu.memory_space<vmem>>, vector<1x16xf32>,
        %get3A_361 = vector.shape_cast %get3A_360 : vector<1x16xf32> to vector<16xf32>
        %get3A_362 = arith.index_cast %scan3A_100 : i32 to index
        %get3A_363 = arith.constant 256 : index
        %get3A_364 = tpu.vector_load %arg13[%get3A_362, %get3A_363] {strides = array<i32>} : memref<32x512xf32, #tpu.memory_space<vmem>>, vector<1x16xf32>,
        %get3A_365 = vector.shape_cast %get3A_364 : vector<1x16xf32> to vector<16xf32>
        %sub3A_366 = arith.subf %get3A_365, %get3A_361 : vector<16xf32>
        %mul3A_367 = arith.mulf %get3A_103, %sub3A_366 : vector<16xf32>
        %add3A_368 = arith.addf %get3A_361, %mul3A_367 : vector<16xf32>
        %swap3A_369 = arith.index_cast %scan3A_100 : i32 to index
        %swap3A_370 = arith.constant 256 : index
        %swap3A_371 = tpu.vector_load %arg15[%swap3A_369, %swap3A_370] {strides = array<i32>} : memref<32x512xf32, #tpu.memory_space<vmem>>, vector<1x16xf32>,
        %swap3A_372 = vector.shape_cast %swap3A_371 : vector<1x16xf32> to vector<16xf32>
        %swap3A_373 = vector.shape_cast %add3A_368 : vector<16xf32> to vector<1x16xf32>
        tpu.vector_store %arg15[%swap3A_369, %swap3A_370], %swap3A_373 {strides = array<i32>} : memref<32x512xf32, #tpu.memory_space<vmem>>, vector<1x16xf32>,
        %get3A_374 = arith.index_cast %scan3A_100 : i32 to index
        %get3A_375 = arith.constant 272 : index
        %get3A_376 = tpu.vector_load %arg11[%get3A_374, %get3A_375] {strides = array<i32>} : memref<32x512xf32, #tpu.memory_space<vmem>>, vector<1x16xf32>,
        %get3A_377 = vector.shape_cast %get3A_376 : vector<1x16xf32> to vector<16xf32>
        %get3A_378 = arith.index_cast %scan3A_100 : i32 to index
        %get3A_379 = arith.constant 272 : index
        %get3A_380 = tpu.vector_load %arg13[%get3A_378, %get3A_379] {strides = array<i32>} : memref<32x512xf32, #tpu.memory_space<vmem>>, vector<1x16xf32>,
        %get3A_381 = vector.shape_cast %get3A_380 : vector<1x16xf32> to vector<16xf32>
        %sub3A_382 = arith.subf %get3A_381, %get3A_377 : vector<16xf32>
        %mul3A_383 = arith.mulf %get3A_103, %sub3A_382 : vector<16xf32>
        %add3A_384 = arith.addf %get3A_377, %mul3A_383 : vector<16xf32>
        %swap3A_385 = arith.index_cast %scan3A_100 : i32 to index
        %swap3A_386 = arith.constant 272 : index
        %swap3A_387 = tpu.vector_load %arg15[%swap3A_385, %swap3A_386] {strides = array<i32>} : memref<32x512xf32, #tpu.memory_space<vmem>>, vector<1x16xf32>,
        %swap3A_388 = vector.shape_cast %swap3A_387 : vector<1x16xf32> to vector<16xf32>
        %swap3A_389 = vector.shape_cast %add3A_384 : vector<16xf32> to vector<1x16xf32>
        tpu.vector_store %arg15[%swap3A_385, %swap3A_386], %swap3A_389 {strides = array<i32>} : memref<32x512xf32, #tpu.memory_space<vmem>>, vector<1x16xf32>,
        %get3A_390 = arith.index_cast %scan3A_100 : i32 to index
        %get3A_391 = arith.constant 288 : index
        %get3A_392 = tpu.vector_load %arg11[%get3A_390, %get3A_391] {strides = array<i32>} : memref<32x512xf32, #tpu.memory_space<vmem>>, vector<1x16xf32>,
        %get3A_393 = vector.shape_cast %get3A_392 : vector<1x16xf32> to vector<16xf32>
        %get3A_394 = arith.index_cast %scan3A_100 : i32 to index
        %get3A_395 = arith.constant 288 : index
        %get3A_396 = tpu.vector_load %arg13[%get3A_394, %get3A_395] {strides = array<i32>} : memref<32x512xf32, #tpu.memory_space<vmem>>, vector<1x16xf32>,
        %get3A_397 = vector.shape_cast %get3A_396 : vector<1x16xf32> to vector<16xf32>
        %sub3A_398 = arith.subf %get3A_397, %get3A_393 : vector<16xf32>
        %mul3A_399 = arith.mulf %get3A_103, %sub3A_398 : vector<16xf32>
        %add3A_400 = arith.addf %get3A_393, %mul3A_399 : vector<16xf32>
        %swap3A_401 = arith.index_cast %scan3A_100 : i32 to index
        %swap3A_402 = arith.constant 288 : index
        %swap3A_403 = tpu.vector_load %arg15[%swap3A_401, %swap3A_402] {strides = array<i32>} : memref<32x512xf32, #tpu.memory_space<vmem>>, vector<1x16xf32>,
        %swap3A_404 = vector.shape_cast %swap3A_403 : vector<1x16xf32> to vector<16xf32>
        %swap3A_405 = vector.shape_cast %add3A_400 : vector<16xf32> to vector<1x16xf32>
        tpu.vector_store %arg15[%swap3A_401, %swap3A_402], %swap3A_405 {strides = array<i32>} : memref<32x512xf32, #tpu.memory_space<vmem>>, vector<1x16xf32>,
        %get3A_406 = arith.index_cast %scan3A_100 : i32 to index
        %get3A_407 = arith.constant 304 : index
        %get3A_408 = tpu.vector_load %arg11[%get3A_406, %get3A_407] {strides = array<i32>} : memref<32x512xf32, #tpu.memory_space<vmem>>, vector<1x16xf32>,
        %get3A_409 = vector.shape_cast %get3A_408 : vector<1x16xf32> to vector<16xf32>
        %get3A_410 = arith.index_cast %scan3A_100 : i32 to index
        %get3A_411 = arith.constant 304 : index
        %get3A_412 = tpu.vector_load %arg13[%get3A_410, %get3A_411] {strides = array<i32>} : memref<32x512xf32, #tpu.memory_space<vmem>>, vector<1x16xf32>,
        %get3A_413 = vector.shape_cast %get3A_412 : vector<1x16xf32> to vector<16xf32>
        %sub3A_414 = arith.subf %get3A_413, %get3A_409 : vector<16xf32>
        %mul3A_415 = arith.mulf %get3A_103, %sub3A_414 : vector<16xf32>
        %add3A_416 = arith.addf %get3A_409, %mul3A_415 : vector<16xf32>
        %swap3A_417 = arith.index_cast %scan3A_100 : i32 to index
        %swap3A_418 = arith.constant 304 : index
        %swap3A_419 = tpu.vector_load %arg15[%swap3A_417, %swap3A_418] {strides = array<i32>} : memref<32x512xf32, #tpu.memory_space<vmem>>, vector<1x16xf32>,
        %swap3A_420 = vector.shape_cast %swap3A_419 : vector<1x16xf32> to vector<16xf32>
        %swap3A_421 = vector.shape_cast %add3A_416 : vector<16xf32> to vector<1x16xf32>
        tpu.vector_store %arg15[%swap3A_417, %swap3A_418], %swap3A_421 {strides = array<i32>} : memref<32x512xf32, #tpu.memory_space<vmem>>, vector<1x16xf32>,
        %get3A_422 = arith.index_cast %scan3A_100 : i32 to index
        %get3A_423 = arith.constant 320 : index
        %get3A_424 = tpu.vector_load %arg11[%get3A_422, %get3A_423] {strides = array<i32>} : memref<32x512xf32, #tpu.memory_space<vmem>>, vector<1x16xf32>,
        %get3A_425 = vector.shape_cast %get3A_424 : vector<1x16xf32> to vector<16xf32>
        %get3A_426 = arith.index_cast %scan3A_100 : i32 to index
        %get3A_427 = arith.constant 320 : index
        %get3A_428 = tpu.vector_load %arg13[%get3A_426, %get3A_427] {strides = array<i32>} : memref<32x512xf32, #tpu.memory_space<vmem>>, vector<1x16xf32>,
        %get3A_429 = vector.shape_cast %get3A_428 : vector<1x16xf32> to vector<16xf32>
        %sub3A_430 = arith.subf %get3A_429, %get3A_425 : vector<16xf32>
        %mul3A_431 = arith.mulf %get3A_103, %sub3A_430 : vector<16xf32>
        %add3A_432 = arith.addf %get3A_425, %mul3A_431 : vector<16xf32>
        %swap3A_433 = arith.index_cast %scan3A_100 : i32 to index
        %swap3A_434 = arith.constant 320 : index
        %swap3A_435 = tpu.vector_load %arg15[%swap3A_433, %swap3A_434] {strides = array<i32>} : memref<32x512xf32, #tpu.memory_space<vmem>>, vector<1x16xf32>,
        %swap3A_436 = vector.shape_cast %swap3A_435 : vector<1x16xf32> to vector<16xf32>
        %swap3A_437 = vector.shape_cast %add3A_432 : vector<16xf32> to vector<1x16xf32>
        tpu.vector_store %arg15[%swap3A_433, %swap3A_434], %swap3A_437 {strides = array<i32>} : memref<32x512xf32, #tpu.memory_space<vmem>>, vector<1x16xf32>,
        %get3A_438 = arith.index_cast %scan3A_100 : i32 to index
        %get3A_439 = arith.constant 336 : index
        %get3A_440 = tpu.vector_load %arg11[%get3A_438, %get3A_439] {strides = array<i32>} : memref<32x512xf32, #tpu.memory_space<vmem>>, vector<1x16xf32>,
        %get3A_441 = vector.shape_cast %get3A_440 : vector<1x16xf32> to vector<16xf32>
        %get3A_442 = arith.index_cast %scan3A_100 : i32 to index
        %get3A_443 = arith.constant 336 : index
        %get3A_444 = tpu.vector_load %arg13[%get3A_442, %get3A_443] {strides = array<i32>} : memref<32x512xf32, #tpu.memory_space<vmem>>, vector<1x16xf32>,
        %get3A_445 = vector.shape_cast %get3A_444 : vector<1x16xf32> to vector<16xf32>
        %sub3A_446 = arith.subf %get3A_445, %get3A_441 : vector<16xf32>
        %mul3A_447 = arith.mulf %get3A_103, %sub3A_446 : vector<16xf32>
        %add3A_448 = arith.addf %get3A_441, %mul3A_447 : vector<16xf32>
        %swap3A_449 = arith.index_cast %scan3A_100 : i32 to index
        %swap3A_450 = arith.constant 336 : index
        %swap3A_451 = tpu.vector_load %arg15[%swap3A_449, %swap3A_450] {strides = array<i32>} : memref<32x512xf32, #tpu.memory_space<vmem>>, vector<1x16xf32>,
        %swap3A_452 = vector.shape_cast %swap3A_451 : vector<1x16xf32> to vector<16xf32>
        %swap3A_453 = vector.shape_cast %add3A_448 : vector<16xf32> to vector<1x16xf32>
        tpu.vector_store %arg15[%swap3A_449, %swap3A_450], %swap3A_453 {strides = array<i32>} : memref<32x512xf32, #tpu.memory_space<vmem>>, vector<1x16xf32>,
        %get3A_454 = arith.index_cast %scan3A_100 : i32 to index
        %get3A_455 = arith.constant 352 : index
        %get3A_456 = tpu.vector_load %arg11[%get3A_454, %get3A_455] {strides = array<i32>} : memref<32x512xf32, #tpu.memory_space<vmem>>, vector<1x16xf32>,
        %get3A_457 = vector.shape_cast %get3A_456 : vector<1x16xf32> to vector<16xf32>
        %get3A_458 = arith.index_cast %scan3A_100 : i32 to index
        %get3A_459 = arith.constant 352 : index
        %get3A_460 = tpu.vector_load %arg13[%get3A_458, %get3A_459] {strides = array<i32>} : memref<32x512xf32, #tpu.memory_space<vmem>>, vector<1x16xf32>,
        %get3A_461 = vector.shape_cast %get3A_460 : vector<1x16xf32> to vector<16xf32>
        %sub3A_462 = arith.subf %get3A_461, %get3A_457 : vector<16xf32>
        %mul3A_463 = arith.mulf %get3A_103, %sub3A_462 : vector<16xf32>
        %add3A_464 = arith.addf %get3A_457, %mul3A_463 : vector<16xf32>
        %swap3A_465 = arith.index_cast %scan3A_100 : i32 to index
        %swap3A_466 = arith.constant 352 : index
        %swap3A_467 = tpu.vector_load %arg15[%swap3A_465, %swap3A_466] {strides = array<i32>} : memref<32x512xf32, #tpu.memory_space<vmem>>, vector<1x16xf32>,
        %swap3A_468 = vector.shape_cast %swap3A_467 : vector<1x16xf32> to vector<16xf32>
        %swap3A_469 = vector.shape_cast %add3A_464 : vector<16xf32> to vector<1x16xf32>
        tpu.vector_store %arg15[%swap3A_465, %swap3A_466], %swap3A_469 {strides = array<i32>} : memref<32x512xf32, #tpu.memory_space<vmem>>, vector<1x16xf32>,
        %get3A_470 = arith.index_cast %scan3A_100 : i32 to index
        %get3A_471 = arith.constant 368 : index
        %get3A_472 = tpu.vector_load %arg11[%get3A_470, %get3A_471] {strides = array<i32>} : memref<32x512xf32, #tpu.memory_space<vmem>>, vector<1x16xf32>,
        %get3A_473 = vector.shape_cast %get3A_472 : vector<1x16xf32> to vector<16xf32>
        %get3A_474 = arith.index_cast %scan3A_100 : i32 to index
        %get3A_475 = arith.constant 368 : index
        %get3A_476 = tpu.vector_load %arg13[%get3A_474, %get3A_475] {strides = array<i32>} : memref<32x512xf32, #tpu.memory_space<vmem>>, vector<1x16xf32>,
        %get3A_477 = vector.shape_cast %get3A_476 : vector<1x16xf32> to vector<16xf32>
        %sub3A_478 = arith.subf %get3A_477, %get3A_473 : vector<16xf32>
        %mul3A_479 = arith.mulf %get3A_103, %sub3A_478 : vector<16xf32>
        %add3A_480 = arith.addf %get3A_473, %mul3A_479 : vector<16xf32>
        %swap3A_481 = arith.index_cast %scan3A_100 : i32 to index
        %swap3A_482 = arith.constant 368 : index
        %swap3A_483 = tpu.vector_load %arg15[%swap3A_481, %swap3A_482] {strides = array<i32>} : memref<32x512xf32, #tpu.memory_space<vmem>>, vector<1x16xf32>,
        %swap3A_484 = vector.shape_cast %swap3A_483 : vector<1x16xf32> to vector<16xf32>
        %swap3A_485 = vector.shape_cast %add3A_480 : vector<16xf32> to vector<1x16xf32>
        tpu.vector_store %arg15[%swap3A_481, %swap3A_482], %swap3A_485 {strides = array<i32>} : memref<32x512xf32, #tpu.memory_space<vmem>>, vector<1x16xf32>,
        %get3A_486 = arith.index_cast %scan3A_100 : i32 to index
        %get3A_487 = arith.constant 384 : index
        %get3A_488 = tpu.vector_load %arg11[%get3A_486, %get3A_487] {strides = array<i32>} : memref<32x512xf32, #tpu.memory_space<vmem>>, vector<1x16xf32>,
        %get3A_489 = vector.shape_cast %get3A_488 : vector<1x16xf32> to vector<16xf32>
        %get3A_490 = arith.index_cast %scan3A_100 : i32 to index
        %get3A_491 = arith.constant 384 : index
        %get3A_492 = tpu.vector_load %arg13[%get3A_490, %get3A_491] {strides = array<i32>} : memref<32x512xf32, #tpu.memory_space<vmem>>, vector<1x16xf32>,
        %get3A_493 = vector.shape_cast %get3A_492 : vector<1x16xf32> to vector<16xf32>
        %sub3A_494 = arith.subf %get3A_493, %get3A_489 : vector<16xf32>
        %mul3A_495 = arith.mulf %get3A_103, %sub3A_494 : vector<16xf32>
        %add3A_496 = arith.addf %get3A_489, %mul3A_495 : vector<16xf32>
        %swap3A_497 = arith.index_cast %scan3A_100 : i32 to index
        %swap3A_498 = arith.constant 384 : index
        %swap3A_499 = tpu.vector_load %arg15[%swap3A_497, %swap3A_498] {strides = array<i32>} : memref<32x512xf32, #tpu.memory_space<vmem>>, vector<1x16xf32>,
        %swap3A_500 = vector.shape_cast %swap3A_499 : vector<1x16xf32> to vector<16xf32>
        %swap3A_501 = vector.shape_cast %add3A_496 : vector<16xf32> to vector<1x16xf32>
        tpu.vector_store %arg15[%swap3A_497, %swap3A_498], %swap3A_501 {strides = array<i32>} : memref<32x512xf32, #tpu.memory_space<vmem>>, vector<1x16xf32>,
        %get3A_502 = arith.index_cast %scan3A_100 : i32 to index
        %get3A_503 = arith.constant 400 : index
        %get3A_504 = tpu.vector_load %arg11[%get3A_502, %get3A_503] {strides = array<i32>} : memref<32x512xf32, #tpu.memory_space<vmem>>, vector<1x16xf32>,
        %get3A_505 = vector.shape_cast %get3A_504 : vector<1x16xf32> to vector<16xf32>
        %get3A_506 = arith.index_cast %scan3A_100 : i32 to index
        %get3A_507 = arith.constant 400 : index
        %get3A_508 = tpu.vector_load %arg13[%get3A_506, %get3A_507] {strides = array<i32>} : memref<32x512xf32, #tpu.memory_space<vmem>>, vector<1x16xf32>,
        %get3A_509 = vector.shape_cast %get3A_508 : vector<1x16xf32> to vector<16xf32>
        %sub3A_510 = arith.subf %get3A_509, %get3A_505 : vector<16xf32>
        %mul3A_511 = arith.mulf %get3A_103, %sub3A_510 : vector<16xf32>
        %add3A_512 = arith.addf %get3A_505, %mul3A_511 : vector<16xf32>
        %swap3A_513 = arith.index_cast %scan3A_100 : i32 to index
        %swap3A_514 = arith.constant 400 : index
        %swap3A_515 = tpu.vector_load %arg15[%swap3A_513, %swap3A_514] {strides = array<i32>} : memref<32x512xf32, #tpu.memory_space<vmem>>, vector<1x16xf32>,
        %swap3A_516 = vector.shape_cast %swap3A_515 : vector<1x16xf32> to vector<16xf32>
        %swap3A_517 = vector.shape_cast %add3A_512 : vector<16xf32> to vector<1x16xf32>
        tpu.vector_store %arg15[%swap3A_513, %swap3A_514], %swap3A_517 {strides = array<i32>} : memref<32x512xf32, #tpu.memory_space<vmem>>, vector<1x16xf32>,
        %get3A_518 = arith.index_cast %scan3A_100 : i32 to index
        %get3A_519 = arith.constant 416 : index
        %get3A_520 = tpu.vector_load %arg11[%get3A_518, %get3A_519] {strides = array<i32>} : memref<32x512xf32, #tpu.memory_space<vmem>>, vector<1x16xf32>,
        %get3A_521 = vector.shape_cast %get3A_520 : vector<1x16xf32> to vector<16xf32>
        %get3A_522 = arith.index_cast %scan3A_100 : i32 to index
        %get3A_523 = arith.constant 416 : index
        %get3A_524 = tpu.vector_load %arg13[%get3A_522, %get3A_523] {strides = array<i32>} : memref<32x512xf32, #tpu.memory_space<vmem>>, vector<1x16xf32>,
        %get3A_525 = vector.shape_cast %get3A_524 : vector<1x16xf32> to vector<16xf32>
        %sub3A_526 = arith.subf %get3A_525, %get3A_521 : vector<16xf32>
        %mul3A_527 = arith.mulf %get3A_103, %sub3A_526 : vector<16xf32>
        %add3A_528 = arith.addf %get3A_521, %mul3A_527 : vector<16xf32>
        %swap3A_529 = arith.index_cast %scan3A_100 : i32 to index
        %swap3A_530 = arith.constant 416 : index
        %swap3A_531 = tpu.vector_load %arg15[%swap3A_529, %swap3A_530] {strides = array<i32>} : memref<32x512xf32, #tpu.memory_space<vmem>>, vector<1x16xf32>,
        %swap3A_532 = vector.shape_cast %swap3A_531 : vector<1x16xf32> to vector<16xf32>
        %swap3A_533 = vector.shape_cast %add3A_528 : vector<16xf32> to vector<1x16xf32>
        tpu.vector_store %arg15[%swap3A_529, %swap3A_530], %swap3A_533 {strides = array<i32>} : memref<32x512xf32, #tpu.memory_space<vmem>>, vector<1x16xf32>,
        %get3A_534 = arith.index_cast %scan3A_100 : i32 to index
        %get3A_535 = arith.constant 432 : index
        %get3A_536 = tpu.vector_load %arg11[%get3A_534, %get3A_535] {strides = array<i32>} : memref<32x512xf32, #tpu.memory_space<vmem>>, vector<1x16xf32>,
        %get3A_537 = vector.shape_cast %get3A_536 : vector<1x16xf32> to vector<16xf32>
        %get3A_538 = arith.index_cast %scan3A_100 : i32 to index
        %get3A_539 = arith.constant 432 : index
        %get3A_540 = tpu.vector_load %arg13[%get3A_538, %get3A_539] {strides = array<i32>} : memref<32x512xf32, #tpu.memory_space<vmem>>, vector<1x16xf32>,
        %get3A_541 = vector.shape_cast %get3A_540 : vector<1x16xf32> to vector<16xf32>
        %sub3A_542 = arith.subf %get3A_541, %get3A_537 : vector<16xf32>
        %mul3A_543 = arith.mulf %get3A_103, %sub3A_542 : vector<16xf32>
        %add3A_544 = arith.addf %get3A_537, %mul3A_543 : vector<16xf32>
        %swap3A_545 = arith.index_cast %scan3A_100 : i32 to index
        %swap3A_546 = arith.constant 432 : index
        %swap3A_547 = tpu.vector_load %arg15[%swap3A_545, %swap3A_546] {strides = array<i32>} : memref<32x512xf32, #tpu.memory_space<vmem>>, vector<1x16xf32>,
        %swap3A_548 = vector.shape_cast %swap3A_547 : vector<1x16xf32> to vector<16xf32>
        %swap3A_549 = vector.shape_cast %add3A_544 : vector<16xf32> to vector<1x16xf32>
        tpu.vector_store %arg15[%swap3A_545, %swap3A_546], %swap3A_549 {strides = array<i32>} : memref<32x512xf32, #tpu.memory_space<vmem>>, vector<1x16xf32>,
        %get3A_550 = arith.index_cast %scan3A_100 : i32 to index
        %get3A_551 = arith.constant 448 : index
        %get3A_552 = tpu.vector_load %arg11[%get3A_550, %get3A_551] {strides = array<i32>} : memref<32x512xf32, #tpu.memory_space<vmem>>, vector<1x16xf32>,
        %get3A_553 = vector.shape_cast %get3A_552 : vector<1x16xf32> to vector<16xf32>
        %get3A_554 = arith.index_cast %scan3A_100 : i32 to index
        %get3A_555 = arith.constant 448 : index
        %get3A_556 = tpu.vector_load %arg13[%get3A_554, %get3A_555] {strides = array<i32>} : memref<32x512xf32, #tpu.memory_space<vmem>>, vector<1x16xf32>,
        %get3A_557 = vector.shape_cast %get3A_556 : vector<1x16xf32> to vector<16xf32>
        %sub3A_558 = arith.subf %get3A_557, %get3A_553 : vector<16xf32>
        %mul3A_559 = arith.mulf %get3A_103, %sub3A_558 : vector<16xf32>
        %add3A_560 = arith.addf %get3A_553, %mul3A_559 : vector<16xf32>
        %swap3A_561 = arith.index_cast %scan3A_100 : i32 to index
        %swap3A_562 = arith.constant 448 : index
        %swap3A_563 = tpu.vector_load %arg15[%swap3A_561, %swap3A_562] {strides = array<i32>} : memref<32x512xf32, #tpu.memory_space<vmem>>, vector<1x16xf32>,
        %swap3A_564 = vector.shape_cast %swap3A_563 : vector<1x16xf32> to vector<16xf32>
        %swap3A_565 = vector.shape_cast %add3A_560 : vector<16xf32> to vector<1x16xf32>
        tpu.vector_store %arg15[%swap3A_561, %swap3A_562], %swap3A_565 {strides = array<i32>} : memref<32x512xf32, #tpu.memory_space<vmem>>, vector<1x16xf32>,
        %get3A_566 = arith.index_cast %scan3A_100 : i32 to index
        %get3A_567 = arith.constant 464 : index
        %get3A_568 = tpu.vector_load %arg11[%get3A_566, %get3A_567] {strides = array<i32>} : memref<32x512xf32, #tpu.memory_space<vmem>>, vector<1x16xf32>,
        %get3A_569 = vector.shape_cast %get3A_568 : vector<1x16xf32> to vector<16xf32>
        %get3A_570 = arith.index_cast %scan3A_100 : i32 to index
        %get3A_571 = arith.constant 464 : index
        %get3A_572 = tpu.vector_load %arg13[%get3A_570, %get3A_571] {strides = array<i32>} : memref<32x512xf32, #tpu.memory_space<vmem>>, vector<1x16xf32>,
        %get3A_573 = vector.shape_cast %get3A_572 : vector<1x16xf32> to vector<16xf32>
        %sub3A_574 = arith.subf %get3A_573, %get3A_569 : vector<16xf32>
        %mul3A_575 = arith.mulf %get3A_103, %sub3A_574 : vector<16xf32>
        %add3A_576 = arith.addf %get3A_569, %mul3A_575 : vector<16xf32>
        %swap3A_577 = arith.index_cast %scan3A_100 : i32 to index
        %swap3A_578 = arith.constant 464 : index
        %swap3A_579 = tpu.vector_load %arg15[%swap3A_577, %swap3A_578] {strides = array<i32>} : memref<32x512xf32, #tpu.memory_space<vmem>>, vector<1x16xf32>,
        %swap3A_580 = vector.shape_cast %swap3A_579 : vector<1x16xf32> to vector<16xf32>
        %swap3A_581 = vector.shape_cast %add3A_576 : vector<16xf32> to vector<1x16xf32>
        tpu.vector_store %arg15[%swap3A_577, %swap3A_578], %swap3A_581 {strides = array<i32>} : memref<32x512xf32, #tpu.memory_space<vmem>>, vector<1x16xf32>,
        %get3A_582 = arith.index_cast %scan3A_100 : i32 to index
        %get3A_583 = arith.constant 480 : index
        %get3A_584 = tpu.vector_load %arg11[%get3A_582, %get3A_583] {strides = array<i32>} : memref<32x512xf32, #tpu.memory_space<vmem>>, vector<1x16xf32>,
        %get3A_585 = vector.shape_cast %get3A_584 : vector<1x16xf32> to vector<16xf32>
        %get3A_586 = arith.index_cast %scan3A_100 : i32 to index
        %get3A_587 = arith.constant 480 : index
        %get3A_588 = tpu.vector_load %arg13[%get3A_586, %get3A_587] {strides = array<i32>} : memref<32x512xf32, #tpu.memory_space<vmem>>, vector<1x16xf32>,
        %get3A_589 = vector.shape_cast %get3A_588 : vector<1x16xf32> to vector<16xf32>
        %sub3A_590 = arith.subf %get3A_589, %get3A_585 : vector<16xf32>
        %mul3A_591 = arith.mulf %get3A_103, %sub3A_590 : vector<16xf32>
        %add3A_592 = arith.addf %get3A_585, %mul3A_591 : vector<16xf32>
        %swap3A_593 = arith.index_cast %scan3A_100 : i32 to index
        %swap3A_594 = arith.constant 480 : index
        %swap3A_595 = tpu.vector_load %arg15[%swap3A_593, %swap3A_594] {strides = array<i32>} : memref<32x512xf32, #tpu.memory_space<vmem>>, vector<1x16xf32>,
        %swap3A_596 = vector.shape_cast %swap3A_595 : vector<1x16xf32> to vector<16xf32>
        %swap3A_597 = vector.shape_cast %add3A_592 : vector<16xf32> to vector<1x16xf32>
        tpu.vector_store %arg15[%swap3A_593, %swap3A_594], %swap3A_597 {strides = array<i32>} : memref<32x512xf32, #tpu.memory_space<vmem>>, vector<1x16xf32>,
        %get3A_598 = arith.index_cast %scan3A_100 : i32 to index
        %get3A_599 = arith.constant 496 : index
        %get3A_600 = tpu.vector_load %arg11[%get3A_598, %get3A_599] {strides = array<i32>} : memref<32x512xf32, #tpu.memory_space<vmem>>, vector<1x16xf32>,
        %get3A_601 = vector.shape_cast %get3A_600 : vector<1x16xf32> to vector<16xf32>
        %get3A_602 = arith.index_cast %scan3A_100 : i32 to index
        %get3A_603 = arith.constant 496 : index
        %get3A_604 = tpu.vector_load %arg13[%get3A_602, %get3A_603] {strides = array<i32>} : memref<32x512xf32, #tpu.memory_space<vmem>>, vector<1x16xf32>,
        %get3A_605 = vector.shape_cast %get3A_604 : vector<1x16xf32> to vector<16xf32>
        %sub3A_606 = arith.subf %get3A_605, %get3A_601 : vector<16xf32>
        %mul3A_607 = arith.mulf %get3A_103, %sub3A_606 : vector<16xf32>
        %add3A_608 = arith.addf %get3A_601, %mul3A_607 : vector<16xf32>
        %swap3A_609 = arith.index_cast %scan3A_100 : i32 to index
        %swap3A_610 = arith.constant 496 : index
        %swap3A_611 = tpu.vector_load %arg15[%swap3A_609, %swap3A_610] {strides = array<i32>} : memref<32x512xf32, #tpu.memory_space<vmem>>, vector<1x16xf32>,
        %swap3A_612 = vector.shape_cast %swap3A_611 : vector<1x16xf32> to vector<16xf32>
        %swap3A_613 = vector.shape_cast %add3A_608 : vector<16xf32> to vector<1x16xf32>
        tpu.vector_store %arg15[%swap3A_609, %swap3A_610], %swap3A_613 {strides = array<i32>} : memref<32x512xf32, #tpu.memory_space<vmem>>, vector<1x16xf32>,
      }
      %scan3A_64 = arith.constant 32 : i32
      %lt3A = arith.constant 31 : i32
      %lt3A_65 = arith.cmpi slt, %scan3A_39, %lt3A : i32
      %convert_element_type3A = arith.extui %lt3A_65 : i1 to i32
      %cond3A = arith.constant 0 : i32
      %cond3A_66 = arith.cmpi ne, %convert_element_type3A, %cond3A : i32
      scf.if %cond3A_66 {
        %add3A_100 = arith.constant 2 : i32
        %add3A_101 = arith.addi %add3A_43, %add3A_100 : i32
        %mul3A_102 = arith.constant 32 : i32
        %mul3A_103 = arith.muli %add3A_101, %mul3A_102 : i32
        %dma_start3A_104 = arith.constant 0 : i32
        %dma_start3A_105 = tpu.memref_slice %arg5[%mul3A_103, %dma_start3A_104] : memref<2048x16xf32, #tpu.memory_space<hbm>> -> memref<32x16xf32, #tpu.memory_space<hbm>>
        %dma_start3A_106 = arith.constant 0 : i32
        %dma_start3A_107 = tpu.memref_slice %arg5[%mul3A_103, %dma_start3A_106] : memref<2048x16xf32, #tpu.memory_space<hbm>> -> memref<32x16xf32, #tpu.memory_space<hbm>>
        tpu.enqueue_dma source(%dma_start3A_107 : memref<32x16xf32, #tpu.memory_space<hbm>>) target(%arg9 : memref<32x16xf32, #tpu.memory_space<vmem>>) target_semaphore(%arg16 : memref<!tpu.dma_semaphore, #tpu.memory_space<semaphore_mem>>)
        %dma_start3A_108 = tpu.memref_slice %arg7[%mul3A_103] : memref<2048xi32, #tpu.memory_space<vmem>> -> memref<32xi32, #tpu.memory_space<vmem>>
        %dma_start3A_109 = arith.constant 0 : i32
        %dma_start3A_110 = arith.constant 0 : i32
        %dma_start3A_111 = tpu.memref_slice %arg2[%dma_start3A_109, %dma_start3A_110] : memref<65536x512xf32, #tpu.memory_space<hbm>> -> memref<65536x512xf32, #tpu.memory_space<hbm>>
        tpu.enqueue_indirect_dma source(%dma_start3A_111 : memref<65536x512xf32, #tpu.memory_space<hbm>>) target(%arg11 : memref<32x512xf32, #tpu.memory_space<vmem>>) offsets(%dma_start3A_108 : memref<32xi32, #tpu.memory_space<vmem>>) semaphore(%arg16 : memref<!tpu.dma_semaphore, #tpu.memory_space<semaphore_mem>>)
        %dma_start3A_112 = tpu.memref_slice %arg8[%mul3A_103] : memref<2048xi32, #tpu.memory_space<vmem>> -> memref<32xi32, #tpu.memory_space<vmem>>
        %dma_start3A_113 = arith.constant 0 : i32
        %dma_start3A_114 = arith.constant 0 : i32
        %dma_start3A_115 = tpu.memref_slice %arg2[%dma_start3A_113, %dma_start3A_114] : memref<65536x512xf32, #tpu.memory_space<hbm>> -> memref<65536x512xf32, #tpu.memory_space<hbm>>
        tpu.enqueue_indirect_dma source(%dma_start3A_115 : memref<65536x512xf32, #tpu.memory_space<hbm>>) target(%arg13 : memref<32x512xf32, #tpu.memory_space<vmem>>) offsets(%dma_start3A_112 : memref<32xi32, #tpu.memory_space<vmem>>) semaphore(%arg16 : memref<!tpu.dma_semaphore, #tpu.memory_space<semaphore_mem>>)
      } else {
      }
      %add3A_67 = arith.addi %mul3A_2, %mul3A_45 : i32
      "tpu.region"() ({
        %run_scoped3A = tpu.sem_alloc : memref<!tpu.dma_semaphore, #tpu.memory_space<semaphore_mem>>
        %dma_start3A_100 = arith.constant 0 : i32
        %dma_start3A_101 = tpu.memref_slice %arg6[%add3A_67, %dma_start3A_100] : memref<65536x512xf32, #tpu.memory_space<hbm>> -> memref<32x512xf32, #tpu.memory_space<hbm>>
        %dma_start3A_102 = arith.constant 0 : i32
        %dma_start3A_103 = tpu.memref_slice %arg6[%add3A_67, %dma_start3A_102] : memref<65536x512xf32, #tpu.memory_space<hbm>> -> memref<32x512xf32, #tpu.memory_space<hbm>>
        tpu.enqueue_dma source(%arg15 : memref<32x512xf32, #tpu.memory_space<vmem>>) target(%dma_start3A_103 : memref<32x512xf32, #tpu.memory_space<hbm>>) target_semaphore(%run_scoped3A : memref<!tpu.dma_semaphore, #tpu.memory_space<semaphore_mem>>)
        %dma_wait3A_104 = arith.constant 0 : i32
        %dma_wait3A_105 = tpu.memref_slice %arg6[%add3A_67, %dma_wait3A_104] : memref<65536x512xf32, #tpu.memory_space<hbm>> -> memref<32x512xf32, #tpu.memory_space<hbm>>
        %dma_wait3A_106 = arith.constant 0 : i32
        %dma_wait3A_107 = tpu.memref_slice %arg6[%add3A_67, %dma_wait3A_106] : memref<65536x512xf32, #tpu.memory_space<hbm>> -> memref<32x512xf32, #tpu.memory_space<hbm>>
        tpu.wait_dma2 semaphore(%run_scoped3A : memref<!tpu.dma_semaphore, #tpu.memory_space<semaphore_mem>>) src(%arg15 : memref<32x512xf32, #tpu.memory_space<vmem>>) dst(%dma_wait3A_107 : memref<32x512xf32, #tpu.memory_space<hbm>>)
        tpu.yield
      }) : () -> ()
      %mul3A_68 = arith.constant 2 : i32
      %mul3A_69 = arith.muli %mul3A_68, %scan3A_39 : i32
      %add3A_70 = arith.constant 1 : i32
      %add3A_71 = arith.addi %mul3A_69, %add3A_70 : i32
      %mul3A_72 = arith.constant 32 : i32
      %mul3A_73 = arith.muli %add3A_71, %mul3A_72 : i32
      %mul3A_74 = arith.constant 32 : i32
      %mul3A_75 = arith.muli %add3A_71, %mul3A_74 : i32
      %dma_wait3A_76 = arith.constant 0 : i32
      %dma_wait3A_77 = tpu.memref_slice %arg5[%mul3A_75, %dma_wait3A_76] : memref<2048x16xf32, #tpu.memory_space<hbm>> -> memref<32x16xf32, #tpu.memory_space<hbm>>
      %dma_wait3A_78 = arith.constant 0 : i32
      %dma_wait3A_79 = tpu.memref_slice %arg5[%mul3A_75, %dma_wait3A_78] : memref<2048x16xf32, #tpu.memory_space<hbm>> -> memref<32x16xf32, #tpu.memory_space<hbm>>
      tpu.wait_dma2 semaphore(%arg17 : memref<!tpu.dma_semaphore, #tpu.memory_space<semaphore_mem>>) src(%dma_wait3A_79 : memref<32x16xf32, #tpu.memory_space<hbm>>) dst(%arg10 : memref<32x16xf32, #tpu.memory_space<vmem>>)
      %dma_wait3A_80 = tpu.memref_slice %arg7[%mul3A_75] : memref<2048xi32, #tpu.memory_space<vmem>> -> memref<32xi32, #tpu.memory_space<vmem>>
      %dma_wait3A_81 = arith.constant 0 : i32
      %dma_wait3A_82 = arith.constant 0 : i32
      %dma_wait3A_83 = tpu.memref_slice %arg2[%dma_wait3A_81, %dma_wait3A_82] : memref<65536x512xf32, #tpu.memory_space<hbm>> -> memref<65536x512xf32, #tpu.memory_space<hbm>>
      tpu.wait_indirect_dma semaphore(%arg17 : memref<!tpu.dma_semaphore, #tpu.memory_space<semaphore_mem>>) src(%dma_wait3A_83 : memref<65536x512xf32, #tpu.memory_space<hbm>>) dst(%arg12 : memref<32x512xf32, #tpu.memory_space<vmem>>)
      %dma_wait3A_84 = tpu.memref_slice %arg8[%mul3A_75] : memref<2048xi32, #tpu.memory_space<vmem>> -> memref<32xi32, #tpu.memory_space<vmem>>
      %dma_wait3A_85 = arith.constant 0 : i32
      %dma_wait3A_86 = arith.constant 0 : i32
      %dma_wait3A_87 = tpu.memref_slice %arg2[%dma_wait3A_85, %dma_wait3A_86] : memref<65536x512xf32, #tpu.memory_space<hbm>> -> memref<65536x512xf32, #tpu.memory_space<hbm>>
      tpu.wait_indirect_dma semaphore(%arg17 : memref<!tpu.dma_semaphore, #tpu.memory_space<semaphore_mem>>) src(%dma_wait3A_87 : memref<65536x512xf32, #tpu.memory_space<hbm>>) dst(%arg14 : memref<32x512xf32, #tpu.memory_space<vmem>>)
      %scan3A_88 = arith.constant 0 : i32
      %scan3A_89 = arith.constant 0 : i32
      %scan3A_90 = arith.constant 32 : i32
      %scan3A_91 = arith.addi %scan3A_89, %scan3A_90 : i32
      %scan3A_92 = arith.constant 1 : i32
      scf.for %scan3A_100 = %scan3A_89 to %scan3A_91 step %scan3A_92  : i32 {
        %get3A = arith.index_cast %scan3A_100 : i32 to index
        %get3A_101 = arith.constant 0 : index
        %get3A_102 = tpu.vector_load %arg10[%get3A, %get3A_101] {strides = array<i32>} : memref<32x16xf32, #tpu.memory_space<vmem>>, vector<1x16xf32>,
        %get3A_103 = vector.shape_cast %get3A_102 : vector<1x16xf32> to vector<16xf32>
        %get3A_104 = arith.index_cast %scan3A_100 : i32 to index
        %get3A_105 = arith.constant 0 : index
        %get3A_106 = tpu.vector_load %arg12[%get3A_104, %get3A_105] {strides = array<i32>} : memref<32x512xf32, #tpu.memory_space<vmem>>, vector<1x16xf32>,
        %get3A_107 = vector.shape_cast %get3A_106 : vector<1x16xf32> to vector<16xf32>
        %get3A_108 = arith.index_cast %scan3A_100 : i32 to index
        %get3A_109 = arith.constant 0 : index
        %get3A_110 = tpu.vector_load %arg14[%get3A_108, %get3A_109] {strides = array<i32>} : memref<32x512xf32, #tpu.memory_space<vmem>>, vector<1x16xf32>,
        %get3A_111 = vector.shape_cast %get3A_110 : vector<1x16xf32> to vector<16xf32>
        %sub3A = arith.subf %get3A_111, %get3A_107 : vector<16xf32>
        %mul3A_112 = arith.mulf %get3A_103, %sub3A : vector<16xf32>
        %add3A_113 = arith.addf %get3A_107, %mul3A_112 : vector<16xf32>
        %swap3A = arith.index_cast %scan3A_100 : i32 to index
        %swap3A_114 = arith.constant 0 : index
        %swap3A_115 = tpu.vector_load %arg15[%swap3A, %swap3A_114] {strides = array<i32>} : memref<32x512xf32, #tpu.memory_space<vmem>>, vector<1x16xf32>,
        %swap3A_116 = vector.shape_cast %swap3A_115 : vector<1x16xf32> to vector<16xf32>
        %swap3A_117 = vector.shape_cast %add3A_113 : vector<16xf32> to vector<1x16xf32>
        tpu.vector_store %arg15[%swap3A, %swap3A_114], %swap3A_117 {strides = array<i32>} : memref<32x512xf32, #tpu.memory_space<vmem>>, vector<1x16xf32>,
        %get3A_118 = arith.index_cast %scan3A_100 : i32 to index
        %get3A_119 = arith.constant 16 : index
        %get3A_120 = tpu.vector_load %arg12[%get3A_118, %get3A_119] {strides = array<i32>} : memref<32x512xf32, #tpu.memory_space<vmem>>, vector<1x16xf32>,
        %get3A_121 = vector.shape_cast %get3A_120 : vector<1x16xf32> to vector<16xf32>
        %get3A_122 = arith.index_cast %scan3A_100 : i32 to index
        %get3A_123 = arith.constant 16 : index
        %get3A_124 = tpu.vector_load %arg14[%get3A_122, %get3A_123] {strides = array<i32>} : memref<32x512xf32, #tpu.memory_space<vmem>>, vector<1x16xf32>,
        %get3A_125 = vector.shape_cast %get3A_124 : vector<1x16xf32> to vector<16xf32>
        %sub3A_126 = arith.subf %get3A_125, %get3A_121 : vector<16xf32>
        %mul3A_127 = arith.mulf %get3A_103, %sub3A_126 : vector<16xf32>
        %add3A_128 = arith.addf %get3A_121, %mul3A_127 : vector<16xf32>
        %swap3A_129 = arith.index_cast %scan3A_100 : i32 to index
        %swap3A_130 = arith.constant 16 : index
        %swap3A_131 = tpu.vector_load %arg15[%swap3A_129, %swap3A_130] {strides = array<i32>} : memref<32x512xf32, #tpu.memory_space<vmem>>, vector<1x16xf32>,
        %swap3A_132 = vector.shape_cast %swap3A_131 : vector<1x16xf32> to vector<16xf32>
        %swap3A_133 = vector.shape_cast %add3A_128 : vector<16xf32> to vector<1x16xf32>
        tpu.vector_store %arg15[%swap3A_129, %swap3A_130], %swap3A_133 {strides = array<i32>} : memref<32x512xf32, #tpu.memory_space<vmem>>, vector<1x16xf32>,
        %get3A_134 = arith.index_cast %scan3A_100 : i32 to index
        %get3A_135 = arith.constant 32 : index
        %get3A_136 = tpu.vector_load %arg12[%get3A_134, %get3A_135] {strides = array<i32>} : memref<32x512xf32, #tpu.memory_space<vmem>>, vector<1x16xf32>,
        %get3A_137 = vector.shape_cast %get3A_136 : vector<1x16xf32> to vector<16xf32>
        %get3A_138 = arith.index_cast %scan3A_100 : i32 to index
        %get3A_139 = arith.constant 32 : index
        %get3A_140 = tpu.vector_load %arg14[%get3A_138, %get3A_139] {strides = array<i32>} : memref<32x512xf32, #tpu.memory_space<vmem>>, vector<1x16xf32>,
        %get3A_141 = vector.shape_cast %get3A_140 : vector<1x16xf32> to vector<16xf32>
        %sub3A_142 = arith.subf %get3A_141, %get3A_137 : vector<16xf32>
        %mul3A_143 = arith.mulf %get3A_103, %sub3A_142 : vector<16xf32>
        %add3A_144 = arith.addf %get3A_137, %mul3A_143 : vector<16xf32>
        %swap3A_145 = arith.index_cast %scan3A_100 : i32 to index
        %swap3A_146 = arith.constant 32 : index
        %swap3A_147 = tpu.vector_load %arg15[%swap3A_145, %swap3A_146] {strides = array<i32>} : memref<32x512xf32, #tpu.memory_space<vmem>>, vector<1x16xf32>,
        %swap3A_148 = vector.shape_cast %swap3A_147 : vector<1x16xf32> to vector<16xf32>
        %swap3A_149 = vector.shape_cast %add3A_144 : vector<16xf32> to vector<1x16xf32>
        tpu.vector_store %arg15[%swap3A_145, %swap3A_146], %swap3A_149 {strides = array<i32>} : memref<32x512xf32, #tpu.memory_space<vmem>>, vector<1x16xf32>,
        %get3A_150 = arith.index_cast %scan3A_100 : i32 to index
        %get3A_151 = arith.constant 48 : index
        %get3A_152 = tpu.vector_load %arg12[%get3A_150, %get3A_151] {strides = array<i32>} : memref<32x512xf32, #tpu.memory_space<vmem>>, vector<1x16xf32>,
        %get3A_153 = vector.shape_cast %get3A_152 : vector<1x16xf32> to vector<16xf32>
        %get3A_154 = arith.index_cast %scan3A_100 : i32 to index
        %get3A_155 = arith.constant 48 : index
        %get3A_156 = tpu.vector_load %arg14[%get3A_154, %get3A_155] {strides = array<i32>} : memref<32x512xf32, #tpu.memory_space<vmem>>, vector<1x16xf32>,
        %get3A_157 = vector.shape_cast %get3A_156 : vector<1x16xf32> to vector<16xf32>
        %sub3A_158 = arith.subf %get3A_157, %get3A_153 : vector<16xf32>
        %mul3A_159 = arith.mulf %get3A_103, %sub3A_158 : vector<16xf32>
        %add3A_160 = arith.addf %get3A_153, %mul3A_159 : vector<16xf32>
        %swap3A_161 = arith.index_cast %scan3A_100 : i32 to index
        %swap3A_162 = arith.constant 48 : index
        %swap3A_163 = tpu.vector_load %arg15[%swap3A_161, %swap3A_162] {strides = array<i32>} : memref<32x512xf32, #tpu.memory_space<vmem>>, vector<1x16xf32>,
        %swap3A_164 = vector.shape_cast %swap3A_163 : vector<1x16xf32> to vector<16xf32>
        %swap3A_165 = vector.shape_cast %add3A_160 : vector<16xf32> to vector<1x16xf32>
        tpu.vector_store %arg15[%swap3A_161, %swap3A_162], %swap3A_165 {strides = array<i32>} : memref<32x512xf32, #tpu.memory_space<vmem>>, vector<1x16xf32>,
        %get3A_166 = arith.index_cast %scan3A_100 : i32 to index
        %get3A_167 = arith.constant 64 : index
        %get3A_168 = tpu.vector_load %arg12[%get3A_166, %get3A_167] {strides = array<i32>} : memref<32x512xf32, #tpu.memory_space<vmem>>, vector<1x16xf32>,
        %get3A_169 = vector.shape_cast %get3A_168 : vector<1x16xf32> to vector<16xf32>
        %get3A_170 = arith.index_cast %scan3A_100 : i32 to index
        %get3A_171 = arith.constant 64 : index
        %get3A_172 = tpu.vector_load %arg14[%get3A_170, %get3A_171] {strides = array<i32>} : memref<32x512xf32, #tpu.memory_space<vmem>>, vector<1x16xf32>,
        %get3A_173 = vector.shape_cast %get3A_172 : vector<1x16xf32> to vector<16xf32>
        %sub3A_174 = arith.subf %get3A_173, %get3A_169 : vector<16xf32>
        %mul3A_175 = arith.mulf %get3A_103, %sub3A_174 : vector<16xf32>
        %add3A_176 = arith.addf %get3A_169, %mul3A_175 : vector<16xf32>
        %swap3A_177 = arith.index_cast %scan3A_100 : i32 to index
        %swap3A_178 = arith.constant 64 : index
        %swap3A_179 = tpu.vector_load %arg15[%swap3A_177, %swap3A_178] {strides = array<i32>} : memref<32x512xf32, #tpu.memory_space<vmem>>, vector<1x16xf32>,
        %swap3A_180 = vector.shape_cast %swap3A_179 : vector<1x16xf32> to vector<16xf32>
        %swap3A_181 = vector.shape_cast %add3A_176 : vector<16xf32> to vector<1x16xf32>
        tpu.vector_store %arg15[%swap3A_177, %swap3A_178], %swap3A_181 {strides = array<i32>} : memref<32x512xf32, #tpu.memory_space<vmem>>, vector<1x16xf32>,
        %get3A_182 = arith.index_cast %scan3A_100 : i32 to index
        %get3A_183 = arith.constant 80 : index
        %get3A_184 = tpu.vector_load %arg12[%get3A_182, %get3A_183] {strides = array<i32>} : memref<32x512xf32, #tpu.memory_space<vmem>>, vector<1x16xf32>,
        %get3A_185 = vector.shape_cast %get3A_184 : vector<1x16xf32> to vector<16xf32>
        %get3A_186 = arith.index_cast %scan3A_100 : i32 to index
        %get3A_187 = arith.constant 80 : index
        %get3A_188 = tpu.vector_load %arg14[%get3A_186, %get3A_187] {strides = array<i32>} : memref<32x512xf32, #tpu.memory_space<vmem>>, vector<1x16xf32>,
        %get3A_189 = vector.shape_cast %get3A_188 : vector<1x16xf32> to vector<16xf32>
        %sub3A_190 = arith.subf %get3A_189, %get3A_185 : vector<16xf32>
        %mul3A_191 = arith.mulf %get3A_103, %sub3A_190 : vector<16xf32>
        %add3A_192 = arith.addf %get3A_185, %mul3A_191 : vector<16xf32>
        %swap3A_193 = arith.index_cast %scan3A_100 : i32 to index
        %swap3A_194 = arith.constant 80 : index
        %swap3A_195 = tpu.vector_load %arg15[%swap3A_193, %swap3A_194] {strides = array<i32>} : memref<32x512xf32, #tpu.memory_space<vmem>>, vector<1x16xf32>,
        %swap3A_196 = vector.shape_cast %swap3A_195 : vector<1x16xf32> to vector<16xf32>
        %swap3A_197 = vector.shape_cast %add3A_192 : vector<16xf32> to vector<1x16xf32>
        tpu.vector_store %arg15[%swap3A_193, %swap3A_194], %swap3A_197 {strides = array<i32>} : memref<32x512xf32, #tpu.memory_space<vmem>>, vector<1x16xf32>,
        %get3A_198 = arith.index_cast %scan3A_100 : i32 to index
        %get3A_199 = arith.constant 96 : index
        %get3A_200 = tpu.vector_load %arg12[%get3A_198, %get3A_199] {strides = array<i32>} : memref<32x512xf32, #tpu.memory_space<vmem>>, vector<1x16xf32>,
        %get3A_201 = vector.shape_cast %get3A_200 : vector<1x16xf32> to vector<16xf32>
        %get3A_202 = arith.index_cast %scan3A_100 : i32 to index
        %get3A_203 = arith.constant 96 : index
        %get3A_204 = tpu.vector_load %arg14[%get3A_202, %get3A_203] {strides = array<i32>} : memref<32x512xf32, #tpu.memory_space<vmem>>, vector<1x16xf32>,
        %get3A_205 = vector.shape_cast %get3A_204 : vector<1x16xf32> to vector<16xf32>
        %sub3A_206 = arith.subf %get3A_205, %get3A_201 : vector<16xf32>
        %mul3A_207 = arith.mulf %get3A_103, %sub3A_206 : vector<16xf32>
        %add3A_208 = arith.addf %get3A_201, %mul3A_207 : vector<16xf32>
        %swap3A_209 = arith.index_cast %scan3A_100 : i32 to index
        %swap3A_210 = arith.constant 96 : index
        %swap3A_211 = tpu.vector_load %arg15[%swap3A_209, %swap3A_210] {strides = array<i32>} : memref<32x512xf32, #tpu.memory_space<vmem>>, vector<1x16xf32>,
        %swap3A_212 = vector.shape_cast %swap3A_211 : vector<1x16xf32> to vector<16xf32>
        %swap3A_213 = vector.shape_cast %add3A_208 : vector<16xf32> to vector<1x16xf32>
        tpu.vector_store %arg15[%swap3A_209, %swap3A_210], %swap3A_213 {strides = array<i32>} : memref<32x512xf32, #tpu.memory_space<vmem>>, vector<1x16xf32>,
        %get3A_214 = arith.index_cast %scan3A_100 : i32 to index
        %get3A_215 = arith.constant 112 : index
        %get3A_216 = tpu.vector_load %arg12[%get3A_214, %get3A_215] {strides = array<i32>} : memref<32x512xf32, #tpu.memory_space<vmem>>, vector<1x16xf32>,
        %get3A_217 = vector.shape_cast %get3A_216 : vector<1x16xf32> to vector<16xf32>
        %get3A_218 = arith.index_cast %scan3A_100 : i32 to index
        %get3A_219 = arith.constant 112 : index
        %get3A_220 = tpu.vector_load %arg14[%get3A_218, %get3A_219] {strides = array<i32>} : memref<32x512xf32, #tpu.memory_space<vmem>>, vector<1x16xf32>,
        %get3A_221 = vector.shape_cast %get3A_220 : vector<1x16xf32> to vector<16xf32>
        %sub3A_222 = arith.subf %get3A_221, %get3A_217 : vector<16xf32>
        %mul3A_223 = arith.mulf %get3A_103, %sub3A_222 : vector<16xf32>
        %add3A_224 = arith.addf %get3A_217, %mul3A_223 : vector<16xf32>
        %swap3A_225 = arith.index_cast %scan3A_100 : i32 to index
        %swap3A_226 = arith.constant 112 : index
        %swap3A_227 = tpu.vector_load %arg15[%swap3A_225, %swap3A_226] {strides = array<i32>} : memref<32x512xf32, #tpu.memory_space<vmem>>, vector<1x16xf32>,
        %swap3A_228 = vector.shape_cast %swap3A_227 : vector<1x16xf32> to vector<16xf32>
        %swap3A_229 = vector.shape_cast %add3A_224 : vector<16xf32> to vector<1x16xf32>
        tpu.vector_store %arg15[%swap3A_225, %swap3A_226], %swap3A_229 {strides = array<i32>} : memref<32x512xf32, #tpu.memory_space<vmem>>, vector<1x16xf32>,
        %get3A_230 = arith.index_cast %scan3A_100 : i32 to index
        %get3A_231 = arith.constant 128 : index
        %get3A_232 = tpu.vector_load %arg12[%get3A_230, %get3A_231] {strides = array<i32>} : memref<32x512xf32, #tpu.memory_space<vmem>>, vector<1x16xf32>,
        %get3A_233 = vector.shape_cast %get3A_232 : vector<1x16xf32> to vector<16xf32>
        %get3A_234 = arith.index_cast %scan3A_100 : i32 to index
        %get3A_235 = arith.constant 128 : index
        %get3A_236 = tpu.vector_load %arg14[%get3A_234, %get3A_235] {strides = array<i32>} : memref<32x512xf32, #tpu.memory_space<vmem>>, vector<1x16xf32>,
        %get3A_237 = vector.shape_cast %get3A_236 : vector<1x16xf32> to vector<16xf32>
        %sub3A_238 = arith.subf %get3A_237, %get3A_233 : vector<16xf32>
        %mul3A_239 = arith.mulf %get3A_103, %sub3A_238 : vector<16xf32>
        %add3A_240 = arith.addf %get3A_233, %mul3A_239 : vector<16xf32>
        %swap3A_241 = arith.index_cast %scan3A_100 : i32 to index
        %swap3A_242 = arith.constant 128 : index
        %swap3A_243 = tpu.vector_load %arg15[%swap3A_241, %swap3A_242] {strides = array<i32>} : memref<32x512xf32, #tpu.memory_space<vmem>>, vector<1x16xf32>,
        %swap3A_244 = vector.shape_cast %swap3A_243 : vector<1x16xf32> to vector<16xf32>
        %swap3A_245 = vector.shape_cast %add3A_240 : vector<16xf32> to vector<1x16xf32>
        tpu.vector_store %arg15[%swap3A_241, %swap3A_242], %swap3A_245 {strides = array<i32>} : memref<32x512xf32, #tpu.memory_space<vmem>>, vector<1x16xf32>,
        %get3A_246 = arith.index_cast %scan3A_100 : i32 to index
        %get3A_247 = arith.constant 144 : index
        %get3A_248 = tpu.vector_load %arg12[%get3A_246, %get3A_247] {strides = array<i32>} : memref<32x512xf32, #tpu.memory_space<vmem>>, vector<1x16xf32>,
        %get3A_249 = vector.shape_cast %get3A_248 : vector<1x16xf32> to vector<16xf32>
        %get3A_250 = arith.index_cast %scan3A_100 : i32 to index
        %get3A_251 = arith.constant 144 : index
        %get3A_252 = tpu.vector_load %arg14[%get3A_250, %get3A_251] {strides = array<i32>} : memref<32x512xf32, #tpu.memory_space<vmem>>, vector<1x16xf32>,
        %get3A_253 = vector.shape_cast %get3A_252 : vector<1x16xf32> to vector<16xf32>
        %sub3A_254 = arith.subf %get3A_253, %get3A_249 : vector<16xf32>
        %mul3A_255 = arith.mulf %get3A_103, %sub3A_254 : vector<16xf32>
        %add3A_256 = arith.addf %get3A_249, %mul3A_255 : vector<16xf32>
        %swap3A_257 = arith.index_cast %scan3A_100 : i32 to index
        %swap3A_258 = arith.constant 144 : index
        %swap3A_259 = tpu.vector_load %arg15[%swap3A_257, %swap3A_258] {strides = array<i32>} : memref<32x512xf32, #tpu.memory_space<vmem>>, vector<1x16xf32>,
        %swap3A_260 = vector.shape_cast %swap3A_259 : vector<1x16xf32> to vector<16xf32>
        %swap3A_261 = vector.shape_cast %add3A_256 : vector<16xf32> to vector<1x16xf32>
        tpu.vector_store %arg15[%swap3A_257, %swap3A_258], %swap3A_261 {strides = array<i32>} : memref<32x512xf32, #tpu.memory_space<vmem>>, vector<1x16xf32>,
        %get3A_262 = arith.index_cast %scan3A_100 : i32 to index
        %get3A_263 = arith.constant 160 : index
        %get3A_264 = tpu.vector_load %arg12[%get3A_262, %get3A_263] {strides = array<i32>} : memref<32x512xf32, #tpu.memory_space<vmem>>, vector<1x16xf32>,
        %get3A_265 = vector.shape_cast %get3A_264 : vector<1x16xf32> to vector<16xf32>
        %get3A_266 = arith.index_cast %scan3A_100 : i32 to index
        %get3A_267 = arith.constant 160 : index
        %get3A_268 = tpu.vector_load %arg14[%get3A_266, %get3A_267] {strides = array<i32>} : memref<32x512xf32, #tpu.memory_space<vmem>>, vector<1x16xf32>,
        %get3A_269 = vector.shape_cast %get3A_268 : vector<1x16xf32> to vector<16xf32>
        %sub3A_270 = arith.subf %get3A_269, %get3A_265 : vector<16xf32>
        %mul3A_271 = arith.mulf %get3A_103, %sub3A_270 : vector<16xf32>
        %add3A_272 = arith.addf %get3A_265, %mul3A_271 : vector<16xf32>
        %swap3A_273 = arith.index_cast %scan3A_100 : i32 to index
        %swap3A_274 = arith.constant 160 : index
        %swap3A_275 = tpu.vector_load %arg15[%swap3A_273, %swap3A_274] {strides = array<i32>} : memref<32x512xf32, #tpu.memory_space<vmem>>, vector<1x16xf32>,
        %swap3A_276 = vector.shape_cast %swap3A_275 : vector<1x16xf32> to vector<16xf32>
        %swap3A_277 = vector.shape_cast %add3A_272 : vector<16xf32> to vector<1x16xf32>
        tpu.vector_store %arg15[%swap3A_273, %swap3A_274], %swap3A_277 {strides = array<i32>} : memref<32x512xf32, #tpu.memory_space<vmem>>, vector<1x16xf32>,
        %get3A_278 = arith.index_cast %scan3A_100 : i32 to index
        %get3A_279 = arith.constant 176 : index
        %get3A_280 = tpu.vector_load %arg12[%get3A_278, %get3A_279] {strides = array<i32>} : memref<32x512xf32, #tpu.memory_space<vmem>>, vector<1x16xf32>,
        %get3A_281 = vector.shape_cast %get3A_280 : vector<1x16xf32> to vector<16xf32>
        %get3A_282 = arith.index_cast %scan3A_100 : i32 to index
        %get3A_283 = arith.constant 176 : index
        %get3A_284 = tpu.vector_load %arg14[%get3A_282, %get3A_283] {strides = array<i32>} : memref<32x512xf32, #tpu.memory_space<vmem>>, vector<1x16xf32>,
        %get3A_285 = vector.shape_cast %get3A_284 : vector<1x16xf32> to vector<16xf32>
        %sub3A_286 = arith.subf %get3A_285, %get3A_281 : vector<16xf32>
        %mul3A_287 = arith.mulf %get3A_103, %sub3A_286 : vector<16xf32>
        %add3A_288 = arith.addf %get3A_281, %mul3A_287 : vector<16xf32>
        %swap3A_289 = arith.index_cast %scan3A_100 : i32 to index
        %swap3A_290 = arith.constant 176 : index
        %swap3A_291 = tpu.vector_load %arg15[%swap3A_289, %swap3A_290] {strides = array<i32>} : memref<32x512xf32, #tpu.memory_space<vmem>>, vector<1x16xf32>,
        %swap3A_292 = vector.shape_cast %swap3A_291 : vector<1x16xf32> to vector<16xf32>
        %swap3A_293 = vector.shape_cast %add3A_288 : vector<16xf32> to vector<1x16xf32>
        tpu.vector_store %arg15[%swap3A_289, %swap3A_290], %swap3A_293 {strides = array<i32>} : memref<32x512xf32, #tpu.memory_space<vmem>>, vector<1x16xf32>,
        %get3A_294 = arith.index_cast %scan3A_100 : i32 to index
        %get3A_295 = arith.constant 192 : index
        %get3A_296 = tpu.vector_load %arg12[%get3A_294, %get3A_295] {strides = array<i32>} : memref<32x512xf32, #tpu.memory_space<vmem>>, vector<1x16xf32>,
        %get3A_297 = vector.shape_cast %get3A_296 : vector<1x16xf32> to vector<16xf32>
        %get3A_298 = arith.index_cast %scan3A_100 : i32 to index
        %get3A_299 = arith.constant 192 : index
        %get3A_300 = tpu.vector_load %arg14[%get3A_298, %get3A_299] {strides = array<i32>} : memref<32x512xf32, #tpu.memory_space<vmem>>, vector<1x16xf32>,
        %get3A_301 = vector.shape_cast %get3A_300 : vector<1x16xf32> to vector<16xf32>
        %sub3A_302 = arith.subf %get3A_301, %get3A_297 : vector<16xf32>
        %mul3A_303 = arith.mulf %get3A_103, %sub3A_302 : vector<16xf32>
        %add3A_304 = arith.addf %get3A_297, %mul3A_303 : vector<16xf32>
        %swap3A_305 = arith.index_cast %scan3A_100 : i32 to index
        %swap3A_306 = arith.constant 192 : index
        %swap3A_307 = tpu.vector_load %arg15[%swap3A_305, %swap3A_306] {strides = array<i32>} : memref<32x512xf32, #tpu.memory_space<vmem>>, vector<1x16xf32>,
        %swap3A_308 = vector.shape_cast %swap3A_307 : vector<1x16xf32> to vector<16xf32>
        %swap3A_309 = vector.shape_cast %add3A_304 : vector<16xf32> to vector<1x16xf32>
        tpu.vector_store %arg15[%swap3A_305, %swap3A_306], %swap3A_309 {strides = array<i32>} : memref<32x512xf32, #tpu.memory_space<vmem>>, vector<1x16xf32>,
        %get3A_310 = arith.index_cast %scan3A_100 : i32 to index
        %get3A_311 = arith.constant 208 : index
        %get3A_312 = tpu.vector_load %arg12[%get3A_310, %get3A_311] {strides = array<i32>} : memref<32x512xf32, #tpu.memory_space<vmem>>, vector<1x16xf32>,
        %get3A_313 = vector.shape_cast %get3A_312 : vector<1x16xf32> to vector<16xf32>
        %get3A_314 = arith.index_cast %scan3A_100 : i32 to index
        %get3A_315 = arith.constant 208 : index
        %get3A_316 = tpu.vector_load %arg14[%get3A_314, %get3A_315] {strides = array<i32>} : memref<32x512xf32, #tpu.memory_space<vmem>>, vector<1x16xf32>,
        %get3A_317 = vector.shape_cast %get3A_316 : vector<1x16xf32> to vector<16xf32>
        %sub3A_318 = arith.subf %get3A_317, %get3A_313 : vector<16xf32>
        %mul3A_319 = arith.mulf %get3A_103, %sub3A_318 : vector<16xf32>
        %add3A_320 = arith.addf %get3A_313, %mul3A_319 : vector<16xf32>
        %swap3A_321 = arith.index_cast %scan3A_100 : i32 to index
        %swap3A_322 = arith.constant 208 : index
        %swap3A_323 = tpu.vector_load %arg15[%swap3A_321, %swap3A_322] {strides = array<i32>} : memref<32x512xf32, #tpu.memory_space<vmem>>, vector<1x16xf32>,
        %swap3A_324 = vector.shape_cast %swap3A_323 : vector<1x16xf32> to vector<16xf32>
        %swap3A_325 = vector.shape_cast %add3A_320 : vector<16xf32> to vector<1x16xf32>
        tpu.vector_store %arg15[%swap3A_321, %swap3A_322], %swap3A_325 {strides = array<i32>} : memref<32x512xf32, #tpu.memory_space<vmem>>, vector<1x16xf32>,
        %get3A_326 = arith.index_cast %scan3A_100 : i32 to index
        %get3A_327 = arith.constant 224 : index
        %get3A_328 = tpu.vector_load %arg12[%get3A_326, %get3A_327] {strides = array<i32>} : memref<32x512xf32, #tpu.memory_space<vmem>>, vector<1x16xf32>,
        %get3A_329 = vector.shape_cast %get3A_328 : vector<1x16xf32> to vector<16xf32>
        %get3A_330 = arith.index_cast %scan3A_100 : i32 to index
        %get3A_331 = arith.constant 224 : index
        %get3A_332 = tpu.vector_load %arg14[%get3A_330, %get3A_331] {strides = array<i32>} : memref<32x512xf32, #tpu.memory_space<vmem>>, vector<1x16xf32>,
        %get3A_333 = vector.shape_cast %get3A_332 : vector<1x16xf32> to vector<16xf32>
        %sub3A_334 = arith.subf %get3A_333, %get3A_329 : vector<16xf32>
        %mul3A_335 = arith.mulf %get3A_103, %sub3A_334 : vector<16xf32>
        %add3A_336 = arith.addf %get3A_329, %mul3A_335 : vector<16xf32>
        %swap3A_337 = arith.index_cast %scan3A_100 : i32 to index
        %swap3A_338 = arith.constant 224 : index
        %swap3A_339 = tpu.vector_load %arg15[%swap3A_337, %swap3A_338] {strides = array<i32>} : memref<32x512xf32, #tpu.memory_space<vmem>>, vector<1x16xf32>,
        %swap3A_340 = vector.shape_cast %swap3A_339 : vector<1x16xf32> to vector<16xf32>
        %swap3A_341 = vector.shape_cast %add3A_336 : vector<16xf32> to vector<1x16xf32>
        tpu.vector_store %arg15[%swap3A_337, %swap3A_338], %swap3A_341 {strides = array<i32>} : memref<32x512xf32, #tpu.memory_space<vmem>>, vector<1x16xf32>,
        %get3A_342 = arith.index_cast %scan3A_100 : i32 to index
        %get3A_343 = arith.constant 240 : index
        %get3A_344 = tpu.vector_load %arg12[%get3A_342, %get3A_343] {strides = array<i32>} : memref<32x512xf32, #tpu.memory_space<vmem>>, vector<1x16xf32>,
        %get3A_345 = vector.shape_cast %get3A_344 : vector<1x16xf32> to vector<16xf32>
        %get3A_346 = arith.index_cast %scan3A_100 : i32 to index
        %get3A_347 = arith.constant 240 : index
        %get3A_348 = tpu.vector_load %arg14[%get3A_346, %get3A_347] {strides = array<i32>} : memref<32x512xf32, #tpu.memory_space<vmem>>, vector<1x16xf32>,
        %get3A_349 = vector.shape_cast %get3A_348 : vector<1x16xf32> to vector<16xf32>
        %sub3A_350 = arith.subf %get3A_349, %get3A_345 : vector<16xf32>
        %mul3A_351 = arith.mulf %get3A_103, %sub3A_350 : vector<16xf32>
        %add3A_352 = arith.addf %get3A_345, %mul3A_351 : vector<16xf32>
        %swap3A_353 = arith.index_cast %scan3A_100 : i32 to index
        %swap3A_354 = arith.constant 240 : index
        %swap3A_355 = tpu.vector_load %arg15[%swap3A_353, %swap3A_354] {strides = array<i32>} : memref<32x512xf32, #tpu.memory_space<vmem>>, vector<1x16xf32>,
        %swap3A_356 = vector.shape_cast %swap3A_355 : vector<1x16xf32> to vector<16xf32>
        %swap3A_357 = vector.shape_cast %add3A_352 : vector<16xf32> to vector<1x16xf32>
        tpu.vector_store %arg15[%swap3A_353, %swap3A_354], %swap3A_357 {strides = array<i32>} : memref<32x512xf32, #tpu.memory_space<vmem>>, vector<1x16xf32>,
        %get3A_358 = arith.index_cast %scan3A_100 : i32 to index
        %get3A_359 = arith.constant 256 : index
        %get3A_360 = tpu.vector_load %arg12[%get3A_358, %get3A_359] {strides = array<i32>} : memref<32x512xf32, #tpu.memory_space<vmem>>, vector<1x16xf32>,
        %get3A_361 = vector.shape_cast %get3A_360 : vector<1x16xf32> to vector<16xf32>
        %get3A_362 = arith.index_cast %scan3A_100 : i32 to index
        %get3A_363 = arith.constant 256 : index
        %get3A_364 = tpu.vector_load %arg14[%get3A_362, %get3A_363] {strides = array<i32>} : memref<32x512xf32, #tpu.memory_space<vmem>>, vector<1x16xf32>,
        %get3A_365 = vector.shape_cast %get3A_364 : vector<1x16xf32> to vector<16xf32>
        %sub3A_366 = arith.subf %get3A_365, %get3A_361 : vector<16xf32>
        %mul3A_367 = arith.mulf %get3A_103, %sub3A_366 : vector<16xf32>
        %add3A_368 = arith.addf %get3A_361, %mul3A_367 : vector<16xf32>
        %swap3A_369 = arith.index_cast %scan3A_100 : i32 to index
        %swap3A_370 = arith.constant 256 : index
        %swap3A_371 = tpu.vector_load %arg15[%swap3A_369, %swap3A_370] {strides = array<i32>} : memref<32x512xf32, #tpu.memory_space<vmem>>, vector<1x16xf32>,
        %swap3A_372 = vector.shape_cast %swap3A_371 : vector<1x16xf32> to vector<16xf32>
        %swap3A_373 = vector.shape_cast %add3A_368 : vector<16xf32> to vector<1x16xf32>
        tpu.vector_store %arg15[%swap3A_369, %swap3A_370], %swap3A_373 {strides = array<i32>} : memref<32x512xf32, #tpu.memory_space<vmem>>, vector<1x16xf32>,
        %get3A_374 = arith.index_cast %scan3A_100 : i32 to index
        %get3A_375 = arith.constant 272 : index
        %get3A_376 = tpu.vector_load %arg12[%get3A_374, %get3A_375] {strides = array<i32>} : memref<32x512xf32, #tpu.memory_space<vmem>>, vector<1x16xf32>,
        %get3A_377 = vector.shape_cast %get3A_376 : vector<1x16xf32> to vector<16xf32>
        %get3A_378 = arith.index_cast %scan3A_100 : i32 to index
        %get3A_379 = arith.constant 272 : index
        %get3A_380 = tpu.vector_load %arg14[%get3A_378, %get3A_379] {strides = array<i32>} : memref<32x512xf32, #tpu.memory_space<vmem>>, vector<1x16xf32>,
        %get3A_381 = vector.shape_cast %get3A_380 : vector<1x16xf32> to vector<16xf32>
        %sub3A_382 = arith.subf %get3A_381, %get3A_377 : vector<16xf32>
        %mul3A_383 = arith.mulf %get3A_103, %sub3A_382 : vector<16xf32>
        %add3A_384 = arith.addf %get3A_377, %mul3A_383 : vector<16xf32>
        %swap3A_385 = arith.index_cast %scan3A_100 : i32 to index
        %swap3A_386 = arith.constant 272 : index
        %swap3A_387 = tpu.vector_load %arg15[%swap3A_385, %swap3A_386] {strides = array<i32>} : memref<32x512xf32, #tpu.memory_space<vmem>>, vector<1x16xf32>,
        %swap3A_388 = vector.shape_cast %swap3A_387 : vector<1x16xf32> to vector<16xf32>
        %swap3A_389 = vector.shape_cast %add3A_384 : vector<16xf32> to vector<1x16xf32>
        tpu.vector_store %arg15[%swap3A_385, %swap3A_386], %swap3A_389 {strides = array<i32>} : memref<32x512xf32, #tpu.memory_space<vmem>>, vector<1x16xf32>,
        %get3A_390 = arith.index_cast %scan3A_100 : i32 to index
        %get3A_391 = arith.constant 288 : index
        %get3A_392 = tpu.vector_load %arg12[%get3A_390, %get3A_391] {strides = array<i32>} : memref<32x512xf32, #tpu.memory_space<vmem>>, vector<1x16xf32>,
        %get3A_393 = vector.shape_cast %get3A_392 : vector<1x16xf32> to vector<16xf32>
        %get3A_394 = arith.index_cast %scan3A_100 : i32 to index
        %get3A_395 = arith.constant 288 : index
        %get3A_396 = tpu.vector_load %arg14[%get3A_394, %get3A_395] {strides = array<i32>} : memref<32x512xf32, #tpu.memory_space<vmem>>, vector<1x16xf32>,
        %get3A_397 = vector.shape_cast %get3A_396 : vector<1x16xf32> to vector<16xf32>
        %sub3A_398 = arith.subf %get3A_397, %get3A_393 : vector<16xf32>
        %mul3A_399 = arith.mulf %get3A_103, %sub3A_398 : vector<16xf32>
        %add3A_400 = arith.addf %get3A_393, %mul3A_399 : vector<16xf32>
        %swap3A_401 = arith.index_cast %scan3A_100 : i32 to index
        %swap3A_402 = arith.constant 288 : index
        %swap3A_403 = tpu.vector_load %arg15[%swap3A_401, %swap3A_402] {strides = array<i32>} : memref<32x512xf32, #tpu.memory_space<vmem>>, vector<1x16xf32>,
        %swap3A_404 = vector.shape_cast %swap3A_403 : vector<1x16xf32> to vector<16xf32>
        %swap3A_405 = vector.shape_cast %add3A_400 : vector<16xf32> to vector<1x16xf32>
        tpu.vector_store %arg15[%swap3A_401, %swap3A_402], %swap3A_405 {strides = array<i32>} : memref<32x512xf32, #tpu.memory_space<vmem>>, vector<1x16xf32>,
        %get3A_406 = arith.index_cast %scan3A_100 : i32 to index
        %get3A_407 = arith.constant 304 : index
        %get3A_408 = tpu.vector_load %arg12[%get3A_406, %get3A_407] {strides = array<i32>} : memref<32x512xf32, #tpu.memory_space<vmem>>, vector<1x16xf32>,
        %get3A_409 = vector.shape_cast %get3A_408 : vector<1x16xf32> to vector<16xf32>
        %get3A_410 = arith.index_cast %scan3A_100 : i32 to index
        %get3A_411 = arith.constant 304 : index
        %get3A_412 = tpu.vector_load %arg14[%get3A_410, %get3A_411] {strides = array<i32>} : memref<32x512xf32, #tpu.memory_space<vmem>>, vector<1x16xf32>,
        %get3A_413 = vector.shape_cast %get3A_412 : vector<1x16xf32> to vector<16xf32>
        %sub3A_414 = arith.subf %get3A_413, %get3A_409 : vector<16xf32>
        %mul3A_415 = arith.mulf %get3A_103, %sub3A_414 : vector<16xf32>
        %add3A_416 = arith.addf %get3A_409, %mul3A_415 : vector<16xf32>
        %swap3A_417 = arith.index_cast %scan3A_100 : i32 to index
        %swap3A_418 = arith.constant 304 : index
        %swap3A_419 = tpu.vector_load %arg15[%swap3A_417, %swap3A_418] {strides = array<i32>} : memref<32x512xf32, #tpu.memory_space<vmem>>, vector<1x16xf32>,
        %swap3A_420 = vector.shape_cast %swap3A_419 : vector<1x16xf32> to vector<16xf32>
        %swap3A_421 = vector.shape_cast %add3A_416 : vector<16xf32> to vector<1x16xf32>
        tpu.vector_store %arg15[%swap3A_417, %swap3A_418], %swap3A_421 {strides = array<i32>} : memref<32x512xf32, #tpu.memory_space<vmem>>, vector<1x16xf32>,
        %get3A_422 = arith.index_cast %scan3A_100 : i32 to index
        %get3A_423 = arith.constant 320 : index
        %get3A_424 = tpu.vector_load %arg12[%get3A_422, %get3A_423] {strides = array<i32>} : memref<32x512xf32, #tpu.memory_space<vmem>>, vector<1x16xf32>,
        %get3A_425 = vector.shape_cast %get3A_424 : vector<1x16xf32> to vector<16xf32>
        %get3A_426 = arith.index_cast %scan3A_100 : i32 to index
        %get3A_427 = arith.constant 320 : index
        %get3A_428 = tpu.vector_load %arg14[%get3A_426, %get3A_427] {strides = array<i32>} : memref<32x512xf32, #tpu.memory_space<vmem>>, vector<1x16xf32>,
        %get3A_429 = vector.shape_cast %get3A_428 : vector<1x16xf32> to vector<16xf32>
        %sub3A_430 = arith.subf %get3A_429, %get3A_425 : vector<16xf32>
        %mul3A_431 = arith.mulf %get3A_103, %sub3A_430 : vector<16xf32>
        %add3A_432 = arith.addf %get3A_425, %mul3A_431 : vector<16xf32>
        %swap3A_433 = arith.index_cast %scan3A_100 : i32 to index
        %swap3A_434 = arith.constant 320 : index
        %swap3A_435 = tpu.vector_load %arg15[%swap3A_433, %swap3A_434] {strides = array<i32>} : memref<32x512xf32, #tpu.memory_space<vmem>>, vector<1x16xf32>,
        %swap3A_436 = vector.shape_cast %swap3A_435 : vector<1x16xf32> to vector<16xf32>
        %swap3A_437 = vector.shape_cast %add3A_432 : vector<16xf32> to vector<1x16xf32>
        tpu.vector_store %arg15[%swap3A_433, %swap3A_434], %swap3A_437 {strides = array<i32>} : memref<32x512xf32, #tpu.memory_space<vmem>>, vector<1x16xf32>,
        %get3A_438 = arith.index_cast %scan3A_100 : i32 to index
        %get3A_439 = arith.constant 336 : index
        %get3A_440 = tpu.vector_load %arg12[%get3A_438, %get3A_439] {strides = array<i32>} : memref<32x512xf32, #tpu.memory_space<vmem>>, vector<1x16xf32>,
        %get3A_441 = vector.shape_cast %get3A_440 : vector<1x16xf32> to vector<16xf32>
        %get3A_442 = arith.index_cast %scan3A_100 : i32 to index
        %get3A_443 = arith.constant 336 : index
        %get3A_444 = tpu.vector_load %arg14[%get3A_442, %get3A_443] {strides = array<i32>} : memref<32x512xf32, #tpu.memory_space<vmem>>, vector<1x16xf32>,
        %get3A_445 = vector.shape_cast %get3A_444 : vector<1x16xf32> to vector<16xf32>
        %sub3A_446 = arith.subf %get3A_445, %get3A_441 : vector<16xf32>
        %mul3A_447 = arith.mulf %get3A_103, %sub3A_446 : vector<16xf32>
        %add3A_448 = arith.addf %get3A_441, %mul3A_447 : vector<16xf32>
        %swap3A_449 = arith.index_cast %scan3A_100 : i32 to index
        %swap3A_450 = arith.constant 336 : index
        %swap3A_451 = tpu.vector_load %arg15[%swap3A_449, %swap3A_450] {strides = array<i32>} : memref<32x512xf32, #tpu.memory_space<vmem>>, vector<1x16xf32>,
        %swap3A_452 = vector.shape_cast %swap3A_451 : vector<1x16xf32> to vector<16xf32>
        %swap3A_453 = vector.shape_cast %add3A_448 : vector<16xf32> to vector<1x16xf32>
        tpu.vector_store %arg15[%swap3A_449, %swap3A_450], %swap3A_453 {strides = array<i32>} : memref<32x512xf32, #tpu.memory_space<vmem>>, vector<1x16xf32>,
        %get3A_454 = arith.index_cast %scan3A_100 : i32 to index
        %get3A_455 = arith.constant 352 : index
        %get3A_456 = tpu.vector_load %arg12[%get3A_454, %get3A_455] {strides = array<i32>} : memref<32x512xf32, #tpu.memory_space<vmem>>, vector<1x16xf32>,
        %get3A_457 = vector.shape_cast %get3A_456 : vector<1x16xf32> to vector<16xf32>
        %get3A_458 = arith.index_cast %scan3A_100 : i32 to index
        %get3A_459 = arith.constant 352 : index
        %get3A_460 = tpu.vector_load %arg14[%get3A_458, %get3A_459] {strides = array<i32>} : memref<32x512xf32, #tpu.memory_space<vmem>>, vector<1x16xf32>,
        %get3A_461 = vector.shape_cast %get3A_460 : vector<1x16xf32> to vector<16xf32>
        %sub3A_462 = arith.subf %get3A_461, %get3A_457 : vector<16xf32>
        %mul3A_463 = arith.mulf %get3A_103, %sub3A_462 : vector<16xf32>
        %add3A_464 = arith.addf %get3A_457, %mul3A_463 : vector<16xf32>
        %swap3A_465 = arith.index_cast %scan3A_100 : i32 to index
        %swap3A_466 = arith.constant 352 : index
        %swap3A_467 = tpu.vector_load %arg15[%swap3A_465, %swap3A_466] {strides = array<i32>} : memref<32x512xf32, #tpu.memory_space<vmem>>, vector<1x16xf32>,
        %swap3A_468 = vector.shape_cast %swap3A_467 : vector<1x16xf32> to vector<16xf32>
        %swap3A_469 = vector.shape_cast %add3A_464 : vector<16xf32> to vector<1x16xf32>
        tpu.vector_store %arg15[%swap3A_465, %swap3A_466], %swap3A_469 {strides = array<i32>} : memref<32x512xf32, #tpu.memory_space<vmem>>, vector<1x16xf32>,
        %get3A_470 = arith.index_cast %scan3A_100 : i32 to index
        %get3A_471 = arith.constant 368 : index
        %get3A_472 = tpu.vector_load %arg12[%get3A_470, %get3A_471] {strides = array<i32>} : memref<32x512xf32, #tpu.memory_space<vmem>>, vector<1x16xf32>,
        %get3A_473 = vector.shape_cast %get3A_472 : vector<1x16xf32> to vector<16xf32>
        %get3A_474 = arith.index_cast %scan3A_100 : i32 to index
        %get3A_475 = arith.constant 368 : index
        %get3A_476 = tpu.vector_load %arg14[%get3A_474, %get3A_475] {strides = array<i32>} : memref<32x512xf32, #tpu.memory_space<vmem>>, vector<1x16xf32>,
        %get3A_477 = vector.shape_cast %get3A_476 : vector<1x16xf32> to vector<16xf32>
        %sub3A_478 = arith.subf %get3A_477, %get3A_473 : vector<16xf32>
        %mul3A_479 = arith.mulf %get3A_103, %sub3A_478 : vector<16xf32>
        %add3A_480 = arith.addf %get3A_473, %mul3A_479 : vector<16xf32>
        %swap3A_481 = arith.index_cast %scan3A_100 : i32 to index
        %swap3A_482 = arith.constant 368 : index
        %swap3A_483 = tpu.vector_load %arg15[%swap3A_481, %swap3A_482] {strides = array<i32>} : memref<32x512xf32, #tpu.memory_space<vmem>>, vector<1x16xf32>,
        %swap3A_484 = vector.shape_cast %swap3A_483 : vector<1x16xf32> to vector<16xf32>
        %swap3A_485 = vector.shape_cast %add3A_480 : vector<16xf32> to vector<1x16xf32>
        tpu.vector_store %arg15[%swap3A_481, %swap3A_482], %swap3A_485 {strides = array<i32>} : memref<32x512xf32, #tpu.memory_space<vmem>>, vector<1x16xf32>,
        %get3A_486 = arith.index_cast %scan3A_100 : i32 to index
        %get3A_487 = arith.constant 384 : index
        %get3A_488 = tpu.vector_load %arg12[%get3A_486, %get3A_487] {strides = array<i32>} : memref<32x512xf32, #tpu.memory_space<vmem>>, vector<1x16xf32>,
        %get3A_489 = vector.shape_cast %get3A_488 : vector<1x16xf32> to vector<16xf32>
        %get3A_490 = arith.index_cast %scan3A_100 : i32 to index
        %get3A_491 = arith.constant 384 : index
        %get3A_492 = tpu.vector_load %arg14[%get3A_490, %get3A_491] {strides = array<i32>} : memref<32x512xf32, #tpu.memory_space<vmem>>, vector<1x16xf32>,
        %get3A_493 = vector.shape_cast %get3A_492 : vector<1x16xf32> to vector<16xf32>
        %sub3A_494 = arith.subf %get3A_493, %get3A_489 : vector<16xf32>
        %mul3A_495 = arith.mulf %get3A_103, %sub3A_494 : vector<16xf32>
        %add3A_496 = arith.addf %get3A_489, %mul3A_495 : vector<16xf32>
        %swap3A_497 = arith.index_cast %scan3A_100 : i32 to index
        %swap3A_498 = arith.constant 384 : index
        %swap3A_499 = tpu.vector_load %arg15[%swap3A_497, %swap3A_498] {strides = array<i32>} : memref<32x512xf32, #tpu.memory_space<vmem>>, vector<1x16xf32>,
        %swap3A_500 = vector.shape_cast %swap3A_499 : vector<1x16xf32> to vector<16xf32>
        %swap3A_501 = vector.shape_cast %add3A_496 : vector<16xf32> to vector<1x16xf32>
        tpu.vector_store %arg15[%swap3A_497, %swap3A_498], %swap3A_501 {strides = array<i32>} : memref<32x512xf32, #tpu.memory_space<vmem>>, vector<1x16xf32>,
        %get3A_502 = arith.index_cast %scan3A_100 : i32 to index
        %get3A_503 = arith.constant 400 : index
        %get3A_504 = tpu.vector_load %arg12[%get3A_502, %get3A_503] {strides = array<i32>} : memref<32x512xf32, #tpu.memory_space<vmem>>, vector<1x16xf32>,
        %get3A_505 = vector.shape_cast %get3A_504 : vector<1x16xf32> to vector<16xf32>
        %get3A_506 = arith.index_cast %scan3A_100 : i32 to index
        %get3A_507 = arith.constant 400 : index
        %get3A_508 = tpu.vector_load %arg14[%get3A_506, %get3A_507] {strides = array<i32>} : memref<32x512xf32, #tpu.memory_space<vmem>>, vector<1x16xf32>,
        %get3A_509 = vector.shape_cast %get3A_508 : vector<1x16xf32> to vector<16xf32>
        %sub3A_510 = arith.subf %get3A_509, %get3A_505 : vector<16xf32>
        %mul3A_511 = arith.mulf %get3A_103, %sub3A_510 : vector<16xf32>
        %add3A_512 = arith.addf %get3A_505, %mul3A_511 : vector<16xf32>
        %swap3A_513 = arith.index_cast %scan3A_100 : i32 to index
        %swap3A_514 = arith.constant 400 : index
        %swap3A_515 = tpu.vector_load %arg15[%swap3A_513, %swap3A_514] {strides = array<i32>} : memref<32x512xf32, #tpu.memory_space<vmem>>, vector<1x16xf32>,
        %swap3A_516 = vector.shape_cast %swap3A_515 : vector<1x16xf32> to vector<16xf32>
        %swap3A_517 = vector.shape_cast %add3A_512 : vector<16xf32> to vector<1x16xf32>
        tpu.vector_store %arg15[%swap3A_513, %swap3A_514], %swap3A_517 {strides = array<i32>} : memref<32x512xf32, #tpu.memory_space<vmem>>, vector<1x16xf32>,
        %get3A_518 = arith.index_cast %scan3A_100 : i32 to index
        %get3A_519 = arith.constant 416 : index
        %get3A_520 = tpu.vector_load %arg12[%get3A_518, %get3A_519] {strides = array<i32>} : memref<32x512xf32, #tpu.memory_space<vmem>>, vector<1x16xf32>,
        %get3A_521 = vector.shape_cast %get3A_520 : vector<1x16xf32> to vector<16xf32>
        %get3A_522 = arith.index_cast %scan3A_100 : i32 to index
        %get3A_523 = arith.constant 416 : index
        %get3A_524 = tpu.vector_load %arg14[%get3A_522, %get3A_523] {strides = array<i32>} : memref<32x512xf32, #tpu.memory_space<vmem>>, vector<1x16xf32>,
        %get3A_525 = vector.shape_cast %get3A_524 : vector<1x16xf32> to vector<16xf32>
        %sub3A_526 = arith.subf %get3A_525, %get3A_521 : vector<16xf32>
        %mul3A_527 = arith.mulf %get3A_103, %sub3A_526 : vector<16xf32>
        %add3A_528 = arith.addf %get3A_521, %mul3A_527 : vector<16xf32>
        %swap3A_529 = arith.index_cast %scan3A_100 : i32 to index
        %swap3A_530 = arith.constant 416 : index
        %swap3A_531 = tpu.vector_load %arg15[%swap3A_529, %swap3A_530] {strides = array<i32>} : memref<32x512xf32, #tpu.memory_space<vmem>>, vector<1x16xf32>,
        %swap3A_532 = vector.shape_cast %swap3A_531 : vector<1x16xf32> to vector<16xf32>
        %swap3A_533 = vector.shape_cast %add3A_528 : vector<16xf32> to vector<1x16xf32>
        tpu.vector_store %arg15[%swap3A_529, %swap3A_530], %swap3A_533 {strides = array<i32>} : memref<32x512xf32, #tpu.memory_space<vmem>>, vector<1x16xf32>,
        %get3A_534 = arith.index_cast %scan3A_100 : i32 to index
        %get3A_535 = arith.constant 432 : index
        %get3A_536 = tpu.vector_load %arg12[%get3A_534, %get3A_535] {strides = array<i32>} : memref<32x512xf32, #tpu.memory_space<vmem>>, vector<1x16xf32>,
        %get3A_537 = vector.shape_cast %get3A_536 : vector<1x16xf32> to vector<16xf32>
        %get3A_538 = arith.index_cast %scan3A_100 : i32 to index
        %get3A_539 = arith.constant 432 : index
        %get3A_540 = tpu.vector_load %arg14[%get3A_538, %get3A_539] {strides = array<i32>} : memref<32x512xf32, #tpu.memory_space<vmem>>, vector<1x16xf32>,
        %get3A_541 = vector.shape_cast %get3A_540 : vector<1x16xf32> to vector<16xf32>
        %sub3A_542 = arith.subf %get3A_541, %get3A_537 : vector<16xf32>
        %mul3A_543 = arith.mulf %get3A_103, %sub3A_542 : vector<16xf32>
        %add3A_544 = arith.addf %get3A_537, %mul3A_543 : vector<16xf32>
        %swap3A_545 = arith.index_cast %scan3A_100 : i32 to index
        %swap3A_546 = arith.constant 432 : index
        %swap3A_547 = tpu.vector_load %arg15[%swap3A_545, %swap3A_546] {strides = array<i32>} : memref<32x512xf32, #tpu.memory_space<vmem>>, vector<1x16xf32>,
        %swap3A_548 = vector.shape_cast %swap3A_547 : vector<1x16xf32> to vector<16xf32>
        %swap3A_549 = vector.shape_cast %add3A_544 : vector<16xf32> to vector<1x16xf32>
        tpu.vector_store %arg15[%swap3A_545, %swap3A_546], %swap3A_549 {strides = array<i32>} : memref<32x512xf32, #tpu.memory_space<vmem>>, vector<1x16xf32>,
        %get3A_550 = arith.index_cast %scan3A_100 : i32 to index
        %get3A_551 = arith.constant 448 : index
        %get3A_552 = tpu.vector_load %arg12[%get3A_550, %get3A_551] {strides = array<i32>} : memref<32x512xf32, #tpu.memory_space<vmem>>, vector<1x16xf32>,
        %get3A_553 = vector.shape_cast %get3A_552 : vector<1x16xf32> to vector<16xf32>
        %get3A_554 = arith.index_cast %scan3A_100 : i32 to index
        %get3A_555 = arith.constant 448 : index
        %get3A_556 = tpu.vector_load %arg14[%get3A_554, %get3A_555] {strides = array<i32>} : memref<32x512xf32, #tpu.memory_space<vmem>>, vector<1x16xf32>,
        %get3A_557 = vector.shape_cast %get3A_556 : vector<1x16xf32> to vector<16xf32>
        %sub3A_558 = arith.subf %get3A_557, %get3A_553 : vector<16xf32>
        %mul3A_559 = arith.mulf %get3A_103, %sub3A_558 : vector<16xf32>
        %add3A_560 = arith.addf %get3A_553, %mul3A_559 : vector<16xf32>
        %swap3A_561 = arith.index_cast %scan3A_100 : i32 to index
        %swap3A_562 = arith.constant 448 : index
        %swap3A_563 = tpu.vector_load %arg15[%swap3A_561, %swap3A_562] {strides = array<i32>} : memref<32x512xf32, #tpu.memory_space<vmem>>, vector<1x16xf32>,
        %swap3A_564 = vector.shape_cast %swap3A_563 : vector<1x16xf32> to vector<16xf32>
        %swap3A_565 = vector.shape_cast %add3A_560 : vector<16xf32> to vector<1x16xf32>
        tpu.vector_store %arg15[%swap3A_561, %swap3A_562], %swap3A_565 {strides = array<i32>} : memref<32x512xf32, #tpu.memory_space<vmem>>, vector<1x16xf32>,
        %get3A_566 = arith.index_cast %scan3A_100 : i32 to index
        %get3A_567 = arith.constant 464 : index
        %get3A_568 = tpu.vector_load %arg12[%get3A_566, %get3A_567] {strides = array<i32>} : memref<32x512xf32, #tpu.memory_space<vmem>>, vector<1x16xf32>,
        %get3A_569 = vector.shape_cast %get3A_568 : vector<1x16xf32> to vector<16xf32>
        %get3A_570 = arith.index_cast %scan3A_100 : i32 to index
        %get3A_571 = arith.constant 464 : index
        %get3A_572 = tpu.vector_load %arg14[%get3A_570, %get3A_571] {strides = array<i32>} : memref<32x512xf32, #tpu.memory_space<vmem>>, vector<1x16xf32>,
        %get3A_573 = vector.shape_cast %get3A_572 : vector<1x16xf32> to vector<16xf32>
        %sub3A_574 = arith.subf %get3A_573, %get3A_569 : vector<16xf32>
        %mul3A_575 = arith.mulf %get3A_103, %sub3A_574 : vector<16xf32>
        %add3A_576 = arith.addf %get3A_569, %mul3A_575 : vector<16xf32>
        %swap3A_577 = arith.index_cast %scan3A_100 : i32 to index
        %swap3A_578 = arith.constant 464 : index
        %swap3A_579 = tpu.vector_load %arg15[%swap3A_577, %swap3A_578] {strides = array<i32>} : memref<32x512xf32, #tpu.memory_space<vmem>>, vector<1x16xf32>,
        %swap3A_580 = vector.shape_cast %swap3A_579 : vector<1x16xf32> to vector<16xf32>
        %swap3A_581 = vector.shape_cast %add3A_576 : vector<16xf32> to vector<1x16xf32>
        tpu.vector_store %arg15[%swap3A_577, %swap3A_578], %swap3A_581 {strides = array<i32>} : memref<32x512xf32, #tpu.memory_space<vmem>>, vector<1x16xf32>,
        %get3A_582 = arith.index_cast %scan3A_100 : i32 to index
        %get3A_583 = arith.constant 480 : index
        %get3A_584 = tpu.vector_load %arg12[%get3A_582, %get3A_583] {strides = array<i32>} : memref<32x512xf32, #tpu.memory_space<vmem>>, vector<1x16xf32>,
        %get3A_585 = vector.shape_cast %get3A_584 : vector<1x16xf32> to vector<16xf32>
        %get3A_586 = arith.index_cast %scan3A_100 : i32 to index
        %get3A_587 = arith.constant 480 : index
        %get3A_588 = tpu.vector_load %arg14[%get3A_586, %get3A_587] {strides = array<i32>} : memref<32x512xf32, #tpu.memory_space<vmem>>, vector<1x16xf32>,
        %get3A_589 = vector.shape_cast %get3A_588 : vector<1x16xf32> to vector<16xf32>
        %sub3A_590 = arith.subf %get3A_589, %get3A_585 : vector<16xf32>
        %mul3A_591 = arith.mulf %get3A_103, %sub3A_590 : vector<16xf32>
        %add3A_592 = arith.addf %get3A_585, %mul3A_591 : vector<16xf32>
        %swap3A_593 = arith.index_cast %scan3A_100 : i32 to index
        %swap3A_594 = arith.constant 480 : index
        %swap3A_595 = tpu.vector_load %arg15[%swap3A_593, %swap3A_594] {strides = array<i32>} : memref<32x512xf32, #tpu.memory_space<vmem>>, vector<1x16xf32>,
        %swap3A_596 = vector.shape_cast %swap3A_595 : vector<1x16xf32> to vector<16xf32>
        %swap3A_597 = vector.shape_cast %add3A_592 : vector<16xf32> to vector<1x16xf32>
        tpu.vector_store %arg15[%swap3A_593, %swap3A_594], %swap3A_597 {strides = array<i32>} : memref<32x512xf32, #tpu.memory_space<vmem>>, vector<1x16xf32>,
        %get3A_598 = arith.index_cast %scan3A_100 : i32 to index
        %get3A_599 = arith.constant 496 : index
        %get3A_600 = tpu.vector_load %arg12[%get3A_598, %get3A_599] {strides = array<i32>} : memref<32x512xf32, #tpu.memory_space<vmem>>, vector<1x16xf32>,
        %get3A_601 = vector.shape_cast %get3A_600 : vector<1x16xf32> to vector<16xf32>
        %get3A_602 = arith.index_cast %scan3A_100 : i32 to index
        %get3A_603 = arith.constant 496 : index
        %get3A_604 = tpu.vector_load %arg14[%get3A_602, %get3A_603] {strides = array<i32>} : memref<32x512xf32, #tpu.memory_space<vmem>>, vector<1x16xf32>,
        %get3A_605 = vector.shape_cast %get3A_604 : vector<1x16xf32> to vector<16xf32>
        %sub3A_606 = arith.subf %get3A_605, %get3A_601 : vector<16xf32>
        %mul3A_607 = arith.mulf %get3A_103, %sub3A_606 : vector<16xf32>
        %add3A_608 = arith.addf %get3A_601, %mul3A_607 : vector<16xf32>
        %swap3A_609 = arith.index_cast %scan3A_100 : i32 to index
        %swap3A_610 = arith.constant 496 : index
        %swap3A_611 = tpu.vector_load %arg15[%swap3A_609, %swap3A_610] {strides = array<i32>} : memref<32x512xf32, #tpu.memory_space<vmem>>, vector<1x16xf32>,
        %swap3A_612 = vector.shape_cast %swap3A_611 : vector<1x16xf32> to vector<16xf32>
        %swap3A_613 = vector.shape_cast %add3A_608 : vector<16xf32> to vector<1x16xf32>
        tpu.vector_store %arg15[%swap3A_609, %swap3A_610], %swap3A_613 {strides = array<i32>} : memref<32x512xf32, #tpu.memory_space<vmem>>, vector<1x16xf32>,
      }
      %scan3A_93 = arith.constant 32 : i32
      %lt3A_94 = arith.constant 31 : i32
      %lt3A_95 = arith.cmpi slt, %scan3A_39, %lt3A_94 : i32
      %convert_element_type3A_96 = arith.extui %lt3A_95 : i1 to i32
      %cond3A_97 = arith.constant 0 : i32
      %cond3A_98 = arith.cmpi ne, %convert_element_type3A_96, %cond3A_97 : i32
      scf.if %cond3A_98 {
        %add3A_100 = arith.constant 2 : i32
        %add3A_101 = arith.addi %add3A_71, %add3A_100 : i32
        %mul3A_102 = arith.constant 32 : i32
        %mul3A_103 = arith.muli %add3A_101, %mul3A_102 : i32
        %dma_start3A_104 = arith.constant 0 : i32
        %dma_start3A_105 = tpu.memref_slice %arg5[%mul3A_103, %dma_start3A_104] : memref<2048x16xf32, #tpu.memory_space<hbm>> -> memref<32x16xf32, #tpu.memory_space<hbm>>
        %dma_start3A_106 = arith.constant 0 : i32
        %dma_start3A_107 = tpu.memref_slice %arg5[%mul3A_103, %dma_start3A_106] : memref<2048x16xf32, #tpu.memory_space<hbm>> -> memref<32x16xf32, #tpu.memory_space<hbm>>
        tpu.enqueue_dma source(%dma_start3A_107 : memref<32x16xf32, #tpu.memory_space<hbm>>) target(%arg10 : memref<32x16xf32, #tpu.memory_space<vmem>>) target_semaphore(%arg17 : memref<!tpu.dma_semaphore, #tpu.memory_space<semaphore_mem>>)
        %dma_start3A_108 = tpu.memref_slice %arg7[%mul3A_103] : memref<2048xi32, #tpu.memory_space<vmem>> -> memref<32xi32, #tpu.memory_space<vmem>>
        %dma_start3A_109 = arith.constant 0 : i32
        %dma_start3A_110 = arith.constant 0 : i32
        %dma_start3A_111 = tpu.memref_slice %arg2[%dma_start3A_109, %dma_start3A_110] : memref<65536x512xf32, #tpu.memory_space<hbm>> -> memref<65536x512xf32, #tpu.memory_space<hbm>>
        tpu.enqueue_indirect_dma source(%dma_start3A_111 : memref<65536x512xf32, #tpu.memory_space<hbm>>) target(%arg12 : memref<32x512xf32, #tpu.memory_space<vmem>>) offsets(%dma_start3A_108 : memref<32xi32, #tpu.memory_space<vmem>>) semaphore(%arg17 : memref<!tpu.dma_semaphore, #tpu.memory_space<semaphore_mem>>)
        %dma_start3A_112 = tpu.memref_slice %arg8[%mul3A_103] : memref<2048xi32, #tpu.memory_space<vmem>> -> memref<32xi32, #tpu.memory_space<vmem>>
        %dma_start3A_113 = arith.constant 0 : i32
        %dma_start3A_114 = arith.constant 0 : i32
        %dma_start3A_115 = tpu.memref_slice %arg2[%dma_start3A_113, %dma_start3A_114] : memref<65536x512xf32, #tpu.memory_space<hbm>> -> memref<65536x512xf32, #tpu.memory_space<hbm>>
        tpu.enqueue_indirect_dma source(%dma_start3A_115 : memref<65536x512xf32, #tpu.memory_space<hbm>>) target(%arg14 : memref<32x512xf32, #tpu.memory_space<vmem>>) offsets(%dma_start3A_112 : memref<32xi32, #tpu.memory_space<vmem>>) semaphore(%arg17 : memref<!tpu.dma_semaphore, #tpu.memory_space<semaphore_mem>>)
      } else {
      }
      %add3A_99 = arith.addi %mul3A_2, %mul3A_73 : i32
      "tpu.region"() ({
        %run_scoped3A = tpu.sem_alloc : memref<!tpu.dma_semaphore, #tpu.memory_space<semaphore_mem>>
        %dma_start3A_100 = arith.constant 0 : i32
        %dma_start3A_101 = tpu.memref_slice %arg6[%add3A_99, %dma_start3A_100] : memref<65536x512xf32, #tpu.memory_space<hbm>> -> memref<32x512xf32, #tpu.memory_space<hbm>>
        %dma_start3A_102 = arith.constant 0 : i32
        %dma_start3A_103 = tpu.memref_slice %arg6[%add3A_99, %dma_start3A_102] : memref<65536x512xf32, #tpu.memory_space<hbm>> -> memref<32x512xf32, #tpu.memory_space<hbm>>
        tpu.enqueue_dma source(%arg15 : memref<32x512xf32, #tpu.memory_space<vmem>>) target(%dma_start3A_103 : memref<32x512xf32, #tpu.memory_space<hbm>>) target_semaphore(%run_scoped3A : memref<!tpu.dma_semaphore, #tpu.memory_space<semaphore_mem>>)
        %dma_wait3A_104 = arith.constant 0 : i32
        %dma_wait3A_105 = tpu.memref_slice %arg6[%add3A_99, %dma_wait3A_104] : memref<65536x512xf32, #tpu.memory_space<hbm>> -> memref<32x512xf32, #tpu.memory_space<hbm>>
        %dma_wait3A_106 = arith.constant 0 : i32
        %dma_wait3A_107 = tpu.memref_slice %arg6[%add3A_99, %dma_wait3A_106] : memref<65536x512xf32, #tpu.memory_space<hbm>> -> memref<32x512xf32, #tpu.memory_space<hbm>>
        tpu.wait_dma2 semaphore(%run_scoped3A : memref<!tpu.dma_semaphore, #tpu.memory_space<semaphore_mem>>) src(%arg15 : memref<32x512xf32, #tpu.memory_space<vmem>>) dst(%dma_wait3A_107 : memref<32x512xf32, #tpu.memory_space<hbm>>)
        tpu.yield
      }) : () -> ()
    }
    %scan3A_38 = arith.constant 32 : i32
    return
  }
}

module attributes {stable_mosaic.version = 14 : i64} {
  func.func @_grid_prep_body(%arg0: memref<1x2048xf32, #tpu.memory_space<vmem>>, %arg1: memref<32x2048xi32, #tpu.memory_space<vmem>>, %arg2: memref<32x2048xi32, #tpu.memory_space<vmem>>, %arg3: memref<2048x16xf32, #tpu.memory_space<vmem>>) attributes {dimension_semantics = [], scalar_prefetch = 0 : i64, scratch_operands = 0 : i64, tpu.core_type = #tpu.core_type<tc>} {
    %get3A = arith.constant 0 : index
    %get3A_0 = arith.constant 0 : index
    %get3A_1 = vector.load %arg0[%get3A, %get3A_0] : memref<1x2048xf32, #tpu.memory_space<vmem>>, vector<1x2048xf32>
    %custom_jvp_call3A = arith.constant 0.000000e+00 : f32
    %max3A = vector.broadcast %custom_jvp_call3A : f32 to vector<1x2048xf32>
    %max3A_2 = arith.maximumf %get3A_1, %max3A : vector<1x2048xf32>
    %sub3A = vector.broadcast %custom_jvp_call3A : f32 to vector<1x2048xf32>
    %sub3A_3 = arith.subf %get3A_1, %sub3A : vector<1x2048xf32>
    %ne3A = arith.cmpf one, %sub3A_3, %sub3A_3 : vector<1x2048xf32>
    %add3A = vector.broadcast %custom_jvp_call3A : f32 to vector<1x2048xf32>
    %add3A_4 = arith.addf %get3A_1, %add3A : vector<1x2048xf32>
    %abs3A = math.absf %sub3A_3 : vector<1x2048xf32>
    %neg3A = arith.constant 0.000000e+00 : f32
    %neg3A_5 = vector.broadcast %neg3A : f32 to vector<1x2048xf32>
    %neg3A_6 = arith.subf %neg3A_5, %abs3A : vector<1x2048xf32>
    %exp3A = math.exp %neg3A_6 : vector<1x2048xf32>
    %log1p3A = math.log1p %exp3A : vector<1x2048xf32>
    %add3A_7 = arith.addf %max3A_2, %log1p3A : vector<1x2048xf32>
    %select_n3A = arith.select %ne3A, %add3A_4, %add3A_7 : vector<1x2048xi1>, vector<1x2048xf32>
    %iota3A = tpu.iota {dimensions = array<i32: 0>} : vector<2048x2048xi32>
    %iota3A_8 = tpu.iota {dimensions = array<i32: 1>} : vector<2048x2048xi32>
    %lt3A = arith.cmpi slt, %iota3A, %iota3A_8 : vector<2048x2048xi32>
    %convert_element_type3A = arith.extui %lt3A : vector<2048x2048xi1> to vector<2048x2048xi32>
    %convert_element_type3A_9 = arith.sitofp %convert_element_type3A : vector<2048x2048xi32> to vector<2048x2048xf32>
    %dot_general3A = arith.constant dense<0.000000e+00> : vector<1x2048xf32>
    %dot_general3A_10 = tpu.matmul %select_n3A, %convert_element_type3A_9, %dot_general3A {dimension_numbers = #tpu.dot_dimension_numbers<[1], [0], [0], [1], [0, 0, 1, 1], [], []>, transpose_lhs_hint = false} : vector<1x2048xf32>, vector<2048x2048xf32>, vector<1x2048xf32> -> vector<1x2048xf32>
    %iota3A_11 = tpu.iota {dimensions = array<i32: 1>} : vector<1x2048xi32>
    %eq3A = arith.constant 2047 : i32
    %eq3A_12 = vector.broadcast %eq3A : i32 to vector<1x2048xi32>
    %eq3A_13 = arith.cmpi eq, %iota3A_11, %eq3A_12 : vector<1x2048xi32>
    %jit3A = arith.constant 0.000000e+00 : f32
    %broadcast_in_dim3A = vector.broadcast %jit3A : f32 to vector<1x2048xf32>
    %select_n3A_14 = arith.select %eq3A_13, %dot_general3A_10, %broadcast_in_dim3A : vector<1x2048xi1>, vector<1x2048xf32>
    %reduce_sum3A = vector.shape_cast %select_n3A_14 : vector<1x2048xf32> to vector<1x1x2048xf32>
    %reduce_sum3A_15 = arith.constant dense<0.000000e+00> : vector<1xf32>
    %reduce_sum3A_16 = vector.multi_reduction <add>, %reduce_sum3A, %reduce_sum3A_15 [1, 2] : vector<1x1x2048xf32> to vector<1xf32>
    %reduce_sum3A_17 = vector.shape_cast %reduce_sum3A_16 : vector<1xf32> to vector<1x1x1xf32>
    %reduce_sum3A_18 = vector.extract %reduce_sum3A_17[0, 0, 0] : f32 from vector<1x1x1xf32>
    %max3A_19 = arith.constant 9.99999997E-7 : f32
    %max3A_20 = arith.maximumf %reduce_sum3A_18, %max3A_19 : f32
    %div3A = vector.broadcast %max3A_20 : f32 to vector<1x2048xf32>
    %div3A_21 = arith.divf %dot_general3A_10, %div3A : vector<1x2048xf32>
    %jit3A_22 = arith.constant 0.000000e+00 : f32
    %jit3A_23 = arith.constant 1.000000e+00 : f32
    %max3A_24 = vector.broadcast %jit3A_22 : f32 to vector<1x2048xf32>
    %max3A_25 = arith.maximumf %max3A_24, %div3A_21 : vector<1x2048xf32>
    %min3A = vector.broadcast %jit3A_23 : f32 to vector<1x2048xf32>
    %min3A_26 = arith.minimumf %min3A, %max3A_25 : vector<1x2048xf32>
    %mul3A = arith.constant 2.047000e+03 : f32
    %mul3A_27 = vector.broadcast %mul3A : f32 to vector<1x2048xf32>
    %mul3A_28 = arith.mulf %min3A_26, %mul3A_27 : vector<1x2048xf32>
    %jit3A_29 = arith.constant 0.000000e+00 : f32
    %jit3A_30 = arith.constant 2.047000e+03 : f32
    %max3A_31 = vector.broadcast %jit3A_29 : f32 to vector<1x2048xf32>
    %max3A_32 = arith.maximumf %max3A_31, %mul3A_28 : vector<1x2048xf32>
    %min3A_33 = vector.broadcast %jit3A_30 : f32 to vector<1x2048xf32>
    %min3A_34 = arith.minimumf %min3A_33, %max3A_32 : vector<1x2048xf32>
    %floor3A = math.floor %min3A_34 : vector<1x2048xf32>
    %convert_element_type3A_35 = arith.fptosi %floor3A : vector<1x2048xf32> to vector<1x2048xi32>
    %add3A_36 = arith.constant 1 : i32
    %add3A_37 = vector.broadcast %add3A_36 : i32 to vector<1x2048xi32>
    %add3A_38 = arith.addi %convert_element_type3A_35, %add3A_37 : vector<1x2048xi32>
    %min3A_39 = arith.constant 2047 : i32
    %min3A_40 = vector.broadcast %min3A_39 : i32 to vector<1x2048xi32>
    %min3A_41 = arith.minsi %add3A_38, %min3A_40 : vector<1x2048xi32>
    %sub3A_42 = arith.subf %min3A_34, %floor3A : vector<1x2048xf32>
    %transpose3A = tpu.transpose %sub3A_42, [1, 0] : vector<1x2048xf32> -> vector<2048x1xf32>
    %broadcast_in_dim3A_43 = vector.shape_cast %transpose3A : vector<2048x1xf32> to vector<2048x1xf32>
    %broadcast_in_dim3A_44 = vector.broadcast %broadcast_in_dim3A_43 : vector<2048x1xf32> to vector<2048x16xf32>
    %swap3A = arith.constant 0 : index
    %swap3A_45 = arith.constant 0 : index
    %swap3A_46 = vector.load %arg3[%swap3A, %swap3A_45] : memref<2048x16xf32, #tpu.memory_space<vmem>>, vector<2048x16xf32>
    tpu.vector_store %arg3[%swap3A, %swap3A_45], %broadcast_in_dim3A_44 {strides = array<i32>} : memref<2048x16xf32, #tpu.memory_space<vmem>>, vector<2048x16xf32>,
    %iota3A_47 = tpu.iota {dimensions = array<i32: 0>} : vector<32x2048xi32>
    %mul3A_48 = arith.constant 2048 : i32
    %mul3A_49 = vector.broadcast %mul3A_48 : i32 to vector<32x2048xi32>
    %mul3A_50 = arith.muli %mul3A_49, %iota3A_47 : vector<32x2048xi32>
    %add3A_51 = vector.broadcast %convert_element_type3A_35 : vector<1x2048xi32> to vector<32x2048xi32>
    %add3A_52 = arith.addi %add3A_51, %mul3A_50 : vector<32x2048xi32>
    %swap3A_53 = arith.constant 0 : index
    %swap3A_54 = arith.constant 0 : index
    %swap3A_55 = vector.load %arg1[%swap3A_53, %swap3A_54] : memref<32x2048xi32, #tpu.memory_space<vmem>>, vector<32x2048xi32>
    tpu.vector_store %arg1[%swap3A_53, %swap3A_54], %add3A_52 {strides = array<i32>} : memref<32x2048xi32, #tpu.memory_space<vmem>>, vector<32x2048xi32>,
    %add3A_56 = vector.broadcast %min3A_41 : vector<1x2048xi32> to vector<32x2048xi32>
    %add3A_57 = arith.addi %add3A_56, %mul3A_50 : vector<32x2048xi32>
    %swap3A_58 = arith.constant 0 : index
    %swap3A_59 = arith.constant 0 : index
    %swap3A_60 = vector.load %arg2[%swap3A_58, %swap3A_59] : memref<32x2048xi32, #tpu.memory_space<vmem>>, vector<32x2048xi32>
    tpu.vector_store %arg2[%swap3A_58, %swap3A_59], %add3A_57 {strides = array<i32>} : memref<32x2048xi32, #tpu.memory_space<vmem>>, vector<32x2048xi32>,
    return
  }
}

</mosaic_0001>

<sc_bundles>
// kernel: kernel.4.cloned.1.call-start
scs
__scs_entry_jumppad:
0x0: {  	(pc) =	sbr.rel $0x88, $3  }
0x1: {  	(tag) =	ssettag $0x0;
	lr =	simm.s32 $0x1  }
0x2: {  	[smem:$0x3F9F] =	sst lr;
	_ =	strace $0xD0000000  }
0x3: {  	_ = 	snop  }
0x4: {  	_ = 	snop  }
0x5: {  	_ = 	snop  }
0x6: {  	_ = 	snop  }
0x7: {  	_ = 	snop  }
__scs_overlays_trampoline_lowered:
0x8: {  	[smem:$0x3FAE] =	sst s0  }
0x9: {  	[smem:$0x3FAF] =	sst s1  }
0xa: {  	[smem:$0x3FB0] =	sst s2  }
0xb: {  	[smem:$0x3FB1] =	sst s3  }
0xc: {  	[smem:$0x3FB2] =	sst s4  }
0xd: {  	[smem:$0x3FB3] =	sst s5  }
0xe: {  	[smem:$0x3FB4] =	sst s6  }
0xf: {  	[smem:$0x3FB5] =	sst s7  }
0x10: {  	[smem:$0x3FB6] =	sst s8  }
0x11: {  	[smem:$0x3FB7] =	sst s9;
	s0 =	simm.s32 @!p0 $0x0  }
0x12: {  	s1 =	sld [smem:$0x3F9D];
	s0 =	simm.s32 @p0 $0x1  }
0x13: {  	[smem:$0x3FB8] =	sst s0;
	s0 =	simm.s32 @!p1 $0x0  }
0x14: {  	s2 =	sld [smem:$0x3F9C];
	s0 =	simm.s32 @p1 $0x1  }
0x15: {  	[smem:$0x3FB9] =	sst s0;
	s0 =	simm.s32 @!p2 $0x0  }
0x16: {  	s3 =	sld [smem:$0x3FDB];
	s0 =	simm.s32 @p2 $0x1  }
0x17: {  	s4 =	simm.s32 $0x1BF5;
	[smem:$0x3FBB] =	sst s0  }
0x18: {  	s0 =	sld [smem:$0x3F9E];
	_ =	swait.ge [sflag:s4], $0x0  }
0x19: {  	s7 =	sld [smem:$0x3F9F]  }
0x1a: {  	s8 =	sadd.s32 $0xFFFFE003, lr  }
0x1b: {  	s9 =	sadd.s32 $0xFFFFFEF7, lr;
	s5 =	simm.s32 $0xFFFFFFFF;
	p2 =	slt.u32 s8, $0xFFFFF086  }
0x1c: {  	p1 =	slt.u32 s9, $0xF7A;
	s5 =	simm.s32 @!p2 $0x0  }
0x1d: {  	s5 =	simm.s32 @p1 $0x1;
	p0 =	seq.s32 s7, s2  }
0x1e: {  	s7 =	smul.u32 @!p0 $0xF7A, s2;
	p2 =	seq.s32 @!p0 s5, $0x0  }
0x1f: {  	s9 =	smul.u32 $0xF7A, s1;
	s8 =	simm.s32 @!p0 $0x1BF5;
	p2 =	por !p2, p0  }
0x20: {  	[sflag:s8] =	ssyncset.s32 @!p0 $0xFFFFF086;
	s6 =	sadd.s32 @!p0 s3, s7;
	s7 =	simm.s32 @!p0 $0x108  }
0x21: {  	s3 =	sadd.s32 s3, s9;
	s6 =	sadd.s32 @!p0 $0x88, s6;
	s7 =	simm.s32 @p2 $0x1082  }
0x22: {  	[simem:s7], [sflag:s8] =	dma.local @!p0 [hbm:s6], $0xF7A  }
0x23: {  	s9 =	sor.u32 $0xD0000000, s2;
	s6 =	simm.s32 $0x108;
	_ =	swait.ge @!p0 [sflag:s8], $0x0  }
0x24: {  	s3 =	sadd.s32 $0x88, s3;
	s6 =	simm.s32 @!p1 $0x1082;
	[sflag:s4] =	ssyncset.s32 $0xFFFFF086  }
0x25: {  	[simem:s6], [sflag:s4] =	dma.local [hbm:s3], $0xF7A  }
0x26: {  	[smem:$0x3F9F] =	sst s1;
	(tag) =	ssettag s2;
	_ =	strace s9  }
0x27: {  	s1 =	sld [smem:$0x3FAF]  }
0x28: {  	s2 =	sld [smem:$0x3FB0]  }
0x29: {  	s4 =	sld [smem:$0x3FB2]  }
0x2a: {  	p0 =	seq.s32 s5, $0x0;
	s5 =	sld [smem:$0x3FB3]  }
0x2b: {  	s6 =	sld [smem:$0x3FB4]  }
0x2c: {  	s7 =	sld [smem:$0x3FB5]  }
0x2d: {  	s3 =	simm.s32 $0x108;
	s8 =	sld [smem:$0x3FB6]  }
0x2e: {  	s3 =	simm.s32 @!p0 $0x1082;
	s9 =	sld [smem:$0x3FB7]  }
0x2f: {  	lr =	sadd.s32 s0, s3;
	s0 =	sld [smem:$0x3FAE]  }
0x30: {  	s3 =	sld [smem:$0x3FB1]  }
0x31: {  	[smem:$0x3FBA] =	sst s10  }
0x32: {  	s10 =	sld [smem:$0x3FB8];
	_ =	sdelay $0x3  }
0x33: {  	p0 =	seq.s32 s10, $0x1;
	s10 =	sld [smem:$0x3FBA];
	_ =	sdelay $0x3  }
0x34: {  	[smem:$0x3FBA] =	sst s10  }
0x35: {  	s10 =	sld [smem:$0x3FB9];
	_ =	sdelay $0x3  }
0x36: {  	p1 =	seq.s32 s10, $0x1;
	s10 =	sld [smem:$0x3FBA];
	_ =	sdelay $0x3  }
0x37: {  	[smem:$0x3FBA] =	sst s10  }
0x38: {  	s10 =	sld [smem:$0x3FBB]  }
0x39: {  	_ = 	snop;
	(pc) =	sbr.ind lr, $3  }
0x3a: {  	_ = 	snop  }
0x3b: {  	_ = 	snop  }
0x3c: {  	p2 =	seq.s32 s10, $0x1;
	s10 =	sld [smem:$0x3FBA]  }
0x3d: {  	_ =	shalt  }
0x3e: {  	_ =	shalt  }
0x3f: {  	_ =	shalt  }
0x40: {  	_ =	shalt  }
0x41: {  	_ =	shalt  }
0x42: {  	_ =	shalt  }
0x43: {  	_ =	shalt  }
0x44: {  	_ =	shalt  }
0x45: {  	_ =	shalt  }
0x46: {  	_ =	shalt  }
0x47: {  	_ =	shalt  }
0x48: {  	_ =	shalt  }
0x49: {  	_ =	shalt  }
0x4a: {  	_ =	shalt  }
0x4b: {  	_ =	shalt  }
0x4c: {  	_ =	shalt  }
0x4d: {  	_ =	shalt  }
0x4e: {  	_ =	shalt  }
0x4f: {  	_ =	shalt  }
0x50: {  	_ =	shalt  }
0x51: {  	_ =	shalt  }
0x52: {  	_ =	shalt  }
0x53: {  	_ =	shalt  }
0x54: {  	_ =	shalt  }
0x55: {  	_ =	shalt  }
0x56: {  	_ =	shalt  }
0x57: {  	_ =	shalt  }
0x58: {  	_ =	shalt  }
0x59: {  	_ =	shalt  }
0x5a: {  	_ =	shalt  }
0x5b: {  	_ =	shalt  }
0x5c: {  	_ =	shalt  }
0x5d: {  	_ =	shalt  }
0x5e: {  	_ =	shalt  }
0x5f: {  	_ =	shalt  }
0x60: {  	_ =	shalt  }
0x61: {  	_ =	shalt  }
0x62: {  	_ =	shalt  }
0x63: {  	_ =	shalt  }
0x64: {  	_ =	shalt  }
0x65: {  	_ =	shalt  }
0x66: {  	_ =	shalt  }
0x67: {  	_ =	shalt  }
0x68: {  	_ =	shalt  }
0x69: {  	_ =	shalt  }
0x6a: {  	_ =	shalt  }
0x6b: {  	_ =	shalt  }
0x6c: {  	_ =	shalt  }
0x6d: {  	_ =	shalt  }
0x6e: {  	_ =	shalt  }
0x6f: {  	_ =	shalt  }
0x70: {  	_ =	shalt  }
0x71: {  	_ =	shalt  }
0x72: {  	_ =	shalt  }
0x73: {  	_ =	shalt  }
0x74: {  	_ =	shalt  }
0x75: {  	_ =	shalt  }
0x76: {  	_ =	shalt  }
0x77: {  	_ =	shalt  }
0x78: {  	_ =	shalt  }
0x79: {  	_ =	shalt  }
0x7a: {  	_ =	shalt  }
0x7b: {  	_ =	shalt  }
0x7c: {  	_ =	shalt  }
0x7d: {  	_ =	shalt  }
0x7e: {  	_ =	shalt  }
0x7f: {  	_ =	shalt  }
0x80: {  	_ =	shalt  }
0x81: {  	_ =	shalt  }
0x82: {  	_ =	shalt  }
0x83: {  	_ =	shalt  }
0x84: {  	_ =	shalt  }
0x85: {  	_ =	shalt  }
0x86: {  	_ =	shalt  }
0x87: {  	_ =	shalt  }
.Lfunc_end0:
.L_simem_size_0:
called_computation_lowered:
.L_overlay_start_0:
0x88: {  	s2 =	sld [smem:$0x3FD9]  }
0x89: {  	s3 =	sld [smem:$0x3FFE];
	_ =	sdelay $0x1  }
0x8a: {  	s1 =	srdreg.scid  }
0x8b: {  	s0 =	sand.u32 $0x1, s1  }
0x8c: {  	s17 =	sshll.u32 s0, $0xA;
	s2 =	sadd.s32 s3, s2  }
0x8d: {  	s2 =	sadd.s32 s2, s17  }
0x8e: {  	[smem:$0x3FC6] =	sst s2  }
0x8f: {  	_ = 	snop  }
0x90: {  	s2 =	sld [smem:$0x3FC9]  }
0x91: {  	s18 =	sld [smem:$0x3FD0];
	(tm) =	ssettm $0x1  }
0x92: {  	s4 =	sld [smem:$0x3FFB];
	_ =	sdelay $0x3  }
0x93: {  	_ =	strace s4  }
0x94: {  	s4 =	sld [smem:$0x3FFC];
	_ =	sdelay $0x3  }
0x95: {  	_ =	strace s4  }
0x96: {  	s4 =	sld [smem:$0x3FFD];
	_ =	sdelay $0x3  }
0x97: {  	_ =	strace s4  }
0x98: {  	_ =	strace $0x8FFFFFFF  }
0x99: {  	s19 =	sld [smem:$0x3FDB];
	_ =	sdelay $0x1  }
0x9a: {  	s5 =	simm.s32 $_scs_section_size  }
0x9b: {  	s6 =	simm.s32 $_size__tile_overlayer_lowered;
	s7 =	simm.s32 $_tile_overlayer_lowered  }
0x9c: {  	s22 =	simm.s32 $0x1BFF;
	s21 =	sshll.u32 s7, $0x1;
	s4 =	sadd.s32 s5, s19  }
0x9d: {  	s8 =	simm.s32 $0x0;
	s20 =	sshll.u32 s6, $0x1;
	s6 =	sadd.s32 s21, s4  }
0x9e: {  	[timem:s8], [sflag:s22] =	dma.local [hbm:s6], s20  }
0x9f: {  	_ =	swait.ge [sflag:s22], s20  }
0xa0: {  	s5 =	ssub.s32 $0x0, s20;
	[sflag:s22] =	ssyncset.done $0x0  }
0xa1: {  	[sflag:s22] =	ssyncadd.s32 s5;
	_ =	sdelay $0x1  }
0xa2: {  	s23 =	simm.s32 $0x1B8B  }
0xa3: {  	_ =	swait.ge [sflag:s23], $0x1  }
0xa4: {  	[sflag:s23] =	ssyncset.done $0x0  }
0xa5: {  	s25 =	simm.s32 $0x1B8E;
	s24 =	sld [smem:$0x3FFE];
	[sflag:s23] =	ssyncadd.s32 $0xFFFFFFFF  }
0xa6: {  	s26 =	simm.s32 $execute0_lowered;
	[smem:$0x3FD2] =	sst s25  }
0xa7: {  	s6 =	sshll.u32 s26, $0x1;
	_ =	strace $0x80000046;
	[dreg:$0x1] =	wrdreg $0xFFFFFFFF  }
0xa8: {  	s28 =	simm.s32 $_size_execute0_lowered;
	s4 =	sadd.s32 s4, s6;
	[dreg:$0x0] =	wrdreg $0x0  }
0xa9: {  	s6 =	sshll.u32 s28, $0x1;
	[dreg:$0x2] =	wrdreg s4  }
0xaa: {  	[dreg:$0x3] =	wrdreg s6  }
0xab: {  	[dreg:$0x4] =	wrdreg $0xC0  }
0xac: {  	_ =	task [dreg:s8], $0x5FFFF  }
0xad: {  	[dreg:$0x1] =	wrdreg $0xFFFFFFFF  }
0xae: {  	[dreg:$0x0] =	wrdreg $0x60  }
0xaf: {  	[dreg:$0x2] =	wrdreg s2  }
0xb0: {  	[dreg:$0x3] =	wrdreg s24  }
0xb1: {  	[dreg:$0x4] =	wrdreg s18  }
0xb2: {  	[dreg:$0x5] =	wrdreg $0x9  }
0xb3: {  	_ =	task.clear_ibuf [dreg:s8], $0x6FFFF;
	_ =	strace $0x90000046  }
0xb4: {  	s29 =	simm.s32 $0x9;
	_ =	strace $0x80000048  }
0xb5: {  	_ =	swait.ge [sflag:s29], $0x1  }
0xb6: {  	[sflag:s29] =	ssyncadd.s32 $0xFFFFFFFF  }
0xb7: {  	_ =	strace $0x90000048  }
0xb8: {  	_ =	sfence  }
0xb9: {  	s30 =	sld [smem:$0x0];
	_ =	sdelay $0x2  }
0xba: {  	s31 =	sshll.u32 s1, $0xD;
	s1 =	sshrl.u32 s1, $0x2  }
0xbb: {  	s3 =	sand.u32 $0x4000, s31;
	s1 =	sadd.s32 s1, s30  }
0xbc: {  	s0 =	sor.u32 s3, s0;
	s1 =	sshll.u32 s1, $0x11  }
0xbd: {  	s0 =	sor.u32 s1, s0  }
0xbe: {  	s0 =	sadd.s32 $0x8F2B, s0  }
0xbf: {  	[sflag:s0] =	ssyncadd.remote.s32 $0x1  }
0xc0: {  	_ =	sfence.sel $0xFFFF  }
0xc1: {  	[dreg:$0x0] =	wrdreg $0xFFFFFFFF;
	(pc) =	sbr.abs _section_cstart, $3  }
0xc2: {  	[dreg:$0x1] =	wrdreg $0xFFFFFFFF  }
0xc3: {  	_ =	task.clear_ibuf [dreg:s8], $0x2FFFF;
	_ =	strace $0x9FFFFFFF  }
0xc4: {  	(tm) =	ssettm $0x7FFFFFFF  }
0xc5: {  	_ =	shalt  }
tec
execute0_lowered:
.L_overlay_start_1:
0x0: {  	(tag) =	ssettag $0x1  }
0x1: {  	s0 =	srdreg.scid;
	s1 =	rddreg [dreg:$0x0]  }
0x2: {  	s3 =	stileid.u32;
	s5 =	rddreg [dreg:$0x1]  }
0x3: {  	s6 =	rddreg [dreg:$0x2];
	s13 =	simm.s32 $0x3;
	s10 =	simm.s32 $0xA000  }
0x4: {  	s15 =	simm.s32 $0xA800;
	s16 =	simm.s32 $0xF000;
	s17 =	simm.s32 $0xF800  }
0x5: {  	s18 =	simm.s32 $0x10000;
	s19 =	simm.s32 $0x10800;
	s20 =	simm.s32 $0x11000  }
0x6: {  	s21 =	simm.s32 $0x11800;
	s22 =	simm.s32 $0x12000;
	s23 =	simm.s32 $0x12800  }
0x7: {  	s24 =	simm.s32 $0x1;
	s25 =	simm.s32 $0x13000;
	s0 =	sand.u32 $0x1, s0  }
0x8: {  	s2 =	sshll.u32 s3, $0x1;
	s4 =	sshll.u32 s3, $0x9;
	s3 =	simm.s32 $0x0  }
0x9: {  	s26 =	simm.s32 $0x2;
	s2 =	sor.u32 s0, s2;
	[smem:$0x7FF] =	sst s3  }
0xa: {  	s0 =	ssub.s32 $0x2, s0;
	s7 =	sshll.u32 s2, $0x4;
	_ =	strace $0x80000047  }
0xb: {  	s8 =	sshrl.u32 s0, $0x1;
	s2 =	sshll.u32 s2, $0x11;
	s4 =	sor.u32 s4, s7  }
0xc: {  	s0 =	ssub.s32 s0, s8;
	s9 =	sadd.s32 s6, s2;
	s4 =	sand.u32 $0x1870, s4  }
.Ltmp0:
0xd: {  	v2 =	vlaneseq.u32;
	s0 =	smax.u32 s0, $0x1;
	s30 =	sadd.s32 s4, s5;
	(pc) =	sbr.rel .LBB2_1-.Ltmp0, $4  }
0xe: {  	v0 =	vand.u32 $0x7, v2;
	v1 =	vshrl.u32 v2, $0x3;
	s4 =	sadd.s32 $0xC00, s5;
	s5 =	sadd.s32 $0xE00, s5;
	[dreg:$0x7] =	wrdreg s0  }
0xf: {  	v63 =	vor.u32 $0x8, v2;
	v62 =	vmul.u32 $0x8, v1;
	[tilespmem:$0x1FFD0] =	vst v0;
	s6 =	simm.s32 $0x9000;
	s31 =	sadd.s32 $0x8C00, s30;
	[dreg:$0x6] =	wrdreg s5  }
0x10: {  	[tilespmem:$0x1FFF0] =	vst v63;
	s8 =	simm.s32 $0x9800;
	s7 =	sadd.s32 $0xAC00, s30;
	[dreg:$0x4] =	wrdreg s31  }
0x11: {  	vm0 =	vmmov $0xffff;
	[tilespmem:$0x1FFE0] =	vst v62;
	s2 =	simm.s32 $0x0;
	[dreg:$0x5] =	wrdreg s7;
	s7 =	sadd.s32 $0x100, s1  }
.LBB2_11:
0x12: {  	s2 =	rddreg [dreg:$0x8]  }
0x13: {  	s0 =	rddreg [dreg:$0x7];
	s2 =	sadd.s32 $0x1, s2  }
0x14: {  	p0 =	sne.s32 s2, s0  }
.Ltmp1:
0x15: {  	_ = 	snop;
	(pc) =	sbr.rel @!p0 .LBB2_12-.Ltmp1, $1  }
0x16: {  	_ =	sdelay $0x3  }
.LBB2_1:
0x17: {  	[dreg:$0x8] =	wrdreg s2  }
0x18: {  	s0 =	rddreg [dreg:$0x4];
	s30 =	simm.s32 $0x80;
	s5 =	simm.s32 $0x400  }
0x19: {  	[tilespmem:s3], [sflag:$0x3] =	stream.strided.gather [hbm4b:s0+s30], $0x800, s5, s30, $0x38;
	[tilespmem:$0x17000] =	vst v63  }
0x1a: {  	_ =	swait.ge [sflag:s13], $0x800  }
0x1b: {  	[sflag:s13] =	ssyncset.done $0x0  }
0x1c: {  	s11 =	simm.s32 $0x800;
	s31 =	rddreg [dreg:$0x5];
	[sflag:s13] =	ssyncadd.s32 $0xFFFFF800  }
0x1d: {  	[tilespmem:s11], [sflag:$0x3] =	stream.strided.gather [hbm4b:s31+s30], $0x800, s5, s30, $0x38;
	[tilespmem:$0x17000] =	vst v63  }
0x1e: {  	_ =	swait.ge [sflag:s13], $0x800  }
0x1f: {  	[sflag:s13] =	ssyncset.done $0x0  }
0x20: {  	s5 =	simm.s32 $0x1000;
	[sflag:s13] =	ssyncadd.s32 $0xFFFFF800  }
0x21: {  	[tilespmem:s5], [sflag:$0x1] =	stream.linear.gather [hbm4b:s4+s3], $0x1000, $0x38;
	[tilespmem:$0x17000] =	vst v63  }
0x22: {  	v3 =	vld [tilespmem:$0x0];
	_ =	sdelay $0x2  }
0x23: {  	v0 =	vld [tilespmem:$0x1FFD0];
	_ =	sdelay $0x1  }
0x24: {  	v1 =	vld [tilespmem:$0x1FFE0];
	v4 =	vshll.u32 v3, $0x2  }
0x25: {  	v3 =	vand.u32 $0x7, v3;
	v4 =	vand.u32 $0xFFFFFFE0, v4  }
0x26: {  	v2 =	vld [tilespmem:$0x1FFF0];
	v3 =	vor.u32 v3, v4  }
0x27: {  	v4 =	vperm.xlane v3, v0;
	_ =	sdelay $0x1  }
0x28: {  	v4 =	vadd.s32 v1, v4;
	_ =	sdelay $0x1  }
0x29: {  	v3 =	vperm.xlane v3, v2;
	_ =	sdelay $0x1  }
0x2a: {  	s11 =	simm.s32 $0x3000;
	v3 =	vadd.s32 v1, v3  }
0x2b: {  	[tilespmem:s11], [sflag:$0x1] =	stream.indirect_vreg.gather [hbm4b:s1+s3], $0x80, v4, vm0, $0xb8;
	[tilespmem:$0x17000] =	vst v63  }
0x2c: {  	s12 =	simm.s32 $0x3800  }
0x2d: {  	[tilespmem:s12], [sflag:$0x1] =	stream.indirect_vreg.gather [hbm4b:s7+s3], $0x80, v4, vm0, $0xb8;
	[tilespmem:$0x17000] =	vst v63  }
0x2e: {  	s14 =	simm.s32 $0x4000  }
0x2f: {  	[tilespmem:s14], [sflag:$0x1] =	stream.indirect_vreg.gather [hbm4b:s1+s3], $0x80, v3, vm0, $0xb8;
	[tilespmem:$0x17000] =	vst v63  }
0x30: {  	s29 =	simm.s32 $0x4800  }
0x31: {  	[tilespmem:s29], [sflag:$0x1] =	stream.indirect_vreg.gather [hbm4b:s7+s3], $0x80, v3, vm0, $0xb8;
	[tilespmem:$0x17000] =	vst v63  }
0x32: {  	v3 =	vld [tilespmem:$0x10];
	_ =	sdelay $0x4  }
0x33: {  	v57 =	vshll.u32 v3, $0x2  }
0x34: {  	v3 =	vand.u32 $0x7, v3;
	v4 =	vand.u32 $0xFFFFFFE0, v57  }
0x35: {  	v3 =	vor.u32 v3, v4  }
0x36: {  	v4 =	vperm.xlane v3, v0;
	_ =	sdelay $0x1  }
0x37: {  	v4 =	vadd.s32 v1, v4;
	_ =	sdelay $0x1  }
0x38: {  	v3 =	vperm.xlane v3, v2;
	_ =	sdelay $0x1  }
0x39: {  	s30 =	simm.s32 $0x5000;
	v3 =	vadd.s32 v1, v3  }
0x3a: {  	[tilespmem:s30], [sflag:$0x1] =	stream.indirect_vreg.gather [hbm4b:s1+s3], $0x80, v4, vm0, $0xb8;
	[tilespmem:$0x17000] =	vst v63  }
0x3b: {  	s31 =	simm.s32 $0x5800  }
0x3c: {  	[tilespmem:s31], [sflag:$0x1] =	stream.indirect_vreg.gather [hbm4b:s7+s3], $0x80, v4, vm0, $0xb8;
	[tilespmem:$0x17000] =	vst v63  }
0x3d: {  	s2 =	simm.s32 $0x6000  }
0x3e: {  	[tilespmem:s2], [sflag:$0x1] =	stream.indirect_vreg.gather [hbm4b:s1+s3], $0x80, v3, vm0, $0xb8;
	[tilespmem:$0x17000] =	vst v63  }
0x3f: {  	s5 =	simm.s32 $0x6800  }
0x40: {  	[tilespmem:s5], [sflag:$0x1] =	stream.indirect_vreg.gather [hbm4b:s7+s3], $0x80, v3, vm0, $0xb8;
	[tilespmem:$0x17000] =	vst v63  }
0x41: {  	v3 =	vld [tilespmem:$0x800];
	_ =	sdelay $0x4  }
0x42: {  	v58 =	vshll.u32 v3, $0x2  }
0x43: {  	v3 =	vand.u32 $0x7, v3;
	v4 =	vand.u32 $0xFFFFFFE0, v58  }
0x44: {  	v3 =	vor.u32 v3, v4  }
0x45: {  	v4 =	vperm.xlane v3, v0;
	_ =	sdelay $0x1  }
0x46: {  	v4 =	vadd.s32 v1, v4;
	_ =	sdelay $0x1  }
0x47: {  	v3 =	vperm.xlane v3, v2;
	_ =	sdelay $0x1  }
0x48: {  	s11 =	simm.s32 $0xB000;
	v3 =	vadd.s32 v1, v3  }
0x49: {  	[tilespmem:s11], [sflag:$0x1] =	stream.indirect_vreg.gather [hbm4b:s1+s3], $0x80, v4, vm0, $0xb8;
	[tilespmem:$0x17000] =	vst v63  }
0x4a: {  	s12 =	simm.s32 $0xB800  }
0x4b: {  	[tilespmem:s12], [sflag:$0x1] =	stream.indirect_vreg.gather [hbm4b:s7+s3], $0x80, v4, vm0, $0xb8;
	[tilespmem:$0x17000] =	vst v63  }
0x4c: {  	s14 =	simm.s32 $0xC000  }
0x4d: {  	[tilespmem:s14], [sflag:$0x1] =	stream.indirect_vreg.gather [hbm4b:s1+s3], $0x80, v3, vm0, $0xb8;
	[tilespmem:$0x17000] =	vst v63  }
0x4e: {  	s29 =	simm.s32 $0xC800  }
0x4f: {  	[tilespmem:s29], [sflag:$0x1] =	stream.indirect_vreg.gather [hbm4b:s7+s3], $0x80, v3, vm0, $0xb8;
	[tilespmem:$0x17000] =	vst v63  }
0x50: {  	v3 =	vld [tilespmem:$0x810];
	_ =	sdelay $0x4  }
0x51: {  	v59 =	vshll.u32 v3, $0x2  }
0x52: {  	v3 =	vand.u32 $0x7, v3;
	v4 =	vand.u32 $0xFFFFFFE0, v59  }
0x53: {  	v3 =	vor.u32 v3, v4  }
0x54: {  	v4 =	vperm.xlane v3, v0;
	_ =	sdelay $0x1  }
0x55: {  	v4 =	vadd.s32 v1, v4;
	_ =	sdelay $0x1  }
0x56: {  	v3 =	vperm.xlane v3, v2;
	_ =	sdelay $0x1  }
0x57: {  	s30 =	simm.s32 $0xD000;
	v3 =	vadd.s32 v1, v3  }
0x58: {  	[tilespmem:s30], [sflag:$0x1] =	stream.indirect_vreg.gather [hbm4b:s1+s3], $0x80, v4, vm0, $0xb8;
	[tilespmem:$0x17000] =	vst v63  }
0x59: {  	s31 =	simm.s32 $0xD800  }
0x5a: {  	[tilespmem:s31], [sflag:$0x1] =	stream.indirect_vreg.gather [hbm4b:s7+s3], $0x80, v4, vm0, $0xb8;
	[tilespmem:$0x17000] =	vst v63  }
0x5b: {  	s2 =	simm.s32 $0xE000  }
0x5c: {  	[tilespmem:s2], [sflag:$0x1] =	stream.indirect_vreg.gather [hbm4b:s1+s3], $0x80, v3, vm0, $0xb8;
	[tilespmem:$0x17000] =	vst v63  }
0x5d: {  	s5 =	simm.s32 $0xE800  }
0x5e: {  	[tilespmem:s5], [sflag:$0x1] =	stream.indirect_vreg.gather [hbm4b:s7+s3], $0x80, v3, vm0, $0xb8;
	[tilespmem:$0x17000] =	vst v63  }
0x5f: {  	s11 =	rddreg [dreg:$0x6];
	s12 =	simm.s32 $0x2000  }
0x60: {  	[tilespmem:s12], [sflag:$0x2] =	stream.linear.gather [hbm4b:s11+s3], $0x1000, $0x38;
	[tilespmem:$0x17000] =	vst v63  }
0x61: {  	v3 =	vld [tilespmem:$0x20];
	_ =	sdelay $0x4  }
0x62: {  	v60 =	vshll.u32 v3, $0x2  }
0x63: {  	v3 =	vand.u32 $0x7, v3;
	v4 =	vand.u32 $0xFFFFFFE0, v60  }
0x64: {  	v3 =	vor.u32 v3, v4  }
0x65: {  	v4 =	vperm.xlane v3, v0;
	_ =	sdelay $0x1  }
0x66: {  	v4 =	vadd.s32 v1, v4;
	_ =	sdelay $0x1  }
0x67: {  	v3 =	vperm.xlane v3, v2;
	_ =	sdelay $0x1  }
0x68: {  	s14 =	simm.s32 $0x7000;
	v3 =	vadd.s32 v1, v3  }
0x69: {  	[tilespmem:s14], [sflag:$0x2] =	stream.indirect_vreg.gather [hbm4b:s1+s3], $0x80, v4, vm0, $0xb8;
	[tilespmem:$0x17000] =	vst v63  }
0x6a: {  	s29 =	simm.s32 $0x7800  }
0x6b: {  	[tilespmem:s29], [sflag:$0x2] =	stream.indirect_vreg.gather [hbm4b:s7+s3], $0x80, v4, vm0, $0xb8;
	[tilespmem:$0x17000] =	vst v63  }
0x6c: {  	s30 =	simm.s32 $0x8000  }
0x6d: {  	[tilespmem:s30], [sflag:$0x2] =	stream.indirect_vreg.gather [hbm4b:s1+s3], $0x80, v3, vm0, $0xb8;
	[tilespmem:$0x17000] =	vst v63  }
0x6e: {  	s31 =	simm.s32 $0x8800  }
0x6f: {  	[tilespmem:s31], [sflag:$0x2] =	stream.indirect_vreg.gather [hbm4b:s7+s3], $0x80, v3, vm0, $0xb8;
	[tilespmem:$0x17000] =	vst v63  }
0x70: {  	v3 =	vld [tilespmem:$0x30];
	_ =	sdelay $0x4  }
0x71: {  	v61 =	vshll.u32 v3, $0x2  }
0x72: {  	v3 =	vand.u32 $0x7, v3;
	v4 =	vand.u32 $0xFFFFFFE0, v61  }
0x73: {  	v3 =	vor.u32 v3, v4  }
0x74: {  	v4 =	vperm.xlane v3, v0;
	_ =	sdelay $0x1  }
0x75: {  	v4 =	vadd.s32 v1, v4;
	_ =	sdelay $0x1  }
0x76: {  	v3 =	vperm.xlane v3, v2;
	_ =	sdelay $0x1  }
0x77: {  	v3 =	vadd.s32 v1, v3  }
0x78: {  	[tilespmem:s6], [sflag:$0x2] =	stream.indirect_vreg.gather [hbm4b:s1+s3], $0x80, v4, vm0, $0xb8;
	[tilespmem:$0x17000] =	vst v63  }
0x79: {  	_ = 	snop  }
0x7a: {  	[tilespmem:s8], [sflag:$0x2] =	stream.indirect_vreg.gather [hbm4b:s7+s3], $0x80, v4, vm0, $0xb8;
	[tilespmem:$0x17000] =	vst v63  }
0x7b: {  	_ = 	snop  }
0x7c: {  	[tilespmem:s10], [sflag:$0x2] =	stream.indirect_vreg.gather [hbm4b:s1+s3], $0x80, v3, vm0, $0xb8;
	[tilespmem:$0x17000] =	vst v63  }
0x7d: {  	_ = 	snop  }
0x7e: {  	[tilespmem:s15], [sflag:$0x2] =	stream.indirect_vreg.gather [hbm4b:s7+s3], $0x80, v3, vm0, $0xb8;
	[tilespmem:$0x17000] =	vst v63  }
0x7f: {  	v3 =	vld [tilespmem:$0x820];
	_ =	sdelay $0x4  }
0x80: {  	v62 =	vshll.u32 v3, $0x2  }
0x81: {  	v3 =	vand.u32 $0x7, v3;
	v4 =	vand.u32 $0xFFFFFFE0, v62  }
0x82: {  	v3 =	vor.u32 v3, v4  }
0x83: {  	v4 =	vperm.xlane v3, v0;
	_ =	sdelay $0x1  }
0x84: {  	v4 =	vadd.s32 v1, v4;
	_ =	sdelay $0x1  }
0x85: {  	v3 =	vperm.xlane v3, v2;
	_ =	sdelay $0x1  }
0x86: {  	v3 =	vadd.s32 v1, v3  }
0x87: {  	[tilespmem:s16], [sflag:$0x2] =	stream.indirect_vreg.gather [hbm4b:s1+s3], $0x80, v4, vm0, $0xb8;
	[tilespmem:$0x17000] =	vst v63  }
0x88: {  	_ = 	snop  }
0x89: {  	[tilespmem:s17], [sflag:$0x2] =	stream.indirect_vreg.gather [hbm4b:s7+s3], $0x80, v4, vm0, $0xb8;
	[tilespmem:$0x17000] =	vst v63  }
0x8a: {  	_ = 	snop  }
0x8b: {  	[tilespmem:s18], [sflag:$0x2] =	stream.indirect_vreg.gather [hbm4b:s1+s3], $0x80, v3, vm0, $0xb8;
	[tilespmem:$0x17000] =	vst v63  }
0x8c: {  	_ = 	snop  }
0x8d: {  	[tilespmem:s19], [sflag:$0x2] =	stream.indirect_vreg.gather [hbm4b:s7+s3], $0x80, v3, vm0, $0xb8;
	[tilespmem:$0x17000] =	vst v63  }
0x8e: {  	v3 =	vld [tilespmem:$0x830];
	_ =	sdelay $0x4  }
0x8f: {  	v63 =	vshll.u32 v3, $0x2  }
0x90: {  	v3 =	vand.u32 $0x7, v3;
	v4 =	vand.u32 $0xFFFFFFE0, v63  }
0x91: {  	v3 =	vor.u32 v3, v4  }
0x92: {  	v4 =	vperm.xlane v3, v0;
	_ =	sdelay $0x1  }
0x93: {  	v4 =	vadd.s32 v1, v4;
	_ =	sdelay $0x2  }
0x94: {  	v3 =	vperm.xlane v3, v2;
	_ =	sdelay $0x1  }
0x95: {  	v3 =	vadd.s32 v1, v3;
	[tilespmem:s20], [sflag:$0x2] =	stream.indirect_vreg.gather [hbm4b:s1+s3], $0x80, v4, vm0, $0xb8;
	[tilespmem:$0x17000] =	vst v63  }
0x96: {  	_ = 	snop  }
0x97: {  	[tilespmem:s21], [sflag:$0x2] =	stream.indirect_vreg.gather [hbm4b:s7+s3], $0x80, v4, vm0, $0xb8;
	[tilespmem:$0x17000] =	vst v63  }
.Ltmp2:
0x98: {  	_ = 	snop;
	(pc) =	sbr.rel .LBB2_2-.Ltmp2, $4  }
0x99: {  	_ = 	snop  }
0x9a: {  	[tilespmem:s22], [sflag:$0x2] =	stream.indirect_vreg.gather [hbm4b:s1+s3], $0x80, v3, vm0, $0xb8;
	[tilespmem:$0x17000] =	vst v63  }
0x9b: {  	s28 =	simm.s32 $0x0  }
0x9c: {  	[tilespmem:s23], [sflag:$0x2] =	stream.indirect_vreg.gather [hbm4b:s7+s3], $0x80, v3, vm0, $0xb8;
	[tilespmem:$0x17000] =	vst v63  }
.LBB2_10:
0x9d: {  	s28 =	sadd.s32 $0x1, s28  }
0x9e: {  	s0 =	sor.u32 $0x800, s30;
	p0 =	sne.s32 s28, $0x20  }
.Ltmp3:
0x9f: {  	s0 =	sadd.s32 s0, s9;
	(pc) =	sbr.rel @!p0 .LBB2_11-.Ltmp3, $4  }
0xa0: {  	[hbm4b:s0+s3] =	stream.linear.scatter [tilespmem:s25], [sflag:$0x3], $0x4000, $0x38;
	[tilespmem:$0x17000] =	vst v63  }
0xa1: {  	_ =	swait.ge [sflag:s13], $0x4000  }
0xa2: {  	[sflag:s13] =	ssyncset.done $0x0  }
0xa3: {  	[sflag:s13] =	ssyncadd.s32 $0xFFFFC000  }
.LBB2_2:
0xa4: {  	_ =	swait.ge [sflag:s24], $0x1000  }
0xa5: {  	[sflag:s24] =	ssyncset.done $0x0  }
0xa6: {  	[sflag:s24] =	ssyncadd.s32 $0xFFFFF000  }
0xa7: {  	_ =	swait.ge [sflag:s24], $0x4000  }
0xa8: {  	[sflag:s24] =	ssyncset.done $0x0  }
0xa9: {  	[sflag:s24] =	ssyncadd.s32 $0xFFFFC000  }
0xaa: {  	s2 =	simm.s32 $0x0;
	_ =	swait.ge [sflag:s24], $0x4000  }
0xab: {  	s0 =	sand.u32 $0x3000, s2;
	s11 =	sand.u32 $0x380, s2;
	[sflag:s24] =	ssyncset.done $0x0  }
0xac: {  	s29 =	sor.u32 s11, s0;
	[sflag:s24] =	ssyncadd.s32 $0xFFFFC000  }
0xad: {  	v6 =	vld [tilespmem:s29+$0x3000]  }
0xae: {  	v18 =	vld [tilespmem:s29+$0xB000]  }
0xaf: {  	v13 =	vld [tilespmem:s29+$0x3010]  }
0xb0: {  	v9 =	vld [tilespmem:s29+$0xB010]  }
0xb1: {  	v31 =	vld [tilespmem:s29+$0x3020]  }
0xb2: {  	v7 =	vld [tilespmem:s29+$0xB020]  }
0xb3: {  	v21 =	vld [tilespmem:s29+$0x3030]  }
0xb4: {  	v12 =	vld [tilespmem:s29+$0xB030]  }
0xb5: {  	v11 =	vld [tilespmem:s29+$0x3040]  }
0xb6: {  	v35 =	vld [tilespmem:s29+$0xB040]  }
0xb7: {  	v52 =	vld [tilespmem:s29+$0x3050]  }
0xb8: {  	v36 =	vld [tilespmem:s29+$0xB050]  }
0xb9: {  	v29 =	vld [tilespmem:s29+$0x3060]  }
0xba: {  	v0 =	vld [tilespmem:s29+$0xB060]  }
0xbb: {  	v15 =	vld [tilespmem:s29+$0x3070]  }
0xbc: {  	v50 =	vld [tilespmem:s29+$0xB070]  }
0xbd: {  	v55 =	vld [tilespmem:s29+$0x3400]  }
0xbe: {  	v1 =	vld [tilespmem:s29+$0xB400]  }
0xbf: {  	v27 =	vld [tilespmem:s29+$0x3410]  }
0xc0: {  	v54 =	vld [tilespmem:s29+$0xB410]  }
0xc1: {  	v30 =	vld [tilespmem:s29+$0x3420]  }
0xc2: {  	v53 =	vld [tilespmem:s29+$0xB420]  }
0xc3: {  	v28 =	vld [tilespmem:s29+$0x3430]  }
0xc4: {  	v38 =	vld [tilespmem:s29+$0xB430]  }
0xc5: {  	v3 =	vld [tilespmem:s29+$0x3440]  }
0xc6: {  	v2 =	vld [tilespmem:s29+$0xB440]  }
0xc7: {  	v16 =	vld [tilespmem:s29+$0x3450]  }
0xc8: {  	v51 =	vld [tilespmem:s29+$0xB450]  }
0xc9: {  	v19 =	vld [tilespmem:s29+$0x3460]  }
0xca: {  	v37 =	vld [tilespmem:s29+$0xB460]  }
0xcb: {  	v4 =	vld [tilespmem:s29+$0x3470]  }
0xcc: {  	v39 =	vld [tilespmem:s29+$0xB470]  }
0xcd: {  	v25 =	vld [tilespmem:s29+$0x3800]  }
0xce: {  	v40 =	vld [tilespmem:s29+$0xB800]  }
0xcf: {  	v5 =	vld [tilespmem:s29+$0x3810]  }
0xd0: {  	v47 =	vld [tilespmem:s29+$0xB810]  }
0xd1: {  	v22 =	vld [tilespmem:s29+$0x3820]  }
0xd2: {  	v48 =	vld [tilespmem:s29+$0xB820]  }
0xd3: {  	v17 =	vld [tilespmem:s29+$0x3830]  }
0xd4: {  	v49 =	vld [tilespmem:s29+$0xB830]  }
0xd5: {  	v24 =	vld [tilespmem:s29+$0x3840]  }
0xd6: {  	v42 =	vld [tilespmem:s29+$0xB840]  }
0xd7: {  	v33 =	vld [tilespmem:s29+$0x3850]  }
0xd8: {  	v45 =	vld [tilespmem:s29+$0xB850]  }
0xd9: {  	v23 =	vld [tilespmem:s29+$0x3860]  }
0xda: {  	v43 =	vld [tilespmem:s29+$0xB860]  }
0xdb: {  	v20 =	vld [tilespmem:s29+$0x3870]  }
0xdc: {  	v8 =	vld [tilespmem:s29+$0xB870]  }
0xdd: {  	v26 =	vld [tilespmem:s29+$0x3C00]  }
0xde: {  	v41 =	vld [tilespmem:s29+$0xBC00]  }
0xdf: {  	v14 =	vld [tilespmem:s29+$0x3C10]  }
0xe0: {  	v44 =	vld [tilespmem:s29+$0xBC10]  }
0xe1: {  	v32 =	vld [tilespmem:s29+$0x3C20]  }
0xe2: {  	v34 =	vld [tilespmem:s29+$0xBC20];
	v63 =	vsub.f32 v18, v6;
	v62 =	vsub.f32 v9, v13  }
0xe3: {  	v46 =	vld [tilespmem:s29+$0x3C30];
	v61 =	vsub.f32 v7, v31;
	v60 =	vsub.f32 v12, v21  }
0xe4: {  	v10 =	vmov v6;
	v59 =	vsub.f32 v35, v11;
	v58 =	vsub.f32 v36, v52;
	v35 =	vld [tilespmem:s29+$0xBC30]  }
0xe5: {  	v7 =	vmovc v21;
	v9 =	vmovc v11;
	v11 =	vmov v52;
	v57 =	vsub.f32 v0, v29;
	v56 =	vsub.f32 v50, v15;
	v0 =	vld [tilespmem:s29+$0x3C40]  }
0xe6: {  	v12 =	vmovc v29;
	v52 =	vmovc v15;
	v18 =	vmov v55;
	v55 =	vsub.f32 v1, v55;
	v54 =	vsub.f32 v54, v27;
	v36 =	vld [tilespmem:s29+$0xBC40]  }
0xe7: {  	v6 =	vmovc v27;
	v27 =	vmovc v30;
	v30 =	vmov v16;
	v50 =	vsub.f32 v38, v28;
	v1 =	vld [tilespmem:s29+$0x3C50];
	v15 =	vsub.f32 v2, v3  }
0xe8: {  	s30 =	simm.s32 $0x200;
	s0 =	simm.s32 $0x0;
	v16 =	vmovc v28;
	v28 =	vmovc v26;
	v26 =	vmov v3;
	v38 =	vld [tilespmem:s29+$0xBC50];
	v53 =	vsub.f32 v53, v27;
	v51 =	vsub.f32 v51, v30  }
.LBB2_3:
0xe9: {  	s0 =	sadd.s32 $0x80, s0  }
0xea: {  	s14 =	sand.u32 $0x3000, s30;
	s31 =	sand.u32 $0x380, s0  }
0xeb: {  	s14 =	sor.u32 s31, s14;
	v49 =	vsub.f32 v49, v17  }
0xec: {  	[tilespmem:$0x1FEE0] =	vst v17;
	v17 =	vmovc v24;
	v24 =	vsub.f32 v42, v24;
	v42 =	vmov v20;
	v20 =	vsub.f32 v8, v20;
	v8 =	vld [tilespmem:s14+$0xB000];
	_ =	sdelay $0x4  }
0xed: {  	v36 =	vsub.f32 v36, v0;
	[tilespmem:$0x1FF50] =	vst v8;
	v8 =	vsub.f32 v34, v32;
	v34 =	vmov v0;
	v0 =	vld [tilespmem:s14+$0xB010];
	_ =	sdelay $0x4  }
0xee: {  	[tilespmem:$0x1FF60] =	vst v0;
	v0 =	vld [tilespmem:s14+$0x3020];
	_ =	sdelay $0x2  }
0xef: {  	v2 =	vsub.f32 v37, v19;
	s11 =	sshra.s32 s2, $0x2  }
0xf0: {  	v37 =	vsub.f32 v39, v4;
	v39 =	vsub.f32 v40, v25;
	v40 =	vld [tilespmem:s11+$0x1000];
	[tilespmem:$0x1FEF0] =	vst v8  }
0xf1: {  	v8 =	vsub.f32 v35, v46;
	[tilespmem:$0x1FF30] =	vst v0;
	v0 =	vld [tilespmem:s14+$0xB020];
	_ =	sdelay $0x1  }
0xf2: {  	v3 =	vsub.f32 v47, v5;
	[tilespmem:$0x1FF00] =	vst v8;
	v8 =	vld [tilespmem:s14+$0x3010];
	_ =	sdelay $0x1  }
0xf3: {  	v21 =	vmov v31;
	v31 =	vld [tilespmem:s29+$0x3C60];
	[tilespmem:$0x1FEC0] =	vst v3;
	v63 =	vmul.f32 v63, v40  }
0xf4: {  	v38 =	vsub.f32 v38, v1;
	v35 =	vmov v1;
	v1 =	vmul.f32 v62, v40;
	[tilespmem:$0x1FF70] =	vst v0;
	v0 =	vld [tilespmem:s14+$0xB030]  }
0xf5: {  	v3 =	vld [tilespmem:s29+$0xBC60];
	[tilespmem:$0x1FF10] =	vst v28;
	v41 =	vsub.f32 v41, v28;
	v63 =	vadd.f32 v63, v10  }
0xf6: {  	v29 =	vmovc v4;
	v4 =	vld [tilespmem:s14+$0x3000];
	v28 =	vmov v32;
	v59 =	vmul.f32 v59, v40;
	v32 =	vadd.f32 v1, v13;
	[tilespmem:$0x1FF20] =	vst v8  }
0xf7: {  	v8 =	vmul.f32 v60, v40;
	v60 =	vld [tilespmem:s14+$0x3030];
	[tilespmem:s29+$0x13000] =	vst v63  }
0xf8: {  	v61 =	vmul.f32 v61, v40;
	v63 =	vadd.f32 v59, v9;
	v59 =	vld [tilespmem:s14+$0x3040];
	[tilespmem:s29+$0x13010] =	vst v32  }
0xf9: {  	[tilespmem:$0x1FF80] =	vst v0;
	v0 =	vld [tilespmem:s14+$0xB040]  }
0xfa: {  	[tilespmem:$0x1FF40] =	vst v31;
	v3 =	vsub.f32 v3, v31;
	v31 =	vadd.f32 v61, v21  }
0xfb: {  	v57 =	vmul.f32 v57, v40;
	v61 =	vadd.f32 v8, v7  }
0xfc: {  	v62 =	vmov v4;
	v4 =	vld [tilespmem:$0x1FEC0];
	[tilespmem:s29+$0x13020] =	vst v31  }
0xfd: {  	v31 =	vadd.f32 v57, v12;
	v57 =	vld [tilespmem:s14+$0x3050];
	[tilespmem:s29+$0x13030] =	vst v61  }
0xfe: {  	v8 =	vmul.f32 v58, v40;
	[tilespmem:$0x1FF90] =	vst v0;
	v0 =	vld [tilespmem:s14+$0xB050];
	_ =	sdelay $0x1  }
0xff: {  	[tilespmem:$0x1FED0] =	vst v5;
	v55 =	vmul.f32 v55, v40;
	v32 =	vadd.f32 v8, v11  }
0x100: {  	v56 =	vmul.f32 v56, v40;
	[tilespmem:s29+$0x13040] =	vst v63  }
0x101: {  	v54 =	vmul.f32 v54, v40;
	v9 =	vadd.f32 v55, v18;
	v18 =	vld [tilespmem:s14+$0x3060];
	[tilespmem:s29+$0x13050] =	vst v32  }
0x102: {  	v56 =	vadd.f32 v56, v52;
	v21 =	vmul.f32 v4, v40;
	v4 =	vld [tilespmem:$0x1FED0];
	v7 =	vmul.f32 v53, v40;
	[tilespmem:$0x1FFA0] =	vst v0  }
0x103: {  	v0 =	vmul.f32 v2, v40;
	v2 =	vld [tilespmem:s14+$0xB060];
	[tilespmem:s29+$0x13060] =	vst v31  }
0x104: {  	v10 =	vadd.f32 v54, v6;
	v11 =	vadd.f32 v7, v27;
	v7 =	vmul.f32 v15, v40;
	v15 =	vld [tilespmem:s14+$0x3070];
	[tilespmem:s29+$0x13070] =	vst v56  }
0x105: {  	v56 =	vld [tilespmem:s14+$0xB070];
	[tilespmem:s29+$0x13400] =	vst v9  }
0x106: {  	v55 =	vld [tilespmem:s14+$0x3400];
	[tilespmem:s29+$0x13410] =	vst v10  }
0x107: {  	v21 =	vadd.f32 v21, v4;
	v4 =	vld [tilespmem:s14+$0xB400];
	_ =	sdelay $0x4  }
0x108: {  	[tilespmem:$0x1FFC0] =	vst v4;
	v4 =	vld [tilespmem:$0x1FEE0]  }
0x109: {  	v1 =	vmul.f32 v37, v40  }
0x10a: {  	v48 =	vsub.f32 v48, v22;
	v61 =	vmul.f32 v50, v40  }
0x10b: {  	v1 =	vadd.f32 v1, v29;
	v29 =	vmul.f32 v49, v40;
	v63 =	vmul.f32 v51, v40  }
0x10c: {  	v5 =	vmovc v23;
	v23 =	vmovc v22;
	v22 =	vmov v30;
	v13 =	vadd.f32 v61, v16;
	v16 =	vadd.f32 v7, v26  }
0x10d: {  	v26 =	vadd.f32 v63, v22;
	v22 =	vmul.f32 v24, v40;
	v24 =	vadd.f32 v29, v4;
	v4 =	vld [tilespmem:$0x1FEF0];
	_ =	sdelay $0x4  }
0x10e: {  	v6 =	vmul.f32 v4, v40;
	v4 =	vld [tilespmem:$0x1FF00];
	_ =	sdelay $0x1  }
0x10f: {  	v47 =	vld [tilespmem:s29+$0x3C70];
	v27 =	vmul.f32 v48, v40;
	[tilespmem:s29+$0x13420] =	vst v11  }
0x110: {  	v30 =	vmov v33;
	v45 =	vsub.f32 v45, v33;
	v33 =	vld [tilespmem:s29+$0xBC70];
	[tilespmem:$0x1FFB0] =	vst v2;
	v2 =	vmul.f32 v39, v40  }
0x111: {  	v0 =	vadd.f32 v0, v19;
	v19 =	vadd.f32 v27, v23;
	v27 =	vld [tilespmem:s14+$0x3410]  }
0x112: {  	[tilespmem:s29+$0x13430] =	vst v13;
	v2 =	vadd.f32 v2, v25;
	v25 =	vmul.f32 v4, v40;
	v4 =	vld [tilespmem:$0x1FF20]  }
0x113: {  	v13 =	vmul.f32 v20, v40;
	v54 =	vld [tilespmem:s14+$0xB410];
	[tilespmem:s29+$0x13440] =	vst v16  }
0x114: {  	v53 =	vld [tilespmem:s14+$0x3420];
	[tilespmem:s29+$0x13450] =	vst v26  }
0x115: {  	v51 =	vld [tilespmem:s14+$0xB420]  }
0x116: {  	[tilespmem:s29+$0x13460] =	vst v0;
	v0 =	vld [tilespmem:$0x1FF10]  }
0x117: {  	v22 =	vadd.f32 v22, v17;
	v17 =	vadd.f32 v13, v42;
	v13 =	vmov v4;
	v4 =	vld [tilespmem:$0x1FF30]  }
0x118: {  	v31 =	vmul.f32 v45, v40;
	v26 =	vld [tilespmem:s14+$0x3430];
	[tilespmem:s29+$0x13470] =	vst v1  }
0x119: {  	v50 =	vld [tilespmem:s14+$0xB430];
	[tilespmem:s29+$0x13800] =	vst v2  }
0x11a: {  	v43 =	vsub.f32 v43, v5;
	v12 =	vmul.f32 v38, v40;
	v38 =	vld [tilespmem:s14+$0x3440];
	[tilespmem:s29+$0x13810] =	vst v21  }
0x11b: {  	v29 =	vld [tilespmem:s14+$0xB440]  }
0x11c: {  	v23 =	vadd.f32 v31, v30;
	v11 =	vmul.f32 v43, v40;
	[tilespmem:s29+$0x13820] =	vst v19;
	v31 =	vmov v4;
	v4 =	vld [tilespmem:$0x1FF40]  }
0x11d: {  	v30 =	vld [tilespmem:s14+$0x3450];
	[tilespmem:s29+$0x13830] =	vst v24  }
0x11e: {  	v20 =	vadd.f32 v11, v5;
	v21 =	vld [tilespmem:s14+$0xB450];
	[tilespmem:s29+$0x13840] =	vst v22  }
0x11f: {  	v44 =	vsub.f32 v44, v14;
	v3 =	vmul.f32 v3, v40;
	v16 =	vmul.f32 v41, v40;
	v19 =	vld [tilespmem:s14+$0x3460];
	[tilespmem:s29+$0x13850] =	vst v23  }
0x120: {  	v37 =	vld [tilespmem:s14+$0xB460];
	[tilespmem:s29+$0x13860] =	vst v20  }
0x121: {  	v5 =	vmul.f32 v44, v40;
	v0 =	vadd.f32 v16, v0;
	v3 =	vadd.f32 v3, v4;
	v4 =	vld [tilespmem:s14+$0x3470];
	[tilespmem:s29+$0x13870] =	vst v17  }
0x122: {  	v39 =	vld [tilespmem:s14+$0xB470]  }
0x123: {  	v5 =	vadd.f32 v5, v14;
	[tilespmem:s29+$0x13C00] =	vst v0;
	v0 =	vld [tilespmem:$0x1FF50]  }
0x124: {  	v33 =	vsub.f32 v33, v47;
	v14 =	vmul.f32 v36, v40  }
0x125: {  	v1 =	vadd.f32 v6, v28;
	v6 =	vadd.f32 v25, v46;
	v25 =	vld [tilespmem:s14+$0x3800];
	[tilespmem:s29+$0x13C10] =	vst v5  }
0x126: {  	v2 =	vadd.f32 v14, v34;
	v14 =	vmul.f32 v33, v40;
	v40 =	vld [tilespmem:s14+$0xB800]  }
0x127: {  	[tilespmem:s29+$0x13C20] =	vst v1;
	v1 =	vld [tilespmem:$0x1FFC0]  }
0x128: {  	v63 =	vsub.f32 v0, v62;
	v0 =	vld [tilespmem:$0x1FF60]  }
0x129: {  	v12 =	vadd.f32 v12, v35;
	v5 =	vld [tilespmem:s14+$0x3810];
	[tilespmem:s29+$0x13C30] =	vst v6  }
0x12a: {  	v14 =	vadd.f32 v14, v47;
	v47 =	vld [tilespmem:s14+$0xB810];
	[tilespmem:s29+$0x13C40] =	vst v2  }
0x12b: {  	v22 =	vld [tilespmem:s14+$0x3820];
	[tilespmem:s29+$0x13C50] =	vst v12  }
0x12c: {  	v48 =	vld [tilespmem:s14+$0xB820]  }
0x12d: {  	v10 =	vmov v62;
	[tilespmem:s29+$0x13C60] =	vst v3;
	v62 =	vsub.f32 v0, v13;
	v0 =	vld [tilespmem:$0x1FF70]  }
0x12e: {  	v17 =	vld [tilespmem:s14+$0x3830];
	[tilespmem:s29+$0x13C70] =	vst v14;
	s29 =	smov.u32 s14  }
0x12f: {  	v49 =	vld [tilespmem:s29+$0xB830]  }
0x130: {  	v24 =	vld [tilespmem:s29+$0x3840]  }
0x131: {  	v42 =	vld [tilespmem:s29+$0xB840]  }
0x132: {  	v61 =	vsub.f32 v0, v31;
	v0 =	vld [tilespmem:$0x1FF80]  }
0x133: {  	v33 =	vld [tilespmem:s29+$0x3850]  }
0x134: {  	v45 =	vld [tilespmem:s29+$0xB850]  }
0x135: {  	v23 =	vld [tilespmem:s29+$0x3860]  }
0x136: {  	v43 =	vld [tilespmem:s29+$0xB860]  }
0x137: {  	v7 =	vmov v60;
	v60 =	vsub.f32 v0, v60;
	v0 =	vld [tilespmem:$0x1FF90]  }
0x138: {  	v20 =	vld [tilespmem:s29+$0x3870]  }
0x139: {  	v8 =	vld [tilespmem:s29+$0xB870]  }
0x13a: {  	v28 =	vld [tilespmem:s29+$0x3C00]  }
0x13b: {  	v41 =	vld [tilespmem:s29+$0xBC00]  }
0x13c: {  	v9 =	vmov v59;
	v59 =	vsub.f32 v0, v59;
	v0 =	vld [tilespmem:$0x1FFA0]  }
0x13d: {  	v14 =	vld [tilespmem:s29+$0x3C10]  }
0x13e: {  	v44 =	vld [tilespmem:s29+$0xBC10]  }
0x13f: {  	v32 =	vld [tilespmem:s29+$0x3C20]  }
0x140: {  	v34 =	vld [tilespmem:s29+$0xBC20]  }
0x141: {  	v58 =	vsub.f32 v0, v57;
	v0 =	vld [tilespmem:$0x1FFB0]  }
0x142: {  	p0 =	sne.s32 s30, $0x3E00;
	v46 =	vld [tilespmem:s29+$0x3C30]  }
.Ltmp4:
0x143: {  	v35 =	vld [tilespmem:s29+$0xBC30];
	(pc) =	sbr.rel @p0 .LBB2_3-.Ltmp4, $4  }
0x144: {  	v56 =	vsub.f32 v56, v15;
	v54 =	vsub.f32 v54, v27;
	v36 =	vld [tilespmem:s29+$0xBC40]  }
0x145: {  	v52 =	vmovc v15;
	v16 =	vmovc v26;
	v50 =	vsub.f32 v50, v26;
	v26 =	vmov v38;
	v15 =	vsub.f32 v29, v38;
	v38 =	vld [tilespmem:s29+$0xBC50]  }
0x146: {  	v11 =	vmovc v57;
	v6 =	vmovc v27;
	v27 =	vmov v53;
	v53 =	vsub.f32 v51, v53;
	v57 =	vsub.f32 v0, v18;
	v0 =	vld [tilespmem:s29+$0x3C40]  }
0x147: {  	s2 =	smov.u32 s30;
	s30 =	sadd.s32 $0x200, s30;
	v51 =	vsub.f32 v21, v30;
	v12 =	vmovc v18;
	v18 =	vmov v55;
	v55 =	vsub.f32 v1, v55;
	v1 =	vld [tilespmem:s29+$0x3C50]  }
0x148: {  	s0 =	sshra.s32 s2, $0x2  }
0x149: {  	v3 =	vld [tilespmem:s0+$0x1000];
	_ =	sdelay $0x1  }
0x14a: {  	v2 =	vld [tilespmem:s29+$0x3C60];
	_ =	sdelay $0x2  }
0x14b: {  	v29 =	vmul.f32 v63, v3  }
0x14c: {  	v21 =	vmul.f32 v62, v3  }
0x14d: {  	[tilespmem:$0x1FEB0] =	vst v2;
	v60 =	vmul.f32 v60, v3;
	v2 =	vadd.f32 v29, v10  }
0x14e: {  	v10 =	vmul.f32 v61, v3;
	v61 =	vadd.f32 v21, v13  }
0x14f: {  	v21 =	vmul.f32 v59, v3;
	v59 =	vadd.f32 v60, v7;
	[tilespmem:s29+$0x13000] =	vst v2  }
0x150: {  	v60 =	vmul.f32 v58, v3;
	v10 =	vadd.f32 v10, v31;
	[tilespmem:s29+$0x13010] =	vst v61  }
0x151: {  	v15 =	vmul.f32 v15, v3;
	v2 =	vadd.f32 v21, v9;
	[tilespmem:s29+$0x13030] =	vst v59  }
0x152: {  	v29 =	vmov v26;
	v61 =	vmul.f32 v57, v3;
	v13 =	vadd.f32 v60, v11;
	[tilespmem:s29+$0x13020] =	vst v10  }
0x153: {  	v21 =	vmul.f32 v56, v3;
	v9 =	vadd.f32 v15, v29;
	[tilespmem:s29+$0x13040] =	vst v2  }
0x154: {  	v57 =	vmul.f32 v55, v3;
	v56 =	vadd.f32 v61, v12;
	[tilespmem:s29+$0x13050] =	vst v13  }
0x155: {  	v59 =	vmul.f32 v54, v3;
	v60 =	vmul.f32 v53, v3;
	v58 =	vadd.f32 v21, v52;
	[tilespmem:s29+$0x13440] =	vst v9  }
0x156: {  	v31 =	vsub.f32 v40, v25;
	v2 =	vadd.f32 v57, v18;
	[tilespmem:s29+$0x13060] =	vst v56  }
0x157: {  	v10 =	vadd.f32 v59, v6;
	v61 =	vmul.f32 v50, v3;
	v12 =	vadd.f32 v60, v27;
	[tilespmem:s29+$0x13070] =	vst v58  }
0x158: {  	v13 =	vsub.f32 v37, v19;
	v18 =	vmov v4;
	v27 =	vmul.f32 v51, v3;
	[tilespmem:s29+$0x13400] =	vst v2  }
0x159: {  	v21 =	vsub.f32 v39, v4;
	v6 =	vmul.f32 v31, v3;
	v7 =	vadd.f32 v61, v16;
	[tilespmem:s29+$0x13410] =	vst v10  }
0x15a: {  	v39 =	vsub.f32 v48, v22;
	[tilespmem:s29+$0x13420] =	vst v12;
	v2 =	vmul.f32 v13, v3;
	v10 =	vadd.f32 v27, v30  }
0x15b: {  	v63 =	vld [tilespmem:s29+$0xBC60];
	v37 =	vsub.f32 v47, v5;
	v4 =	vmul.f32 v21, v3;
	v6 =	vadd.f32 v6, v25;
	[tilespmem:s29+$0x13430] =	vst v7  }
0x15c: {  	v40 =	vsub.f32 v49, v17;
	v57 =	vld [tilespmem:$0x1FEB0];
	v9 =	vmul.f32 v39, v3;
	v2 =	vadd.f32 v2, v19;
	[tilespmem:s29+$0x13450] =	vst v10  }
0x15d: {  	v49 =	vsub.f32 v43, v23;
	v4 =	vadd.f32 v4, v18;
	v7 =	vmul.f32 v37, v3;
	[tilespmem:s29+$0x13800] =	vst v6  }
0x15e: {  	v47 =	vsub.f32 v42, v24;
	v10 =	vmul.f32 v40, v3;
	v9 =	vadd.f32 v9, v22;
	[tilespmem:s29+$0x13460] =	vst v2  }
0x15f: {  	v62 =	vld [tilespmem:s29+$0xBC70];
	v48 =	vsub.f32 v45, v33;
	v6 =	vmul.f32 v49, v3;
	v7 =	vadd.f32 v7, v5;
	[tilespmem:s29+$0x13470] =	vst v4  }
0x160: {  	v26 =	vld [tilespmem:s29+$0x3C70];
	v51 =	vsub.f32 v41, v28;
	v2 =	vmul.f32 v47, v3;
	v10 =	vadd.f32 v10, v17;
	[tilespmem:s29+$0x13820] =	vst v9  }
0x161: {  	v58 =	vsub.f32 v63, v57;
	v4 =	vmul.f32 v48, v3;
	v6 =	vadd.f32 v6, v23;
	[tilespmem:s29+$0x13810] =	vst v7  }
0x162: {  	v50 =	vsub.f32 v8, v20;
	v9 =	vmul.f32 v51, v3;
	v2 =	vadd.f32 v2, v24;
	[tilespmem:s29+$0x13830] =	vst v10  }
0x163: {  	v52 =	vsub.f32 v44, v14;
	v60 =	vmul.f32 v58, v3;
	v4 =	vadd.f32 v4, v33;
	[tilespmem:s29+$0x13860] =	vst v6  }
0x164: {  	v55 =	vsub.f32 v36, v0;
	v7 =	vmul.f32 v50, v3;
	v9 =	vadd.f32 v9, v28;
	[tilespmem:s29+$0x13840] =	vst v2  }
0x165: {  	v59 =	vsub.f32 v62, v26;
	v10 =	vmul.f32 v52, v3;
	v63 =	vadd.f32 v60, v57;
	[tilespmem:s29+$0x13850] =	vst v4  }
0x166: {  	v53 =	vsub.f32 v34, v32;
	v6 =	vmul.f32 v55, v3;
	v7 =	vadd.f32 v7, v20;
	[tilespmem:s29+$0x13C00] =	vst v9  }
0x167: {  	v54 =	vsub.f32 v35, v46;
	v61 =	vmul.f32 v59, v3;
	v10 =	vadd.f32 v10, v14;
	[tilespmem:s29+$0x13C60] =	vst v63  }
0x168: {  	v56 =	vsub.f32 v38, v1;
	v2 =	vmul.f32 v53, v3;
	v6 =	vadd.f32 v6, v0;
	[tilespmem:s29+$0x13870] =	vst v7  }
0x169: {  	p0 =	seq.s32 s28, $0x1F;
	v4 =	vmul.f32 v54, v3;
	v0 =	vadd.f32 v61, v26;
	[tilespmem:s29+$0x13C10] =	vst v10  }
.Ltmp5:
0x16a: {  	v2 =	vadd.f32 v2, v32;
	v7 =	vmul.f32 v56, v3;
	[tilespmem:s29+$0x13C40] =	vst v6;
	(pc) =	sbr.rel @p0 .LBB2_6-.Ltmp5, $4  }
0x16b: {  	v4 =	vadd.f32 v4, v46;
	[tilespmem:s29+$0x13C70] =	vst v0  }
0x16c: {  	[tilespmem:s29+$0x13C20] =	vst v2;
	v62 =	vadd.f32 v7, v1  }
0x16d: {  	[tilespmem:s29+$0x13C30] =	vst v4  }
0x16e: {  	[tilespmem:s29+$0x13C50] =	vst v62;
	s29 =	sshll.u32 s28, $0x6  }
0x16f: {  	s0 =	sadd.s32 $0x40, s29  }
0x170: {  	s0 =	sshll.u32 s0, $0x4  }
0x171: {  	s2 =	simm.s32 $0x1000;
	s0 =	sadd.s32 s4, s0  }
0x172: {  	[tilespmem:s2], [sflag:$0x1] =	stream.linear.gather [hbm4b:s0+s3], $0x1000, $0x38;
	[tilespmem:$0x17000] =	vst v63  }
0x173: {  	v0 =	vld [tilespmem:s29+$0x40];
	_ =	sdelay $0x2  }
0x174: {  	v2 =	vld [tilespmem:$0x1FFD0];
	_ =	sdelay $0x1  }
0x175: {  	v3 =	vld [tilespmem:$0x1FFE0];
	v1 =	vshll.u32 v0, $0x2  }
0x176: {  	v0 =	vand.u32 $0x7, v0;
	v1 =	vand.u32 $0xFFFFFFE0, v1  }
0x177: {  	v4 =	vld [tilespmem:$0x1FFF0];
	v0 =	vor.u32 v0, v1  }
0x178: {  	v1 =	vperm.xlane v0, v2;
	_ =	sdelay $0x1  }
0x179: {  	v1 =	vadd.s32 v3, v1;
	_ =	sdelay $0x1  }
0x17a: {  	v0 =	vperm.xlane v0, v4;
	_ =	sdelay $0x1  }
0x17b: {  	s30 =	simm.s32 $0x3000;
	v0 =	vadd.s32 v3, v0  }
0x17c: {  	[tilespmem:s30], [sflag:$0x1] =	stream.indirect_vreg.gather [hbm4b:s1+s3], $0x80, v1, vm0, $0xb8;
	[tilespmem:$0x17000] =	vst v63  }
0x17d: {  	s31 =	simm.s32 $0x3800  }
0x17e: {  	[tilespmem:s31], [sflag:$0x1] =	stream.indirect_vreg.gather [hbm4b:s7+s3], $0x80, v1, vm0, $0xb8;
	[tilespmem:$0x17000] =	vst v63  }
0x17f: {  	s2 =	simm.s32 $0x4000  }
0x180: {  	[tilespmem:s2], [sflag:$0x1] =	stream.indirect_vreg.gather [hbm4b:s1+s3], $0x80, v0, vm0, $0xb8;
	[tilespmem:$0x17000] =	vst v63  }
0x181: {  	s5 =	simm.s32 $0x4800  }
0x182: {  	[tilespmem:s5], [sflag:$0x1] =	stream.indirect_vreg.gather [hbm4b:s7+s3], $0x80, v0, vm0, $0xb8;
	[tilespmem:$0x17000] =	vst v63  }
0x183: {  	v0 =	vld [tilespmem:s29+$0x50];
	_ =	sdelay $0x4  }
0x184: {  	v61 =	vshll.u32 v0, $0x2  }
0x185: {  	v0 =	vand.u32 $0x7, v0;
	v1 =	vand.u32 $0xFFFFFFE0, v61  }
0x186: {  	v0 =	vor.u32 v0, v1  }
0x187: {  	v1 =	vperm.xlane v0, v2;
	_ =	sdelay $0x1  }
0x188: {  	v1 =	vadd.s32 v3, v1;
	_ =	sdelay $0x1  }
0x189: {  	v0 =	vperm.xlane v0, v4;
	_ =	sdelay $0x1  }
0x18a: {  	s11 =	simm.s32 $0x5000;
	v0 =	vadd.s32 v3, v0  }
0x18b: {  	[tilespmem:s11], [sflag:$0x1] =	stream.indirect_vreg.gather [hbm4b:s1+s3], $0x80, v1, vm0, $0xb8;
	[tilespmem:$0x17000] =	vst v63  }
0x18c: {  	s12 =	simm.s32 $0x5800  }
0x18d: {  	[tilespmem:s12], [sflag:$0x1] =	stream.indirect_vreg.gather [hbm4b:s7+s3], $0x80, v1, vm0, $0xb8;
	[tilespmem:$0x17000] =	vst v63  }
0x18e: {  	s14 =	simm.s32 $0x6000  }
0x18f: {  	[tilespmem:s14], [sflag:$0x1] =	stream.indirect_vreg.gather [hbm4b:s1+s3], $0x80, v0, vm0, $0xb8;
	[tilespmem:$0x17000] =	vst v63  }
0x190: {  	s30 =	simm.s32 $0x6800  }
0x191: {  	[tilespmem:s30], [sflag:$0x1] =	stream.indirect_vreg.gather [hbm4b:s7+s3], $0x80, v0, vm0, $0xb8;
	[tilespmem:$0x17000] =	vst v63  }
0x192: {  	v0 =	vld [tilespmem:s29+$0x840];
	_ =	sdelay $0x4  }
0x193: {  	v62 =	vshll.u32 v0, $0x2  }
0x194: {  	v0 =	vand.u32 $0x7, v0;
	v1 =	vand.u32 $0xFFFFFFE0, v62  }
0x195: {  	v0 =	vor.u32 v0, v1  }
0x196: {  	v1 =	vperm.xlane v0, v2;
	_ =	sdelay $0x1  }
0x197: {  	v1 =	vadd.s32 v3, v1;
	_ =	sdelay $0x1  }
0x198: {  	v0 =	vperm.xlane v0, v4;
	_ =	sdelay $0x1  }
0x199: {  	s31 =	simm.s32 $0xB000;
	v0 =	vadd.s32 v3, v0  }
0x19a: {  	[tilespmem:s31], [sflag:$0x1] =	stream.indirect_vreg.gather [hbm4b:s1+s3], $0x80, v1, vm0, $0xb8;
	[tilespmem:$0x17000] =	vst v63  }
0x19b: {  	s2 =	simm.s32 $0xB800  }
0x19c: {  	[tilespmem:s2], [sflag:$0x1] =	stream.indirect_vreg.gather [hbm4b:s7+s3], $0x80, v1, vm0, $0xb8;
	[tilespmem:$0x17000] =	vst v63  }
0x19d: {  	s5 =	simm.s32 $0xC000  }
0x19e: {  	[tilespmem:s5], [sflag:$0x1] =	stream.indirect_vreg.gather [hbm4b:s1+s3], $0x80, v0, vm0, $0xb8;
	[tilespmem:$0x17000] =	vst v63  }
0x19f: {  	s11 =	simm.s32 $0xC800  }
0x1a0: {  	[tilespmem:s11], [sflag:$0x1] =	stream.indirect_vreg.gather [hbm4b:s7+s3], $0x80, v0, vm0, $0xb8;
	[tilespmem:$0x17000] =	vst v63  }
0x1a1: {  	v0 =	vld [tilespmem:s29+$0x850];
	_ =	sdelay $0x4  }
0x1a2: {  	v63 =	vshll.u32 v0, $0x2  }
0x1a3: {  	v0 =	vand.u32 $0x7, v0;
	v1 =	vand.u32 $0xFFFFFFE0, v63  }
0x1a4: {  	v0 =	vor.u32 v0, v1  }
0x1a5: {  	v1 =	vperm.xlane v0, v2;
	_ =	sdelay $0x1  }
0x1a6: {  	v1 =	vadd.s32 v3, v1;
	_ =	sdelay $0x1  }
0x1a7: {  	v0 =	vperm.xlane v0, v4;
	_ =	sdelay $0x1  }
0x1a8: {  	s12 =	simm.s32 $0xD000;
	v0 =	vadd.s32 v3, v0  }
0x1a9: {  	[tilespmem:s12], [sflag:$0x1] =	stream.indirect_vreg.gather [hbm4b:s1+s3], $0x80, v1, vm0, $0xb8;
	[tilespmem:$0x17000] =	vst v63  }
0x1aa: {  	s14 =	simm.s32 $0xD800  }
0x1ab: {  	[tilespmem:s14], [sflag:$0x1] =	stream.indirect_vreg.gather [hbm4b:s7+s3], $0x80, v1, vm0, $0xb8;
	[tilespmem:$0x17000] =	vst v63  }
0x1ac: {  	s30 =	simm.s32 $0xE000  }
0x1ad: {  	[tilespmem:s30], [sflag:$0x1] =	stream.indirect_vreg.gather [hbm4b:s1+s3], $0x80, v0, vm0, $0xb8;
	[tilespmem:$0x17000] =	vst v63  }
0x1ae: {  	s31 =	simm.s32 $0xE800  }
0x1af: {  	[tilespmem:s31], [sflag:$0x1] =	stream.indirect_vreg.gather [hbm4b:s7+s3], $0x80, v0, vm0, $0xb8;
	[tilespmem:$0x17000] =	vst v63  }
.LBB2_6:
0x1b0: {  	s30 =	sshll.u32 s28, $0xC  }
0x1b1: {  	s2 =	simm.s32 $0x0;
	s0 =	sadd.s32 s30, s9  }
0x1b2: {  	[hbm4b:s0+s2] =	stream.linear.scatter [tilespmem:s25], [sflag:$0x3], $0x4000, $0x38;
	[tilespmem:$0x17000] =	vst v63  }
0x1b3: {  	_ =	swait.ge [sflag:s13], $0x4000  }
0x1b4: {  	[sflag:s13] =	ssyncset.done $0x0  }
0x1b5: {  	[sflag:s13] =	ssyncadd.s32 $0xFFFFC000  }
0x1b6: {  	_ =	swait.ge [sflag:s26], $0x1000  }
0x1b7: {  	[sflag:s26] =	ssyncset.done $0x0  }
0x1b8: {  	[sflag:s26] =	ssyncadd.s32 $0xFFFFF000  }
0x1b9: {  	_ =	swait.ge [sflag:s26], $0x4000  }
0x1ba: {  	[sflag:s26] =	ssyncset.done $0x0  }
0x1bb: {  	[sflag:s26] =	ssyncadd.s32 $0xFFFFC000  }
0x1bc: {  	_ =	swait.ge [sflag:s26], $0x4000  }
0x1bd: {  	s14 =	sand.u32 $0x3000, s2;
	s11 =	sand.u32 $0x380, s2;
	[sflag:s26] =	ssyncset.done $0x0  }
0x1be: {  	s31 =	sor.u32 s11, s14;
	[sflag:s26] =	ssyncadd.s32 $0xFFFFC000  }
0x1bf: {  	v6 =	vld [tilespmem:s31+$0x7000]  }
0x1c0: {  	v34 =	vld [tilespmem:s31+$0xF000]  }
0x1c1: {  	v13 =	vld [tilespmem:s31+$0x7010]  }
0x1c2: {  	v35 =	vld [tilespmem:s31+$0xF010]  }
0x1c3: {  	v31 =	vld [tilespmem:s31+$0x7020]  }
0x1c4: {  	v7 =	vld [tilespmem:s31+$0xF020]  }
0x1c5: {  	v9 =	vld [tilespmem:s31+$0x7030]  }
0x1c6: {  	v18 =	vld [tilespmem:s31+$0xF030]  }
0x1c7: {  	v12 =	vld [tilespmem:s31+$0x7040]  }
0x1c8: {  	v11 =	vld [tilespmem:s31+$0xF040]  }
0x1c9: {  	v21 =	vld [tilespmem:s31+$0x7050]  }
0x1ca: {  	v0 =	vld [tilespmem:s31+$0xF050]  }
0x1cb: {  	v29 =	vld [tilespmem:s31+$0x7060]  }
0x1cc: {  	v52 =	vld [tilespmem:s31+$0xF060]  }
0x1cd: {  	v15 =	vld [tilespmem:s31+$0x7070]  }
0x1ce: {  	v36 =	vld [tilespmem:s31+$0xF070]  }
0x1cf: {  	v53 =	vld [tilespmem:s31+$0x7400]  }
0x1d0: {  	v54 =	vld [tilespmem:s31+$0xF400]  }
0x1d1: {  	v27 =	vld [tilespmem:s31+$0x7410]  }
0x1d2: {  	v50 =	vld [tilespmem:s31+$0xF410]  }
0x1d3: {  	v3 =	vld [tilespmem:s31+$0x7420]  }
0x1d4: {  	v16 =	vld [tilespmem:s31+$0xF420]  }
0x1d5: {  	v28 =	vld [tilespmem:s31+$0x7430]  }
0x1d6: {  	v1 =	vld [tilespmem:s31+$0xF430]  }
0x1d7: {  	v38 =	vld [tilespmem:s31+$0x7440]  }
0x1d8: {  	v51 =	vld [tilespmem:s31+$0xF440]  }
0x1d9: {  	v30 =	vld [tilespmem:s31+$0x7450]  }
0x1da: {  	v2 =	vld [tilespmem:s31+$0xF450]  }
0x1db: {  	v19 =	vld [tilespmem:s31+$0x7460]  }
0x1dc: {  	v37 =	vld [tilespmem:s31+$0xF460]  }
0x1dd: {  	v4 =	vld [tilespmem:s31+$0x7470]  }
0x1de: {  	v39 =	vld [tilespmem:s31+$0xF470]  }
0x1df: {  	v25 =	vld [tilespmem:s31+$0x7800]  }
0x1e0: {  	v40 =	vld [tilespmem:s31+$0xF800]  }
0x1e1: {  	v5 =	vld [tilespmem:s31+$0x7810]  }
0x1e2: {  	v47 =	vld [tilespmem:s31+$0xF810]  }
0x1e3: {  	v22 =	vld [tilespmem:s31+$0x7820]  }
0x1e4: {  	v48 =	vld [tilespmem:s31+$0xF820]  }
0x1e5: {  	v17 =	vld [tilespmem:s31+$0x7830]  }
0x1e6: {  	v49 =	vld [tilespmem:s31+$0xF830]  }
0x1e7: {  	v24 =	vld [tilespmem:s31+$0x7840]  }
0x1e8: {  	v42 =	vld [tilespmem:s31+$0xF840]  }
0x1e9: {  	v33 =	vld [tilespmem:s31+$0x7850]  }
0x1ea: {  	v45 =	vld [tilespmem:s31+$0xF850]  }
0x1eb: {  	v23 =	vld [tilespmem:s31+$0x7860]  }
0x1ec: {  	v43 =	vld [tilespmem:s31+$0xF860]  }
0x1ed: {  	v20 =	vld [tilespmem:s31+$0x7870]  }
0x1ee: {  	v8 =	vld [tilespmem:s31+$0xF870]  }
0x1ef: {  	v26 =	vld [tilespmem:s31+$0x7C00]  }
0x1f0: {  	v41 =	vld [tilespmem:s31+$0xFC00]  }
0x1f1: {  	v14 =	vld [tilespmem:s31+$0x7C10]  }
0x1f2: {  	v44 =	vld [tilespmem:s31+$0xFC10]  }
0x1f3: {  	v32 =	vld [tilespmem:s31+$0x7C20]  }
0x1f4: {  	v46 =	vld [tilespmem:s31+$0x7C30];
	v63 =	vsub.f32 v34, v6;
	v62 =	vsub.f32 v35, v13  }
0x1f5: {  	v34 =	vld [tilespmem:s31+$0xFC20];
	v61 =	vsub.f32 v7, v31;
	v60 =	vsub.f32 v18, v9  }
0x1f6: {  	v59 =	vsub.f32 v11, v12;
	v58 =	vsub.f32 v0, v21;
	v35 =	vld [tilespmem:s31+$0xFC30]  }
0x1f7: {  	v10 =	vmovc v6;
	v7 =	vmovc v9;
	v9 =	vmov v12;
	v57 =	vsub.f32 v52, v29;
	v56 =	vsub.f32 v36, v15;
	v0 =	vld [tilespmem:s31+$0x7C40]  }
0x1f8: {  	v11 =	vmovc v21;
	v12 =	vmovc v29;
	v52 =	vmov v15;
	v55 =	vsub.f32 v54, v53;
	v54 =	vsub.f32 v50, v27;
	v36 =	vld [tilespmem:s31+$0xFC40]  }
0x1f9: {  	v18 =	vmovc v53;
	v6 =	vmovc v27;
	v27 =	vmov v3;
	v53 =	vsub.f32 v16, v3;
	v50 =	vsub.f32 v1, v28;
	v1 =	vld [tilespmem:s31+$0x7C50]  }
0x1fa: {  	s0 =	simm.s32 $0x200;
	s14 =	simm.s32 $0x0;
	v16 =	vmovc v28;
	v28 =	vmovc v26;
	v26 =	vmov v38;
	v15 =	vsub.f32 v51, v38;
	v51 =	vsub.f32 v2, v30;
	v38 =	vld [tilespmem:s31+$0xFC50]  }
.LBB2_7:
0x1fb: {  	s14 =	sadd.s32 $0x80, s14  }
0x1fc: {  	s12 =	sand.u32 $0x3000, s0;
	s5 =	sand.u32 $0x380, s14  }
0x1fd: {  	s12 =	sor.u32 s5, s12;
	v49 =	vsub.f32 v49, v17  }
0x1fe: {  	[tilespmem:$0x1FDC0] =	vst v17;
	v17 =	vmovc v24;
	v24 =	vsub.f32 v42, v24;
	v42 =	vmov v20;
	v20 =	vsub.f32 v8, v20;
	v8 =	vld [tilespmem:s12+$0xF000];
	_ =	sdelay $0x4  }
0x1ff: {  	v36 =	vsub.f32 v36, v0;
	[tilespmem:$0x1FE30] =	vst v8;
	v8 =	vsub.f32 v34, v32;
	v34 =	vmov v0;
	v0 =	vld [tilespmem:s12+$0xF010];
	_ =	sdelay $0x4  }
0x200: {  	[tilespmem:$0x1FE40] =	vst v0;
	v0 =	vld [tilespmem:s12+$0x7020];
	_ =	sdelay $0x2  }
0x201: {  	v2 =	vsub.f32 v37, v19;
	s11 =	sshra.s32 s2, $0x2  }
0x202: {  	v37 =	vsub.f32 v39, v4;
	v39 =	vsub.f32 v40, v25;
	v40 =	vld [tilespmem:s11+$0x2000];
	[tilespmem:$0x1FDD0] =	vst v8  }
0x203: {  	v8 =	vsub.f32 v35, v46;
	[tilespmem:$0x1FE10] =	vst v0;
	v0 =	vld [tilespmem:s12+$0xF020];
	_ =	sdelay $0x1  }
0x204: {  	v3 =	vsub.f32 v47, v5;
	[tilespmem:$0x1FDE0] =	vst v8;
	v8 =	vld [tilespmem:s12+$0x7010];
	_ =	sdelay $0x1  }
0x205: {  	v21 =	vmov v31;
	v31 =	vld [tilespmem:s31+$0x7C60];
	[tilespmem:$0x1FDA0] =	vst v3;
	v63 =	vmul.f32 v63, v40  }
0x206: {  	v38 =	vsub.f32 v38, v1;
	v35 =	vmov v1;
	v1 =	vmul.f32 v62, v40;
	[tilespmem:$0x1FE50] =	vst v0;
	v0 =	vld [tilespmem:s12+$0xF030]  }
0x207: {  	v3 =	vld [tilespmem:s31+$0xFC60];
	[tilespmem:$0x1FDF0] =	vst v28;
	v41 =	vsub.f32 v41, v28;
	v63 =	vadd.f32 v63, v10  }
0x208: {  	v29 =	vmovc v4;
	v4 =	vld [tilespmem:s12+$0x7000];
	v28 =	vmov v32;
	v59 =	vmul.f32 v59, v40;
	v32 =	vadd.f32 v1, v13;
	[tilespmem:$0x1FE00] =	vst v8  }
0x209: {  	v8 =	vmul.f32 v60, v40;
	v60 =	vld [tilespmem:s12+$0x7030];
	[tilespmem:s31+$0x13000] =	vst v63  }
0x20a: {  	v61 =	vmul.f32 v61, v40;
	v63 =	vadd.f32 v59, v9;
	v59 =	vld [tilespmem:s12+$0x7040];
	[tilespmem:s31+$0x13010] =	vst v32  }
0x20b: {  	[tilespmem:$0x1FE60] =	vst v0;
	v0 =	vld [tilespmem:s12+$0xF040]  }
0x20c: {  	[tilespmem:$0x1FE20] =	vst v31;
	v3 =	vsub.f32 v3, v31;
	v31 =	vadd.f32 v61, v21  }
0x20d: {  	v57 =	vmul.f32 v57, v40;
	v61 =	vadd.f32 v8, v7  }
0x20e: {  	v62 =	vmov v4;
	v4 =	vld [tilespmem:$0x1FDA0];
	[tilespmem:s31+$0x13020] =	vst v31  }
0x20f: {  	v31 =	vadd.f32 v57, v12;
	v57 =	vld [tilespmem:s12+$0x7050];
	[tilespmem:s31+$0x13030] =	vst v61  }
0x210: {  	v8 =	vmul.f32 v58, v40;
	[tilespmem:$0x1FE70] =	vst v0;
	v0 =	vld [tilespmem:s12+$0xF050];
	_ =	sdelay $0x1  }
0x211: {  	[tilespmem:$0x1FDB0] =	vst v5;
	v55 =	vmul.f32 v55, v40;
	v32 =	vadd.f32 v8, v11  }
0x212: {  	v56 =	vmul.f32 v56, v40;
	[tilespmem:s31+$0x13040] =	vst v63  }
0x213: {  	v54 =	vmul.f32 v54, v40;
	v9 =	vadd.f32 v55, v18;
	v18 =	vld [tilespmem:s12+$0x7060];
	[tilespmem:s31+$0x13050] =	vst v32  }
0x214: {  	v56 =	vadd.f32 v56, v52;
	v21 =	vmul.f32 v4, v40;
	v4 =	vld [tilespmem:$0x1FDB0];
	v7 =	vmul.f32 v53, v40;
	[tilespmem:$0x1FE80] =	vst v0  }
0x215: {  	v0 =	vmul.f32 v2, v40;
	v2 =	vld [tilespmem:s12+$0xF060];
	[tilespmem:s31+$0x13060] =	vst v31  }
0x216: {  	v10 =	vadd.f32 v54, v6;
	v11 =	vadd.f32 v7, v27;
	v7 =	vmul.f32 v15, v40;
	v15 =	vld [tilespmem:s12+$0x7070];
	[tilespmem:s31+$0x13070] =	vst v56  }
0x217: {  	v56 =	vld [tilespmem:s12+$0xF070];
	[tilespmem:s31+$0x13400] =	vst v9  }
0x218: {  	v55 =	vld [tilespmem:s12+$0x7400];
	[tilespmem:s31+$0x13410] =	vst v10  }
0x219: {  	v21 =	vadd.f32 v21, v4;
	v4 =	vld [tilespmem:s12+$0xF400];
	_ =	sdelay $0x4  }
0x21a: {  	[tilespmem:$0x1FEA0] =	vst v4;
	v4 =	vld [tilespmem:$0x1FDC0]  }
0x21b: {  	v1 =	vmul.f32 v37, v40  }
0x21c: {  	v48 =	vsub.f32 v48, v22;
	v61 =	vmul.f32 v50, v40  }
0x21d: {  	v1 =	vadd.f32 v1, v29;
	v29 =	vmul.f32 v49, v40;
	v63 =	vmul.f32 v51, v40  }
0x21e: {  	v5 =	vmovc v23;
	v23 =	vmovc v22;
	v22 =	vmov v30;
	v13 =	vadd.f32 v61, v16;
	v16 =	vadd.f32 v7, v26  }
0x21f: {  	v26 =	vadd.f32 v63, v22;
	v22 =	vmul.f32 v24, v40;
	v24 =	vadd.f32 v29, v4;
	v4 =	vld [tilespmem:$0x1FDD0];
	_ =	sdelay $0x4  }
0x220: {  	v6 =	vmul.f32 v4, v40;
	v4 =	vld [tilespmem:$0x1FDE0];
	_ =	sdelay $0x1  }
0x221: {  	v47 =	vld [tilespmem:s31+$0x7C70];
	v27 =	vmul.f32 v48, v40;
	[tilespmem:s31+$0x13420] =	vst v11  }
0x222: {  	v30 =	vmov v33;
	v45 =	vsub.f32 v45, v33;
	v33 =	vld [tilespmem:s31+$0xFC70];
	[tilespmem:$0x1FE90] =	vst v2;
	v2 =	vmul.f32 v39, v40  }
0x223: {  	v0 =	vadd.f32 v0, v19;
	v19 =	vadd.f32 v27, v23;
	v27 =	vld [tilespmem:s12+$0x7410]  }
0x224: {  	[tilespmem:s31+$0x13430] =	vst v13;
	v2 =	vadd.f32 v2, v25;
	v25 =	vmul.f32 v4, v40;
	v4 =	vld [tilespmem:$0x1FE00]  }
0x225: {  	v13 =	vmul.f32 v20, v40;
	v54 =	vld [tilespmem:s12+$0xF410];
	[tilespmem:s31+$0x13440] =	vst v16  }
0x226: {  	v53 =	vld [tilespmem:s12+$0x7420];
	[tilespmem:s31+$0x13450] =	vst v26  }
0x227: {  	v51 =	vld [tilespmem:s12+$0xF420]  }
0x228: {  	[tilespmem:s31+$0x13460] =	vst v0;
	v0 =	vld [tilespmem:$0x1FDF0]  }
0x229: {  	v22 =	vadd.f32 v22, v17;
	v17 =	vadd.f32 v13, v42;
	v13 =	vmov v4;
	v4 =	vld [tilespmem:$0x1FE10]  }
0x22a: {  	v31 =	vmul.f32 v45, v40;
	v26 =	vld [tilespmem:s12+$0x7430];
	[tilespmem:s31+$0x13470] =	vst v1  }
0x22b: {  	v50 =	vld [tilespmem:s12+$0xF430];
	[tilespmem:s31+$0x13800] =	vst v2  }
0x22c: {  	v43 =	vsub.f32 v43, v5;
	v12 =	vmul.f32 v38, v40;
	v38 =	vld [tilespmem:s12+$0x7440];
	[tilespmem:s31+$0x13810] =	vst v21  }
0x22d: {  	v29 =	vld [tilespmem:s12+$0xF440]  }
0x22e: {  	v23 =	vadd.f32 v31, v30;
	v11 =	vmul.f32 v43, v40;
	[tilespmem:s31+$0x13820] =	vst v19;
	v31 =	vmov v4;
	v4 =	vld [tilespmem:$0x1FE20]  }
0x22f: {  	v30 =	vld [tilespmem:s12+$0x7450];
	[tilespmem:s31+$0x13830] =	vst v24  }
0x230: {  	v20 =	vadd.f32 v11, v5;
	v21 =	vld [tilespmem:s12+$0xF450];
	[tilespmem:s31+$0x13840] =	vst v22  }
0x231: {  	v44 =	vsub.f32 v44, v14;
	v3 =	vmul.f32 v3, v40;
	v16 =	vmul.f32 v41, v40;
	v19 =	vld [tilespmem:s12+$0x7460];
	[tilespmem:s31+$0x13850] =	vst v23  }
0x232: {  	v37 =	vld [tilespmem:s12+$0xF460];
	[tilespmem:s31+$0x13860] =	vst v20  }
0x233: {  	v5 =	vmul.f32 v44, v40;
	v0 =	vadd.f32 v16, v0;
	v3 =	vadd.f32 v3, v4;
	v4 =	vld [tilespmem:s12+$0x7470];
	[tilespmem:s31+$0x13870] =	vst v17  }
0x234: {  	v39 =	vld [tilespmem:s12+$0xF470]  }
0x235: {  	v5 =	vadd.f32 v5, v14;
	[tilespmem:s31+$0x13C00] =	vst v0;
	v0 =	vld [tilespmem:$0x1FE30]  }
0x236: {  	v33 =	vsub.f32 v33, v47;
	v14 =	vmul.f32 v36, v40  }
0x237: {  	v1 =	vadd.f32 v6, v28;
	v6 =	vadd.f32 v25, v46;
	v25 =	vld [tilespmem:s12+$0x7800];
	[tilespmem:s31+$0x13C10] =	vst v5  }
0x238: {  	v2 =	vadd.f32 v14, v34;
	v14 =	vmul.f32 v33, v40;
	v40 =	vld [tilespmem:s12+$0xF800]  }
0x239: {  	[tilespmem:s31+$0x13C20] =	vst v1;
	v1 =	vld [tilespmem:$0x1FEA0]  }
0x23a: {  	v63 =	vsub.f32 v0, v62;
	v0 =	vld [tilespmem:$0x1FE40]  }
0x23b: {  	v12 =	vadd.f32 v12, v35;
	v5 =	vld [tilespmem:s12+$0x7810];
	[tilespmem:s31+$0x13C30] =	vst v6  }
0x23c: {  	v14 =	vadd.f32 v14, v47;
	v47 =	vld [tilespmem:s12+$0xF810];
	[tilespmem:s31+$0x13C40] =	vst v2  }
0x23d: {  	v22 =	vld [tilespmem:s12+$0x7820];
	[tilespmem:s31+$0x13C50] =	vst v12  }
0x23e: {  	v48 =	vld [tilespmem:s12+$0xF820]  }
0x23f: {  	v10 =	vmov v62;
	[tilespmem:s31+$0x13C60] =	vst v3;
	v62 =	vsub.f32 v0, v13;
	v0 =	vld [tilespmem:$0x1FE50]  }
0x240: {  	v17 =	vld [tilespmem:s12+$0x7830];
	[tilespmem:s31+$0x13C70] =	vst v14;
	s31 =	smov.u32 s12  }
0x241: {  	v49 =	vld [tilespmem:s31+$0xF830]  }
0x242: {  	v24 =	vld [tilespmem:s31+$0x7840]  }
0x243: {  	v42 =	vld [tilespmem:s31+$0xF840]  }
0x244: {  	v61 =	vsub.f32 v0, v31;
	v0 =	vld [tilespmem:$0x1FE60]  }
0x245: {  	v33 =	vld [tilespmem:s31+$0x7850]  }
0x246: {  	v45 =	vld [tilespmem:s31+$0xF850]  }
0x247: {  	v23 =	vld [tilespmem:s31+$0x7860]  }
0x248: {  	v43 =	vld [tilespmem:s31+$0xF860]  }
0x249: {  	v7 =	vmov v60;
	v60 =	vsub.f32 v0, v60;
	v0 =	vld [tilespmem:$0x1FE70]  }
0x24a: {  	v20 =	vld [tilespmem:s31+$0x7870]  }
0x24b: {  	v8 =	vld [tilespmem:s31+$0xF870]  }
0x24c: {  	v28 =	vld [tilespmem:s31+$0x7C00]  }
0x24d: {  	v41 =	vld [tilespmem:s31+$0xFC00]  }
0x24e: {  	v9 =	vmov v59;
	v59 =	vsub.f32 v0, v59;
	v0 =	vld [tilespmem:$0x1FE80]  }
0x24f: {  	v14 =	vld [tilespmem:s31+$0x7C10]  }
0x250: {  	v44 =	vld [tilespmem:s31+$0xFC10]  }
0x251: {  	v32 =	vld [tilespmem:s31+$0x7C20]  }
0x252: {  	v34 =	vld [tilespmem:s31+$0xFC20]  }
0x253: {  	v58 =	vsub.f32 v0, v57;
	v0 =	vld [tilespmem:$0x1FE90]  }
0x254: {  	p1 =	sne.s32 s0, $0x3E00;
	v46 =	vld [tilespmem:s31+$0x7C30]  }
.Ltmp6:
0x255: {  	v35 =	vld [tilespmem:s31+$0xFC30];
	(pc) =	sbr.rel @p1 .LBB2_7-.Ltmp6, $4  }
0x256: {  	v56 =	vsub.f32 v56, v15;
	v54 =	vsub.f32 v54, v27;
	v36 =	vld [tilespmem:s31+$0xFC40]  }
0x257: {  	v52 =	vmovc v15;
	v16 =	vmovc v26;
	v50 =	vsub.f32 v50, v26;
	v26 =	vmov v38;
	v15 =	vsub.f32 v29, v38;
	v38 =	vld [tilespmem:s31+$0xFC50]  }
0x258: {  	v11 =	vmovc v57;
	v6 =	vmovc v27;
	v27 =	vmov v53;
	v53 =	vsub.f32 v51, v53;
	v57 =	vsub.f32 v0, v18;
	v0 =	vld [tilespmem:s31+$0x7C40]  }
0x259: {  	s2 =	smov.u32 s0;
	s0 =	sadd.s32 $0x200, s0;
	v51 =	vsub.f32 v21, v30;
	v12 =	vmovc v18;
	v18 =	vmov v55;
	v55 =	vsub.f32 v1, v55;
	v1 =	vld [tilespmem:s31+$0x7C50]  }
0x25a: {  	s0 =	sshra.s32 s2, $0x2  }
0x25b: {  	v3 =	vld [tilespmem:s0+$0x2000];
	_ =	sdelay $0x1  }
0x25c: {  	v2 =	vld [tilespmem:s31+$0x7C60];
	_ =	sdelay $0x2  }
0x25d: {  	v29 =	vmul.f32 v63, v3  }
0x25e: {  	v21 =	vmul.f32 v62, v3  }
0x25f: {  	[tilespmem:$0x1FD90] =	vst v2;
	v60 =	vmul.f32 v60, v3;
	v2 =	vadd.f32 v29, v10  }
0x260: {  	v10 =	vmul.f32 v61, v3;
	v61 =	vadd.f32 v21, v13  }
0x261: {  	v21 =	vmul.f32 v59, v3;
	v59 =	vadd.f32 v60, v7;
	[tilespmem:s31+$0x13000] =	vst v2  }
0x262: {  	v60 =	vmul.f32 v58, v3;
	v10 =	vadd.f32 v10, v31;
	[tilespmem:s31+$0x13010] =	vst v61  }
0x263: {  	v15 =	vmul.f32 v15, v3;
	v2 =	vadd.f32 v21, v9;
	[tilespmem:s31+$0x13030] =	vst v59  }
0x264: {  	v29 =	vmov v26;
	v61 =	vmul.f32 v57, v3;
	v13 =	vadd.f32 v60, v11;
	[tilespmem:s31+$0x13020] =	vst v10  }
0x265: {  	v21 =	vmul.f32 v56, v3;
	v9 =	vadd.f32 v15, v29;
	[tilespmem:s31+$0x13040] =	vst v2  }
0x266: {  	v57 =	vmul.f32 v55, v3;
	v56 =	vadd.f32 v61, v12;
	[tilespmem:s31+$0x13050] =	vst v13  }
0x267: {  	v59 =	vmul.f32 v54, v3;
	v60 =	vmul.f32 v53, v3;
	v58 =	vadd.f32 v21, v52;
	[tilespmem:s31+$0x13440] =	vst v9  }
0x268: {  	v31 =	vsub.f32 v40, v25;
	v2 =	vadd.f32 v57, v18;
	[tilespmem:s31+$0x13060] =	vst v56  }
0x269: {  	v10 =	vadd.f32 v59, v6;
	v61 =	vmul.f32 v50, v3;
	v12 =	vadd.f32 v60, v27;
	[tilespmem:s31+$0x13070] =	vst v58  }
0x26a: {  	v13 =	vsub.f32 v37, v19;
	v18 =	vmov v4;
	v27 =	vmul.f32 v51, v3;
	[tilespmem:s31+$0x13400] =	vst v2  }
0x26b: {  	v21 =	vsub.f32 v39, v4;
	v6 =	vmul.f32 v31, v3;
	v7 =	vadd.f32 v61, v16;
	[tilespmem:s31+$0x13410] =	vst v10  }
0x26c: {  	v39 =	vsub.f32 v48, v22;
	[tilespmem:s31+$0x13420] =	vst v12;
	v2 =	vmul.f32 v13, v3;
	v10 =	vadd.f32 v27, v30  }
0x26d: {  	v63 =	vld [tilespmem:s31+$0xFC60];
	v37 =	vsub.f32 v47, v5;
	v4 =	vmul.f32 v21, v3;
	v6 =	vadd.f32 v6, v25;
	[tilespmem:s31+$0x13430] =	vst v7  }
0x26e: {  	v40 =	vsub.f32 v49, v17;
	v57 =	vld [tilespmem:$0x1FD90];
	v9 =	vmul.f32 v39, v3;
	v2 =	vadd.f32 v2, v19;
	[tilespmem:s31+$0x13450] =	vst v10  }
0x26f: {  	v49 =	vsub.f32 v43, v23;
	v4 =	vadd.f32 v4, v18;
	v7 =	vmul.f32 v37, v3;
	[tilespmem:s31+$0x13800] =	vst v6  }
0x270: {  	v47 =	vsub.f32 v42, v24;
	v10 =	vmul.f32 v40, v3;
	v9 =	vadd.f32 v9, v22;
	[tilespmem:s31+$0x13460] =	vst v2  }
0x271: {  	v62 =	vld [tilespmem:s31+$0xFC70];
	v48 =	vsub.f32 v45, v33;
	v6 =	vmul.f32 v49, v3;
	v7 =	vadd.f32 v7, v5;
	[tilespmem:s31+$0x13470] =	vst v4  }
0x272: {  	v26 =	vld [tilespmem:s31+$0x7C70];
	v51 =	vsub.f32 v41, v28;
	v2 =	vmul.f32 v47, v3;
	v10 =	vadd.f32 v10, v17;
	[tilespmem:s31+$0x13820] =	vst v9  }
0x273: {  	v58 =	vsub.f32 v63, v57;
	v4 =	vmul.f32 v48, v3;
	v6 =	vadd.f32 v6, v23;
	[tilespmem:s31+$0x13810] =	vst v7  }
0x274: {  	v50 =	vsub.f32 v8, v20;
	v9 =	vmul.f32 v51, v3;
	v2 =	vadd.f32 v2, v24;
	[tilespmem:s31+$0x13830] =	vst v10  }
0x275: {  	v52 =	vsub.f32 v44, v14;
	v60 =	vmul.f32 v58, v3;
	v4 =	vadd.f32 v4, v33;
	[tilespmem:s31+$0x13860] =	vst v6  }
0x276: {  	v55 =	vsub.f32 v36, v0;
	v7 =	vmul.f32 v50, v3;
	v9 =	vadd.f32 v9, v28;
	[tilespmem:s31+$0x13840] =	vst v2  }
0x277: {  	v59 =	vsub.f32 v62, v26;
	v10 =	vmul.f32 v52, v3;
	v63 =	vadd.f32 v60, v57;
	[tilespmem:s31+$0x13850] =	vst v4  }
0x278: {  	v53 =	vsub.f32 v34, v32;
	v6 =	vmul.f32 v55, v3;
	v7 =	vadd.f32 v7, v20;
	[tilespmem:s31+$0x13C00] =	vst v9  }
0x279: {  	v54 =	vsub.f32 v35, v46;
	v61 =	vmul.f32 v59, v3;
	v10 =	vadd.f32 v10, v14;
	[tilespmem:s31+$0x13C60] =	vst v63  }
0x27a: {  	v56 =	vsub.f32 v38, v1;
	v2 =	vmul.f32 v53, v3;
	v6 =	vadd.f32 v6, v0;
	[tilespmem:s31+$0x13870] =	vst v7  }
0x27b: {  	v4 =	vmul.f32 v54, v3;
	v0 =	vadd.f32 v61, v26;
	[tilespmem:s31+$0x13C10] =	vst v10  }
.Ltmp7:
0x27c: {  	v2 =	vadd.f32 v2, v32;
	v7 =	vmul.f32 v56, v3;
	[tilespmem:s31+$0x13C40] =	vst v6;
	(pc) =	sbr.rel @p0 .LBB2_10-.Ltmp7, $4  }
0x27d: {  	v4 =	vadd.f32 v4, v46;
	[tilespmem:s31+$0x13C70] =	vst v0  }
0x27e: {  	[tilespmem:s31+$0x13C20] =	vst v2;
	v62 =	vadd.f32 v7, v1  }
0x27f: {  	[tilespmem:s31+$0x13C30] =	vst v4  }
0x280: {  	[tilespmem:s31+$0x13C50] =	vst v62  }
0x281: {  	s0 =	sadd.s32 $0x60, s29  }
0x282: {  	s0 =	sshll.u32 s0, $0x4  }
0x283: {  	s2 =	simm.s32 $0x2000;
	s0 =	sadd.s32 s4, s0  }
0x284: {  	[tilespmem:s2], [sflag:$0x2] =	stream.linear.gather [hbm4b:s0+s3], $0x1000, $0x38;
	[tilespmem:$0x17000] =	vst v63  }
0x285: {  	v0 =	vld [tilespmem:s29+$0x60];
	_ =	sdelay $0x2  }
0x286: {  	v2 =	vld [tilespmem:$0x1FFD0];
	_ =	sdelay $0x1  }
0x287: {  	v3 =	vld [tilespmem:$0x1FFE0];
	v1 =	vshll.u32 v0, $0x2  }
0x288: {  	v0 =	vand.u32 $0x7, v0;
	v1 =	vand.u32 $0xFFFFFFE0, v1  }
0x289: {  	v4 =	vld [tilespmem:$0x1FFF0];
	v0 =	vor.u32 v0, v1  }
0x28a: {  	v1 =	vperm.xlane v0, v2;
	_ =	sdelay $0x1  }
0x28b: {  	v1 =	vadd.s32 v3, v1;
	_ =	sdelay $0x1  }
0x28c: {  	v0 =	vperm.xlane v0, v4;
	_ =	sdelay $0x1  }
0x28d: {  	s11 =	simm.s32 $0x7000;
	v0 =	vadd.s32 v3, v0  }
0x28e: {  	[tilespmem:s11], [sflag:$0x2] =	stream.indirect_vreg.gather [hbm4b:s1+s3], $0x80, v1, vm0, $0xb8;
	[tilespmem:$0x17000] =	vst v63  }
0x28f: {  	s12 =	simm.s32 $0x7800  }
0x290: {  	[tilespmem:s12], [sflag:$0x2] =	stream.indirect_vreg.gather [hbm4b:s7+s3], $0x80, v1, vm0, $0xb8;
	[tilespmem:$0x17000] =	vst v63  }
0x291: {  	s14 =	simm.s32 $0x8000  }
0x292: {  	[tilespmem:s14], [sflag:$0x2] =	stream.indirect_vreg.gather [hbm4b:s1+s3], $0x80, v0, vm0, $0xb8;
	[tilespmem:$0x17000] =	vst v63  }
0x293: {  	s31 =	simm.s32 $0x8800  }
0x294: {  	[tilespmem:s31], [sflag:$0x2] =	stream.indirect_vreg.gather [hbm4b:s7+s3], $0x80, v0, vm0, $0xb8;
	[tilespmem:$0x17000] =	vst v63  }
0x295: {  	v0 =	vld [tilespmem:s29+$0x70];
	_ =	sdelay $0x4  }
0x296: {  	v61 =	vshll.u32 v0, $0x2  }
0x297: {  	v0 =	vand.u32 $0x7, v0;
	v1 =	vand.u32 $0xFFFFFFE0, v61  }
0x298: {  	v0 =	vor.u32 v0, v1  }
0x299: {  	v1 =	vperm.xlane v0, v2;
	_ =	sdelay $0x1  }
0x29a: {  	v1 =	vadd.s32 v3, v1;
	_ =	sdelay $0x1  }
0x29b: {  	v0 =	vperm.xlane v0, v4;
	_ =	sdelay $0x1  }
0x29c: {  	v0 =	vadd.s32 v3, v0  }
0x29d: {  	[tilespmem:s6], [sflag:$0x2] =	stream.indirect_vreg.gather [hbm4b:s1+s3], $0x80, v1, vm0, $0xb8;
	[tilespmem:$0x17000] =	vst v63  }
0x29e: {  	_ = 	snop  }
0x29f: {  	[tilespmem:s8], [sflag:$0x2] =	stream.indirect_vreg.gather [hbm4b:s7+s3], $0x80, v1, vm0, $0xb8;
	[tilespmem:$0x17000] =	vst v63  }
0x2a0: {  	_ = 	snop  }
0x2a1: {  	[tilespmem:s10], [sflag:$0x2] =	stream.indirect_vreg.gather [hbm4b:s1+s3], $0x80, v0, vm0, $0xb8;
	[tilespmem:$0x17000] =	vst v63  }
0x2a2: {  	_ = 	snop  }
0x2a3: {  	[tilespmem:s15], [sflag:$0x2] =	stream.indirect_vreg.gather [hbm4b:s7+s3], $0x80, v0, vm0, $0xb8;
	[tilespmem:$0x17000] =	vst v63  }
0x2a4: {  	v0 =	vld [tilespmem:s29+$0x860];
	_ =	sdelay $0x4  }
0x2a5: {  	v62 =	vshll.u32 v0, $0x2  }
0x2a6: {  	v0 =	vand.u32 $0x7, v0;
	v1 =	vand.u32 $0xFFFFFFE0, v62  }
0x2a7: {  	v0 =	vor.u32 v0, v1  }
0x2a8: {  	v1 =	vperm.xlane v0, v2;
	_ =	sdelay $0x1  }
0x2a9: {  	v1 =	vadd.s32 v3, v1;
	_ =	sdelay $0x1  }
0x2aa: {  	v0 =	vperm.xlane v0, v4;
	_ =	sdelay $0x1  }
0x2ab: {  	v0 =	vadd.s32 v3, v0  }
0x2ac: {  	[tilespmem:s16], [sflag:$0x2] =	stream.indirect_vreg.gather [hbm4b:s1+s3], $0x80, v1, vm0, $0xb8;
	[tilespmem:$0x17000] =	vst v63  }
0x2ad: {  	_ = 	snop  }
0x2ae: {  	[tilespmem:s17], [sflag:$0x2] =	stream.indirect_vreg.gather [hbm4b:s7+s3], $0x80, v1, vm0, $0xb8;
	[tilespmem:$0x17000] =	vst v63  }
0x2af: {  	_ = 	snop  }
0x2b0: {  	[tilespmem:s18], [sflag:$0x2] =	stream.indirect_vreg.gather [hbm4b:s1+s3], $0x80, v0, vm0, $0xb8;
	[tilespmem:$0x17000] =	vst v63  }
0x2b1: {  	_ = 	snop  }
0x2b2: {  	[tilespmem:s19], [sflag:$0x2] =	stream.indirect_vreg.gather [hbm4b:s7+s3], $0x80, v0, vm0, $0xb8;
	[tilespmem:$0x17000] =	vst v63  }
0x2b3: {  	v0 =	vld [tilespmem:s29+$0x870];
	_ =	sdelay $0x4  }
0x2b4: {  	v63 =	vshll.u32 v0, $0x2  }
0x2b5: {  	v0 =	vand.u32 $0x7, v0;
	v1 =	vand.u32 $0xFFFFFFE0, v63  }
0x2b6: {  	v0 =	vor.u32 v0, v1  }
0x2b7: {  	v1 =	vperm.xlane v0, v2;
	_ =	sdelay $0x1  }
0x2b8: {  	v1 =	vadd.s32 v3, v1;
	_ =	sdelay $0x2  }
0x2b9: {  	v0 =	vperm.xlane v0, v4;
	_ =	sdelay $0x1  }
0x2ba: {  	v0 =	vadd.s32 v3, v0;
	[tilespmem:s20], [sflag:$0x2] =	stream.indirect_vreg.gather [hbm4b:s1+s3], $0x80, v1, vm0, $0xb8;
	[tilespmem:$0x17000] =	vst v63  }
0x2bb: {  	_ = 	snop  }
0x2bc: {  	[tilespmem:s21], [sflag:$0x2] =	stream.indirect_vreg.gather [hbm4b:s7+s3], $0x80, v1, vm0, $0xb8;
	[tilespmem:$0x17000] =	vst v63  }
.Ltmp8:
0x2bd: {  	_ = 	snop;
	(pc) =	sbr.rel .LBB2_10-.Ltmp8, $4  }
0x2be: {  	_ = 	snop  }
0x2bf: {  	[tilespmem:s22], [sflag:$0x2] =	stream.indirect_vreg.gather [hbm4b:s1+s3], $0x80, v0, vm0, $0xb8;
	[tilespmem:$0x17000] =	vst v63  }
0x2c0: {  	_ = 	snop  }
0x2c1: {  	[tilespmem:s23], [sflag:$0x2] =	stream.indirect_vreg.gather [hbm4b:s7+s3], $0x80, v0, vm0, $0xb8;
	[tilespmem:$0x17000] =	vst v63  }
.LBB2_12:
0x2c2: {  	_ =	sfence.sel $0x180000  }
0x2c3: {  	[bflag:$0x0] =	sbarrier.arrive $0xFFFF  }
0x2c4: {  	_ =	strace $0x90000047  }
0x2c5: {  	s0 =	stileid.u32;
	[bflag:$0x2] =	sbarrier.arrive $0xFFFF  }
0x2c6: {  	p0 =	sne.s32 s0, $0x0;
	s0 =	rddreg [dreg:$0x3]  }
0x2c7: {  	s0 =	sadd.s32 @!p0 $0x100000, s0  }
0x2c8: {  	[sflag:s0] =	ssyncadd.tile.s32 @!p0 $0x1;
	_ =	shalt  }
.Lfunc_end2:
_tile_overlayer_lowered:
.L_overlay_start_2:
0x2c9: {  	(tag) =	ssettag $0x2  }
0x2ca: {  	s0 =	rddreg [dreg:$0x0];
	s2 =	stileid.u32  }
0x2cb: {  	s1 =	rddreg [dreg:$0x1];
	p0 =	sne.s32 s2, $0x0  }
0x2cc: {  	s3 =	rddreg [dreg:$0x2];
	[bflag:$0x3] =	sbarrier.arrive $0xFFFF;
	s2 =	simm.s32 @!p0 $0x1C03  }
0x2cd: {  	[timem:s3], [sflag:s2] =	dma.local @!p0 [hbm:s0], s1  }
0x2ce: {  	s0 =	simm.s32 @!p0 $0x3  }
0x2cf: {  	_ =	swait.ge @!p0 [sflag:s0], s1  }
0x2d0: {  	s1 =	ssub.s32 @!p0 $0x0, s1;
	[sflag:s0] =	ssyncset.done @!p0 $0x0  }
0x2d1: {  	[sflag:s0] =	ssyncadd.s32 @!p0 s1  }
0x2d2: {  	[bflag:$0x3] =	sbarrier.arrive $0xFFFF  }
0x2d3: {  	_ =	shalt  }

</sc_bundles>
